<compile_context>
chip_gen: v7x
topology: tpu7x:2x2x1
jax: 0.10.2.dev20260603
libtpu: 0.0.44.dev20260713+nightly
codegen_flags: <defaults>
</compile_context>

<pallas_src>
import jax
import jax.numpy as jnp
from jax import lax
from jax.experimental import pallas as pl
from jax.experimental.pallas import tpu as pltpu
from jax.experimental.pallas import tpu_sc as plsc

N_NODES = 10000
D = 128
N_EDGES = 320000

NUM_CORES = 2
NUM_SUBCORES = 16
NUM_WORKERS = NUM_CORES * NUM_SUBCORES
CHUNK = 125
CHUNKS_PER_WORKER = N_EDGES // (NUM_WORKERS * CHUNK)
CHUNKS_PER_STAGE = 16

ACC_ROWS = 10240
ROWS_PER_TILE = ACC_ROWS // NUM_SUBCORES
ZROWS = 80


def _sc_body(x_hbm, edges_hbm, out_hbm, ei_a, ei_b, rows_a, rows_b,
             acc, sem_a, sem_b, sem_ia, sem_ib):
    c = lax.axis_index("c")
    s = lax.axis_index("s")
    wid = s * NUM_CORES + c
    x2 = x_hbm.at[0].at[0]

    def _stage_base(stage):
        return wid * CHUNKS_PER_WORKER + stage * CHUNKS_PER_STAGE

    def _idx_copy(stage, ei, sem):
        return pltpu.make_async_copy(
            edges_hbm.at[pl.ds(0, 2),
                         pl.ds(_stage_base(stage), CHUNKS_PER_STAGE)],
            ei, sem)

    _idx_copy(0, ei_a, sem_ia).start()
    zeros16 = jnp.zeros((16,), jnp.float32)

    @pl.loop(0, ZROWS)
    def _zero_row(r):
        for j in range(D // 16):
            rows_a[r, pl.ds(j * 16, 16)] = zeros16

    for j in range(ROWS_PER_TILE // ZROWS):
        pltpu.sync_copy(rows_a.at[pl.ds(0, ZROWS)],
                        acc.at[pl.ds(s * ROWS_PER_TILE + j * ZROWS, ZROWS)])
    plsc.subcore_barrier()

    n_stages = CHUNKS_PER_WORKER // CHUNKS_PER_STAGE
    last = CHUNKS_PER_STAGE - 2

    for stage in range(n_stages):
        even = stage % 2 == 0
        ei, sem = (ei_a, sem_ia) if even else (ei_b, sem_ib)
        _idx_copy(stage, ei, sem).wait()
        if stage + 1 < n_stages:
            _idx_copy(stage + 1, ei_b if even else ei_a,
                      sem_ib if even else sem_ia).start()
        pltpu.async_copy(x2.at[ei.at[0, 0]], rows_a, sem_a)

        @pl.loop(0, last, step=2)
        def _edges(k):
            pltpu.make_async_copy(x2.at[ei.at[0, k]], rows_a, sem_a).wait()
            pltpu.async_copy(x2.at[ei.at[0, k + 1]], rows_b, sem_b)
            pltpu.sync_copy(rows_a, acc.at[ei.at[1, k]], add=True)
            pltpu.make_async_copy(x2.at[ei.at[0, k + 1]], rows_b,
                                  sem_b).wait()
            pltpu.async_copy(x2.at[ei.at[0, k + 2]], rows_a, sem_a)
            pltpu.sync_copy(rows_b, acc.at[ei.at[1, k + 1]], add=True)

        pltpu.make_async_copy(x2.at[ei.at[0, last]], rows_a, sem_a).wait()
        pltpu.async_copy(x2.at[ei.at[0, last + 1]], rows_b, sem_b)
        pltpu.sync_copy(rows_a, acc.at[ei.at[1, last]], add=True)
        pltpu.make_async_copy(x2.at[ei.at[0, last + 1]], rows_b,
                              sem_b).wait()
        pltpu.sync_copy(rows_b, acc.at[ei.at[1, last + 1]], add=True)

    plsc.subcore_barrier()

    pltpu.sync_copy(
        acc.at[pl.ds(s * ROWS_PER_TILE, ROWS_PER_TILE)],
        out_hbm.at[c, pl.ds(s * ROWS_PER_TILE, ROWS_PER_TILE)])


_sc_scatter = pl.kernel(
    _sc_body,
    out_type=jax.ShapeDtypeStruct((NUM_CORES, ACC_ROWS, D), jnp.float32),
    mesh=plsc.VectorSubcoreMesh(core_axis_name="c", subcore_axis_name="s"),
    scratch_types=[
        pltpu.VMEM((2, CHUNKS_PER_STAGE, CHUNK), jnp.int32),
        pltpu.VMEM((2, CHUNKS_PER_STAGE, CHUNK), jnp.int32),
        pltpu.VMEM((CHUNK, D), jnp.float32),
        pltpu.VMEM((CHUNK, D), jnp.float32),
        pltpu.VMEM_SHARED((ACC_ROWS, D), jnp.float32),
        pltpu.SemaphoreType.DMA,
        pltpu.SemaphoreType.DMA,
        pltpu.SemaphoreType.DMA,
        pltpu.SemaphoreType.DMA,
    ],
)

_CB = 1000


def _combine_body(a_ref, b_ref, o_ref):
    o_ref[...] = a_ref[0] + b_ref[0]


_combine = pl.pallas_call(
    _combine_body,
    grid=(N_NODES // _CB,),
    in_specs=[
        pl.BlockSpec((1, _CB, D), lambda i: (0, i, 0)),
        pl.BlockSpec((1, _CB, D), lambda i: (1, i, 0)),
    ],
    out_specs=pl.BlockSpec((_CB, D), lambda i: (i, 0)),
    out_shape=jax.ShapeDtypeStruct((N_NODES, D), jnp.float32),
)


@jax.jit
def kernel(x, edge_index):
    edges = edge_index.reshape(2, N_EDGES // CHUNK, CHUNK)
    partials = _sc_scatter(x, edges)
    out = _combine(partials, partials)
    return out.reshape(x.shape)

# --- scband reference (transcript-rebuilt; emitter-appended) ---
"""Pipeline reference for scband-message-passing-7499012899234 (READ-ONLY COPY).

The authoritative reference and input builder live on the scoring server;
editing this copy changes nothing except your own understanding.
"""

import jax, jax.numpy as jnp
import numpy as np

N_NODES = 10000
N_EDGES = 320000
D_FEAT = 128


def setup_inputs(seed: int = 0) -> dict:
    key = jax.random.key(seed)
    kx, ke = jax.random.split(key)
    x = jax.random.normal(kx, (1, 1, N_NODES, D_FEAT), dtype=jnp.float32)
    edge_index = jax.random.randint(ke, (2, N_EDGES), 0, N_NODES, dtype=jnp.int32)
    return {"x": x, "edge_index": edge_index}


def reference(x, edge_index):
    # Faithful translation of MessagePassing.propagate with aggr='add',
    # edge_index path, no edge_weight, identity message/update.
    src = edge_index[0]
    dst = edge_index[1]
    # msg = x[:, :, src, :]  -> gather along node axis
    msg = jnp.take(x, src, axis=2)  # [B, T, E, F]
    # scatter-add messages into dst nodes along axis 2
    out = jnp.zeros(x.shape, dtype=x.dtype).at[:, :, dst, :].add(msg)
    return out

if __name__ == "__main__":
    import jax
    _d = setup_inputs()
    print(jax.jit(kernel)(*tuple(_d.values())))

</pallas_src>

<mosaic_0001>
#map = affine_map<(d0, d1) -> (0, 0, 0, 0)>
#map1 = affine_map<(d0, d1) -> (0, 0, 0)>
module attributes {stable_mosaic.version = 14 : i64} {
  func.func @_sc_body(%arg0: i32, %arg1: i32, %arg2: memref<1x1x10000x128xf32, #tpu.memory_space<hbm>>, %arg3: memref<2x2560x125xi32, #tpu.memory_space<hbm>>, %arg4: memref<2x10240x128xf32, #tpu.memory_space<hbm>>, %arg5: memref<2x16x125xi32, #tpu.memory_space<vmem>>, %arg6: memref<2x16x125xi32, #tpu.memory_space<vmem>>, %arg7: memref<125x128xf32, #tpu.memory_space<vmem>>, %arg8: memref<125x128xf32, #tpu.memory_space<vmem>>, %arg9: memref<10240x128xf32, #tpu.memory_space<vmem_shared>>, %arg10: memref<!tpu.dma_semaphore, #tpu.memory_space<semaphore_mem>>, %arg11: memref<!tpu.dma_semaphore, #tpu.memory_space<semaphore_mem>>, %arg12: memref<!tpu.dma_semaphore, #tpu.memory_space<semaphore_mem>>, %arg13: memref<!tpu.dma_semaphore, #tpu.memory_space<semaphore_mem>>) attributes {dimension_semantics = [#tpu.dimension_semantics<core_parallel>, #tpu.dimension_semantics<subcore_parallel>], iteration_bounds = array<i64: 2, 16>, scalar_prefetch = 0 : i64, scratch_operands = 9 : i64, tpu.core_type = #tpu.core_type<sc_vector_subcore>, window_params = [{transform_indices = #map}, {transform_indices = #map1}, {transform_indices = #map1}]} {
    %mul3A = arith.constant 2 : i32
    %mul3A_0 = arith.muli %arg1, %mul3A : i32
    %add3A = arith.addi %mul3A_0, %arg0 : i32
    %mul3A_1 = arith.constant 80 : i32
    %mul3A_2 = arith.muli %add3A, %mul3A_1 : i32
    %add3A_3 = arith.constant 0 : i32
    %add3A_4 = arith.addi %mul3A_2, %add3A_3 : i32
    %dma_start3A = arith.constant 0 : i32
    %dma_start3A_5 = arith.constant 0 : i32
    %dma_start3A_6 = tpu.memref_slice %arg3[%dma_start3A, %add3A_4, %dma_start3A_5] : memref<2x2560x125xi32, #tpu.memory_space<hbm>> -> memref<2x16x125xi32, #tpu.memory_space<hbm>>
    %dma_start3A_7 = arith.constant 0 : i32
    %dma_start3A_8 = arith.constant 0 : i32
    %dma_start3A_9 = tpu.memref_slice %arg3[%dma_start3A_7, %add3A_4, %dma_start3A_8] : memref<2x2560x125xi32, #tpu.memory_space<hbm>> -> memref<2x16x125xi32, #tpu.memory_space<hbm>>
    tpu.enqueue_dma source(%dma_start3A_9 : memref<2x16x125xi32, #tpu.memory_space<hbm>>) target(%arg5 : memref<2x16x125xi32, #tpu.memory_space<vmem>>) target_semaphore(%arg12 : memref<!tpu.dma_semaphore, #tpu.memory_space<semaphore_mem>>)
    %broadcast_in_dim3A = arith.constant 0.000000e+00 : f32
    %broadcast_in_dim3A_10 = vector.broadcast %broadcast_in_dim3A : f32 to vector<16xf32>
    %scan3A = arith.constant 0 : i32
    %scan3A_11 = arith.constant 80 : i32
    %scan3A_12 = arith.addi %scan3A, %scan3A_11 : i32
    %scan3A_13 = arith.constant 1 : i32
    scf.for %scan3A_575 = %scan3A to %scan3A_12 step %scan3A_13  : i32 {
      %mul3A_576 = arith.constant 1 : i32
      %mul3A_577 = arith.muli %scan3A_575, %mul3A_576 : i32
      %add3A_578 = arith.constant 0 : i32
      %add3A_579 = arith.addi %add3A_578, %mul3A_577 : i32
      %swap3A = arith.index_cast %add3A_579 : i32 to index
      %swap3A_580 = arith.constant 0 : index
      %swap3A_581 = tpu.vector_load %arg7[%swap3A, %swap3A_580] {strides = array<i32>} : memref<125x128xf32, #tpu.memory_space<vmem>>, vector<1x16xf32>,
      %swap3A_582 = vector.shape_cast %swap3A_581 : vector<1x16xf32> to vector<16xf32>
      %swap3A_583 = vector.shape_cast %broadcast_in_dim3A_10 : vector<16xf32> to vector<1x16xf32>
      tpu.vector_store %arg7[%swap3A, %swap3A_580], %swap3A_583 {strides = array<i32>} : memref<125x128xf32, #tpu.memory_space<vmem>>, vector<1x16xf32>,
      %swap3A_584 = arith.index_cast %add3A_579 : i32 to index
      %swap3A_585 = arith.constant 16 : index
      %swap3A_586 = tpu.vector_load %arg7[%swap3A_584, %swap3A_585] {strides = array<i32>} : memref<125x128xf32, #tpu.memory_space<vmem>>, vector<1x16xf32>,
      %swap3A_587 = vector.shape_cast %swap3A_586 : vector<1x16xf32> to vector<16xf32>
      %swap3A_588 = vector.shape_cast %broadcast_in_dim3A_10 : vector<16xf32> to vector<1x16xf32>
      tpu.vector_store %arg7[%swap3A_584, %swap3A_585], %swap3A_588 {strides = array<i32>} : memref<125x128xf32, #tpu.memory_space<vmem>>, vector<1x16xf32>,
      %swap3A_589 = arith.index_cast %add3A_579 : i32 to index
      %swap3A_590 = arith.constant 32 : index
      %swap3A_591 = tpu.vector_load %arg7[%swap3A_589, %swap3A_590] {strides = array<i32>} : memref<125x128xf32, #tpu.memory_space<vmem>>, vector<1x16xf32>,
      %swap3A_592 = vector.shape_cast %swap3A_591 : vector<1x16xf32> to vector<16xf32>
      %swap3A_593 = vector.shape_cast %broadcast_in_dim3A_10 : vector<16xf32> to vector<1x16xf32>
      tpu.vector_store %arg7[%swap3A_589, %swap3A_590], %swap3A_593 {strides = array<i32>} : memref<125x128xf32, #tpu.memory_space<vmem>>, vector<1x16xf32>,
      %swap3A_594 = arith.index_cast %add3A_579 : i32 to index
      %swap3A_595 = arith.constant 48 : index
      %swap3A_596 = tpu.vector_load %arg7[%swap3A_594, %swap3A_595] {strides = array<i32>} : memref<125x128xf32, #tpu.memory_space<vmem>>, vector<1x16xf32>,
      %swap3A_597 = vector.shape_cast %swap3A_596 : vector<1x16xf32> to vector<16xf32>
      %swap3A_598 = vector.shape_cast %broadcast_in_dim3A_10 : vector<16xf32> to vector<1x16xf32>
      tpu.vector_store %arg7[%swap3A_594, %swap3A_595], %swap3A_598 {strides = array<i32>} : memref<125x128xf32, #tpu.memory_space<vmem>>, vector<1x16xf32>,
      %swap3A_599 = arith.index_cast %add3A_579 : i32 to index
      %swap3A_600 = arith.constant 64 : index
      %swap3A_601 = tpu.vector_load %arg7[%swap3A_599, %swap3A_600] {strides = array<i32>} : memref<125x128xf32, #tpu.memory_space<vmem>>, vector<1x16xf32>,
      %swap3A_602 = vector.shape_cast %swap3A_601 : vector<1x16xf32> to vector<16xf32>
      %swap3A_603 = vector.shape_cast %broadcast_in_dim3A_10 : vector<16xf32> to vector<1x16xf32>
      tpu.vector_store %arg7[%swap3A_599, %swap3A_600], %swap3A_603 {strides = array<i32>} : memref<125x128xf32, #tpu.memory_space<vmem>>, vector<1x16xf32>,
      %swap3A_604 = arith.index_cast %add3A_579 : i32 to index
      %swap3A_605 = arith.constant 80 : index
      %swap3A_606 = tpu.vector_load %arg7[%swap3A_604, %swap3A_605] {strides = array<i32>} : memref<125x128xf32, #tpu.memory_space<vmem>>, vector<1x16xf32>,
      %swap3A_607 = vector.shape_cast %swap3A_606 : vector<1x16xf32> to vector<16xf32>
      %swap3A_608 = vector.shape_cast %broadcast_in_dim3A_10 : vector<16xf32> to vector<1x16xf32>
      tpu.vector_store %arg7[%swap3A_604, %swap3A_605], %swap3A_608 {strides = array<i32>} : memref<125x128xf32, #tpu.memory_space<vmem>>, vector<1x16xf32>,
      %swap3A_609 = arith.index_cast %add3A_579 : i32 to index
      %swap3A_610 = arith.constant 96 : index
      %swap3A_611 = tpu.vector_load %arg7[%swap3A_609, %swap3A_610] {strides = array<i32>} : memref<125x128xf32, #tpu.memory_space<vmem>>, vector<1x16xf32>,
      %swap3A_612 = vector.shape_cast %swap3A_611 : vector<1x16xf32> to vector<16xf32>
      %swap3A_613 = vector.shape_cast %broadcast_in_dim3A_10 : vector<16xf32> to vector<1x16xf32>
      tpu.vector_store %arg7[%swap3A_609, %swap3A_610], %swap3A_613 {strides = array<i32>} : memref<125x128xf32, #tpu.memory_space<vmem>>, vector<1x16xf32>,
      %swap3A_614 = arith.index_cast %add3A_579 : i32 to index
      %swap3A_615 = arith.constant 112 : index
      %swap3A_616 = tpu.vector_load %arg7[%swap3A_614, %swap3A_615] {strides = array<i32>} : memref<125x128xf32, #tpu.memory_space<vmem>>, vector<1x16xf32>,
      %swap3A_617 = vector.shape_cast %swap3A_616 : vector<1x16xf32> to vector<16xf32>
      %swap3A_618 = vector.shape_cast %broadcast_in_dim3A_10 : vector<16xf32> to vector<1x16xf32>
      tpu.vector_store %arg7[%swap3A_614, %swap3A_615], %swap3A_618 {strides = array<i32>} : memref<125x128xf32, #tpu.memory_space<vmem>>, vector<1x16xf32>,
    }
    %scan3A_14 = arith.constant 80 : i32
    %mul3A_15 = arith.constant 640 : i32
    %mul3A_16 = arith.muli %arg1, %mul3A_15 : i32
    %add3A_17 = arith.constant 0 : i32
    %add3A_18 = arith.addi %mul3A_16, %add3A_17 : i32
    "tpu.region"() ({
      %run_scoped3A_575 = tpu.sem_alloc : memref<!tpu.dma_semaphore, #tpu.memory_space<semaphore_mem>>
      %dma_start3A_576 = arith.constant 0 : i32
      %dma_start3A_577 = arith.constant 0 : i32
      %dma_start3A_578 = tpu.memref_slice %arg7[%dma_start3A_576, %dma_start3A_577] : memref<125x128xf32, #tpu.memory_space<vmem>> -> memref<80x128xf32, #tpu.memory_space<vmem>>
      %dma_start3A_579 = arith.constant 0 : i32
      %dma_start3A_580 = tpu.memref_slice %arg9[%add3A_18, %dma_start3A_579] : memref<10240x128xf32, #tpu.memory_space<vmem_shared>> -> memref<80x128xf32, #tpu.memory_space<vmem_shared>>
      %dma_start3A_581 = arith.constant 0 : i32
      %dma_start3A_582 = tpu.memref_slice %arg9[%add3A_18, %dma_start3A_581] : memref<10240x128xf32, #tpu.memory_space<vmem_shared>> -> memref<80x128xf32, #tpu.memory_space<vmem_shared>>
      %dma_start3A_583 = arith.constant 0 : i32
      %dma_start3A_584 = arith.constant 0 : i32
      %dma_start3A_585 = tpu.memref_slice %arg7[%dma_start3A_583, %dma_start3A_584] : memref<125x128xf32, #tpu.memory_space<vmem>> -> memref<80x128xf32, #tpu.memory_space<vmem>>
      tpu.enqueue_dma source(%dma_start3A_585 : memref<80x128xf32, #tpu.memory_space<vmem>>) target(%dma_start3A_582 : memref<80x128xf32, #tpu.memory_space<vmem_shared>>) target_semaphore(%run_scoped3A_575 : memref<!tpu.dma_semaphore, #tpu.memory_space<semaphore_mem>>)
      %dma_wait3A_586 = arith.constant 0 : i32
      %dma_wait3A_587 = arith.constant 0 : i32
      %dma_wait3A_588 = tpu.memref_slice %arg7[%dma_wait3A_586, %dma_wait3A_587] : memref<125x128xf32, #tpu.memory_space<vmem>> -> memref<80x128xf32, #tpu.memory_space<vmem>>
      %dma_wait3A_589 = arith.constant 0 : i32
      %dma_wait3A_590 = tpu.memref_slice %arg9[%add3A_18, %dma_wait3A_589] : memref<10240x128xf32, #tpu.memory_space<vmem_shared>> -> memref<80x128xf32, #tpu.memory_space<vmem_shared>>
      %dma_wait3A_591 = arith.constant 0 : i32
      %dma_wait3A_592 = tpu.memref_slice %arg9[%add3A_18, %dma_wait3A_591] : memref<10240x128xf32, #tpu.memory_space<vmem_shared>> -> memref<80x128xf32, #tpu.memory_space<vmem_shared>>
      %dma_wait3A_593 = arith.constant 0 : i32
      %dma_wait3A_594 = arith.constant 0 : i32
      %dma_wait3A_595 = tpu.memref_slice %arg7[%dma_wait3A_593, %dma_wait3A_594] : memref<125x128xf32, #tpu.memory_space<vmem>> -> memref<80x128xf32, #tpu.memory_space<vmem>>
      tpu.wait_dma2 semaphore(%run_scoped3A_575 : memref<!tpu.dma_semaphore, #tpu.memory_space<semaphore_mem>>) src(%dma_wait3A_595 : memref<80x128xf32, #tpu.memory_space<vmem>>) dst(%dma_wait3A_592 : memref<80x128xf32, #tpu.memory_space<vmem_shared>>)
      tpu.yield
    }) : () -> ()
    %mul3A_19 = arith.constant 640 : i32
    %mul3A_20 = arith.muli %arg1, %mul3A_19 : i32
    %add3A_21 = arith.constant 80 : i32
    %add3A_22 = arith.addi %mul3A_20, %add3A_21 : i32
    "tpu.region"() ({
      %run_scoped3A_575 = tpu.sem_alloc : memref<!tpu.dma_semaphore, #tpu.memory_space<semaphore_mem>>
      %dma_start3A_576 = arith.constant 0 : i32
      %dma_start3A_577 = arith.constant 0 : i32
      %dma_start3A_578 = tpu.memref_slice %arg7[%dma_start3A_576, %dma_start3A_577] : memref<125x128xf32, #tpu.memory_space<vmem>> -> memref<80x128xf32, #tpu.memory_space<vmem>>
      %dma_start3A_579 = arith.constant 0 : i32
      %dma_start3A_580 = tpu.memref_slice %arg9[%add3A_22, %dma_start3A_579] : memref<10240x128xf32, #tpu.memory_space<vmem_shared>> -> memref<80x128xf32, #tpu.memory_space<vmem_shared>>
      %dma_start3A_581 = arith.constant 0 : i32
      %dma_start3A_582 = tpu.memref_slice %arg9[%add3A_22, %dma_start3A_581] : memref<10240x128xf32, #tpu.memory_space<vmem_shared>> -> memref<80x128xf32, #tpu.memory_space<vmem_shared>>
      %dma_start3A_583 = arith.constant 0 : i32
      %dma_start3A_584 = arith.constant 0 : i32
      %dma_start3A_585 = tpu.memref_slice %arg7[%dma_start3A_583, %dma_start3A_584] : memref<125x128xf32, #tpu.memory_space<vmem>> -> memref<80x128xf32, #tpu.memory_space<vmem>>
      tpu.enqueue_dma source(%dma_start3A_585 : memref<80x128xf32, #tpu.memory_space<vmem>>) target(%dma_start3A_582 : memref<80x128xf32, #tpu.memory_space<vmem_shared>>) target_semaphore(%run_scoped3A_575 : memref<!tpu.dma_semaphore, #tpu.memory_space<semaphore_mem>>)
      %dma_wait3A_586 = arith.constant 0 : i32
      %dma_wait3A_587 = arith.constant 0 : i32
      %dma_wait3A_588 = tpu.memref_slice %arg7[%dma_wait3A_586, %dma_wait3A_587] : memref<125x128xf32, #tpu.memory_space<vmem>> -> memref<80x128xf32, #tpu.memory_space<vmem>>
      %dma_wait3A_589 = arith.constant 0 : i32
      %dma_wait3A_590 = tpu.memref_slice %arg9[%add3A_22, %dma_wait3A_589] : memref<10240x128xf32, #tpu.memory_space<vmem_shared>> -> memref<80x128xf32, #tpu.memory_space<vmem_shared>>
      %dma_wait3A_591 = arith.constant 0 : i32
      %dma_wait3A_592 = tpu.memref_slice %arg9[%add3A_22, %dma_wait3A_591] : memref<10240x128xf32, #tpu.memory_space<vmem_shared>> -> memref<80x128xf32, #tpu.memory_space<vmem_shared>>
      %dma_wait3A_593 = arith.constant 0 : i32
      %dma_wait3A_594 = arith.constant 0 : i32
      %dma_wait3A_595 = tpu.memref_slice %arg7[%dma_wait3A_593, %dma_wait3A_594] : memref<125x128xf32, #tpu.memory_space<vmem>> -> memref<80x128xf32, #tpu.memory_space<vmem>>
      tpu.wait_dma2 semaphore(%run_scoped3A_575 : memref<!tpu.dma_semaphore, #tpu.memory_space<semaphore_mem>>) src(%dma_wait3A_595 : memref<80x128xf32, #tpu.memory_space<vmem>>) dst(%dma_wait3A_592 : memref<80x128xf32, #tpu.memory_space<vmem_shared>>)
      tpu.yield
    }) : () -> ()
    %mul3A_23 = arith.constant 640 : i32
    %mul3A_24 = arith.muli %arg1, %mul3A_23 : i32
    %add3A_25 = arith.constant 160 : i32
    %add3A_26 = arith.addi %mul3A_24, %add3A_25 : i32
    "tpu.region"() ({
      %run_scoped3A_575 = tpu.sem_alloc : memref<!tpu.dma_semaphore, #tpu.memory_space<semaphore_mem>>
      %dma_start3A_576 = arith.constant 0 : i32
      %dma_start3A_577 = arith.constant 0 : i32
      %dma_start3A_578 = tpu.memref_slice %arg7[%dma_start3A_576, %dma_start3A_577] : memref<125x128xf32, #tpu.memory_space<vmem>> -> memref<80x128xf32, #tpu.memory_space<vmem>>
      %dma_start3A_579 = arith.constant 0 : i32
      %dma_start3A_580 = tpu.memref_slice %arg9[%add3A_26, %dma_start3A_579] : memref<10240x128xf32, #tpu.memory_space<vmem_shared>> -> memref<80x128xf32, #tpu.memory_space<vmem_shared>>
      %dma_start3A_581 = arith.constant 0 : i32
      %dma_start3A_582 = tpu.memref_slice %arg9[%add3A_26, %dma_start3A_581] : memref<10240x128xf32, #tpu.memory_space<vmem_shared>> -> memref<80x128xf32, #tpu.memory_space<vmem_shared>>
      %dma_start3A_583 = arith.constant 0 : i32
      %dma_start3A_584 = arith.constant 0 : i32
      %dma_start3A_585 = tpu.memref_slice %arg7[%dma_start3A_583, %dma_start3A_584] : memref<125x128xf32, #tpu.memory_space<vmem>> -> memref<80x128xf32, #tpu.memory_space<vmem>>
      tpu.enqueue_dma source(%dma_start3A_585 : memref<80x128xf32, #tpu.memory_space<vmem>>) target(%dma_start3A_582 : memref<80x128xf32, #tpu.memory_space<vmem_shared>>) target_semaphore(%run_scoped3A_575 : memref<!tpu.dma_semaphore, #tpu.memory_space<semaphore_mem>>)
      %dma_wait3A_586 = arith.constant 0 : i32
      %dma_wait3A_587 = arith.constant 0 : i32
      %dma_wait3A_588 = tpu.memref_slice %arg7[%dma_wait3A_586, %dma_wait3A_587] : memref<125x128xf32, #tpu.memory_space<vmem>> -> memref<80x128xf32, #tpu.memory_space<vmem>>
      %dma_wait3A_589 = arith.constant 0 : i32
      %dma_wait3A_590 = tpu.memref_slice %arg9[%add3A_26, %dma_wait3A_589] : memref<10240x128xf32, #tpu.memory_space<vmem_shared>> -> memref<80x128xf32, #tpu.memory_space<vmem_shared>>
      %dma_wait3A_591 = arith.constant 0 : i32
      %dma_wait3A_592 = tpu.memref_slice %arg9[%add3A_26, %dma_wait3A_591] : memref<10240x128xf32, #tpu.memory_space<vmem_shared>> -> memref<80x128xf32, #tpu.memory_space<vmem_shared>>
      %dma_wait3A_593 = arith.constant 0 : i32
      %dma_wait3A_594 = arith.constant 0 : i32
      %dma_wait3A_595 = tpu.memref_slice %arg7[%dma_wait3A_593, %dma_wait3A_594] : memref<125x128xf32, #tpu.memory_space<vmem>> -> memref<80x128xf32, #tpu.memory_space<vmem>>
      tpu.wait_dma2 semaphore(%run_scoped3A_575 : memref<!tpu.dma_semaphore, #tpu.memory_space<semaphore_mem>>) src(%dma_wait3A_595 : memref<80x128xf32, #tpu.memory_space<vmem>>) dst(%dma_wait3A_592 : memref<80x128xf32, #tpu.memory_space<vmem_shared>>)
      tpu.yield
    }) : () -> ()
    %mul3A_27 = arith.constant 640 : i32
    %mul3A_28 = arith.muli %arg1, %mul3A_27 : i32
    %add3A_29 = arith.constant 240 : i32
    %add3A_30 = arith.addi %mul3A_28, %add3A_29 : i32
    "tpu.region"() ({
      %run_scoped3A_575 = tpu.sem_alloc : memref<!tpu.dma_semaphore, #tpu.memory_space<semaphore_mem>>
      %dma_start3A_576 = arith.constant 0 : i32
      %dma_start3A_577 = arith.constant 0 : i32
      %dma_start3A_578 = tpu.memref_slice %arg7[%dma_start3A_576, %dma_start3A_577] : memref<125x128xf32, #tpu.memory_space<vmem>> -> memref<80x128xf32, #tpu.memory_space<vmem>>
      %dma_start3A_579 = arith.constant 0 : i32
      %dma_start3A_580 = tpu.memref_slice %arg9[%add3A_30, %dma_start3A_579] : memref<10240x128xf32, #tpu.memory_space<vmem_shared>> -> memref<80x128xf32, #tpu.memory_space<vmem_shared>>
      %dma_start3A_581 = arith.constant 0 : i32
      %dma_start3A_582 = tpu.memref_slice %arg9[%add3A_30, %dma_start3A_581] : memref<10240x128xf32, #tpu.memory_space<vmem_shared>> -> memref<80x128xf32, #tpu.memory_space<vmem_shared>>
      %dma_start3A_583 = arith.constant 0 : i32
      %dma_start3A_584 = arith.constant 0 : i32
      %dma_start3A_585 = tpu.memref_slice %arg7[%dma_start3A_583, %dma_start3A_584] : memref<125x128xf32, #tpu.memory_space<vmem>> -> memref<80x128xf32, #tpu.memory_space<vmem>>
      tpu.enqueue_dma source(%dma_start3A_585 : memref<80x128xf32, #tpu.memory_space<vmem>>) target(%dma_start3A_582 : memref<80x128xf32, #tpu.memory_space<vmem_shared>>) target_semaphore(%run_scoped3A_575 : memref<!tpu.dma_semaphore, #tpu.memory_space<semaphore_mem>>)
      %dma_wait3A_586 = arith.constant 0 : i32
      %dma_wait3A_587 = arith.constant 0 : i32
      %dma_wait3A_588 = tpu.memref_slice %arg7[%dma_wait3A_586, %dma_wait3A_587] : memref<125x128xf32, #tpu.memory_space<vmem>> -> memref<80x128xf32, #tpu.memory_space<vmem>>
      %dma_wait3A_589 = arith.constant 0 : i32
      %dma_wait3A_590 = tpu.memref_slice %arg9[%add3A_30, %dma_wait3A_589] : memref<10240x128xf32, #tpu.memory_space<vmem_shared>> -> memref<80x128xf32, #tpu.memory_space<vmem_shared>>
      %dma_wait3A_591 = arith.constant 0 : i32
      %dma_wait3A_592 = tpu.memref_slice %arg9[%add3A_30, %dma_wait3A_591] : memref<10240x128xf32, #tpu.memory_space<vmem_shared>> -> memref<80x128xf32, #tpu.memory_space<vmem_shared>>
      %dma_wait3A_593 = arith.constant 0 : i32
      %dma_wait3A_594 = arith.constant 0 : i32
      %dma_wait3A_595 = tpu.memref_slice %arg7[%dma_wait3A_593, %dma_wait3A_594] : memref<125x128xf32, #tpu.memory_space<vmem>> -> memref<80x128xf32, #tpu.memory_space<vmem>>
      tpu.wait_dma2 semaphore(%run_scoped3A_575 : memref<!tpu.dma_semaphore, #tpu.memory_space<semaphore_mem>>) src(%dma_wait3A_595 : memref<80x128xf32, #tpu.memory_space<vmem>>) dst(%dma_wait3A_592 : memref<80x128xf32, #tpu.memory_space<vmem_shared>>)
      tpu.yield
    }) : () -> ()
    %mul3A_31 = arith.constant 640 : i32
    %mul3A_32 = arith.muli %arg1, %mul3A_31 : i32
    %add3A_33 = arith.constant 320 : i32
    %add3A_34 = arith.addi %mul3A_32, %add3A_33 : i32
    "tpu.region"() ({
      %run_scoped3A_575 = tpu.sem_alloc : memref<!tpu.dma_semaphore, #tpu.memory_space<semaphore_mem>>
      %dma_start3A_576 = arith.constant 0 : i32
      %dma_start3A_577 = arith.constant 0 : i32
      %dma_start3A_578 = tpu.memref_slice %arg7[%dma_start3A_576, %dma_start3A_577] : memref<125x128xf32, #tpu.memory_space<vmem>> -> memref<80x128xf32, #tpu.memory_space<vmem>>
      %dma_start3A_579 = arith.constant 0 : i32
      %dma_start3A_580 = tpu.memref_slice %arg9[%add3A_34, %dma_start3A_579] : memref<10240x128xf32, #tpu.memory_space<vmem_shared>> -> memref<80x128xf32, #tpu.memory_space<vmem_shared>>
      %dma_start3A_581 = arith.constant 0 : i32
      %dma_start3A_582 = tpu.memref_slice %arg9[%add3A_34, %dma_start3A_581] : memref<10240x128xf32, #tpu.memory_space<vmem_shared>> -> memref<80x128xf32, #tpu.memory_space<vmem_shared>>
      %dma_start3A_583 = arith.constant 0 : i32
      %dma_start3A_584 = arith.constant 0 : i32
      %dma_start3A_585 = tpu.memref_slice %arg7[%dma_start3A_583, %dma_start3A_584] : memref<125x128xf32, #tpu.memory_space<vmem>> -> memref<80x128xf32, #tpu.memory_space<vmem>>
      tpu.enqueue_dma source(%dma_start3A_585 : memref<80x128xf32, #tpu.memory_space<vmem>>) target(%dma_start3A_582 : memref<80x128xf32, #tpu.memory_space<vmem_shared>>) target_semaphore(%run_scoped3A_575 : memref<!tpu.dma_semaphore, #tpu.memory_space<semaphore_mem>>)
      %dma_wait3A_586 = arith.constant 0 : i32
      %dma_wait3A_587 = arith.constant 0 : i32
      %dma_wait3A_588 = tpu.memref_slice %arg7[%dma_wait3A_586, %dma_wait3A_587] : memref<125x128xf32, #tpu.memory_space<vmem>> -> memref<80x128xf32, #tpu.memory_space<vmem>>
      %dma_wait3A_589 = arith.constant 0 : i32
      %dma_wait3A_590 = tpu.memref_slice %arg9[%add3A_34, %dma_wait3A_589] : memref<10240x128xf32, #tpu.memory_space<vmem_shared>> -> memref<80x128xf32, #tpu.memory_space<vmem_shared>>
      %dma_wait3A_591 = arith.constant 0 : i32
      %dma_wait3A_592 = tpu.memref_slice %arg9[%add3A_34, %dma_wait3A_591] : memref<10240x128xf32, #tpu.memory_space<vmem_shared>> -> memref<80x128xf32, #tpu.memory_space<vmem_shared>>
      %dma_wait3A_593 = arith.constant 0 : i32
      %dma_wait3A_594 = arith.constant 0 : i32
      %dma_wait3A_595 = tpu.memref_slice %arg7[%dma_wait3A_593, %dma_wait3A_594] : memref<125x128xf32, #tpu.memory_space<vmem>> -> memref<80x128xf32, #tpu.memory_space<vmem>>
      tpu.wait_dma2 semaphore(%run_scoped3A_575 : memref<!tpu.dma_semaphore, #tpu.memory_space<semaphore_mem>>) src(%dma_wait3A_595 : memref<80x128xf32, #tpu.memory_space<vmem>>) dst(%dma_wait3A_592 : memref<80x128xf32, #tpu.memory_space<vmem_shared>>)
      tpu.yield
    }) : () -> ()
    %mul3A_35 = arith.constant 640 : i32
    %mul3A_36 = arith.muli %arg1, %mul3A_35 : i32
    %add3A_37 = arith.constant 400 : i32
    %add3A_38 = arith.addi %mul3A_36, %add3A_37 : i32
    "tpu.region"() ({
      %run_scoped3A_575 = tpu.sem_alloc : memref<!tpu.dma_semaphore, #tpu.memory_space<semaphore_mem>>
      %dma_start3A_576 = arith.constant 0 : i32
      %dma_start3A_577 = arith.constant 0 : i32
      %dma_start3A_578 = tpu.memref_slice %arg7[%dma_start3A_576, %dma_start3A_577] : memref<125x128xf32, #tpu.memory_space<vmem>> -> memref<80x128xf32, #tpu.memory_space<vmem>>
      %dma_start3A_579 = arith.constant 0 : i32
      %dma_start3A_580 = tpu.memref_slice %arg9[%add3A_38, %dma_start3A_579] : memref<10240x128xf32, #tpu.memory_space<vmem_shared>> -> memref<80x128xf32, #tpu.memory_space<vmem_shared>>
      %dma_start3A_581 = arith.constant 0 : i32
      %dma_start3A_582 = tpu.memref_slice %arg9[%add3A_38, %dma_start3A_581] : memref<10240x128xf32, #tpu.memory_space<vmem_shared>> -> memref<80x128xf32, #tpu.memory_space<vmem_shared>>
      %dma_start3A_583 = arith.constant 0 : i32
      %dma_start3A_584 = arith.constant 0 : i32
      %dma_start3A_585 = tpu.memref_slice %arg7[%dma_start3A_583, %dma_start3A_584] : memref<125x128xf32, #tpu.memory_space<vmem>> -> memref<80x128xf32, #tpu.memory_space<vmem>>
      tpu.enqueue_dma source(%dma_start3A_585 : memref<80x128xf32, #tpu.memory_space<vmem>>) target(%dma_start3A_582 : memref<80x128xf32, #tpu.memory_space<vmem_shared>>) target_semaphore(%run_scoped3A_575 : memref<!tpu.dma_semaphore, #tpu.memory_space<semaphore_mem>>)
      %dma_wait3A_586 = arith.constant 0 : i32
      %dma_wait3A_587 = arith.constant 0 : i32
      %dma_wait3A_588 = tpu.memref_slice %arg7[%dma_wait3A_586, %dma_wait3A_587] : memref<125x128xf32, #tpu.memory_space<vmem>> -> memref<80x128xf32, #tpu.memory_space<vmem>>
      %dma_wait3A_589 = arith.constant 0 : i32
      %dma_wait3A_590 = tpu.memref_slice %arg9[%add3A_38, %dma_wait3A_589] : memref<10240x128xf32, #tpu.memory_space<vmem_shared>> -> memref<80x128xf32, #tpu.memory_space<vmem_shared>>
      %dma_wait3A_591 = arith.constant 0 : i32
      %dma_wait3A_592 = tpu.memref_slice %arg9[%add3A_38, %dma_wait3A_591] : memref<10240x128xf32, #tpu.memory_space<vmem_shared>> -> memref<80x128xf32, #tpu.memory_space<vmem_shared>>
      %dma_wait3A_593 = arith.constant 0 : i32
      %dma_wait3A_594 = arith.constant 0 : i32
      %dma_wait3A_595 = tpu.memref_slice %arg7[%dma_wait3A_593, %dma_wait3A_594] : memref<125x128xf32, #tpu.memory_space<vmem>> -> memref<80x128xf32, #tpu.memory_space<vmem>>
      tpu.wait_dma2 semaphore(%run_scoped3A_575 : memref<!tpu.dma_semaphore, #tpu.memory_space<semaphore_mem>>) src(%dma_wait3A_595 : memref<80x128xf32, #tpu.memory_space<vmem>>) dst(%dma_wait3A_592 : memref<80x128xf32, #tpu.memory_space<vmem_shared>>)
      tpu.yield
    }) : () -> ()
    %mul3A_39 = arith.constant 640 : i32
    %mul3A_40 = arith.muli %arg1, %mul3A_39 : i32
    %add3A_41 = arith.constant 480 : i32
    %add3A_42 = arith.addi %mul3A_40, %add3A_41 : i32
    "tpu.region"() ({
      %run_scoped3A_575 = tpu.sem_alloc : memref<!tpu.dma_semaphore, #tpu.memory_space<semaphore_mem>>
      %dma_start3A_576 = arith.constant 0 : i32
      %dma_start3A_577 = arith.constant 0 : i32
      %dma_start3A_578 = tpu.memref_slice %arg7[%dma_start3A_576, %dma_start3A_577] : memref<125x128xf32, #tpu.memory_space<vmem>> -> memref<80x128xf32, #tpu.memory_space<vmem>>
      %dma_start3A_579 = arith.constant 0 : i32
      %dma_start3A_580 = tpu.memref_slice %arg9[%add3A_42, %dma_start3A_579] : memref<10240x128xf32, #tpu.memory_space<vmem_shared>> -> memref<80x128xf32, #tpu.memory_space<vmem_shared>>
      %dma_start3A_581 = arith.constant 0 : i32
      %dma_start3A_582 = tpu.memref_slice %arg9[%add3A_42, %dma_start3A_581] : memref<10240x128xf32, #tpu.memory_space<vmem_shared>> -> memref<80x128xf32, #tpu.memory_space<vmem_shared>>
      %dma_start3A_583 = arith.constant 0 : i32
      %dma_start3A_584 = arith.constant 0 : i32
      %dma_start3A_585 = tpu.memref_slice %arg7[%dma_start3A_583, %dma_start3A_584] : memref<125x128xf32, #tpu.memory_space<vmem>> -> memref<80x128xf32, #tpu.memory_space<vmem>>
      tpu.enqueue_dma source(%dma_start3A_585 : memref<80x128xf32, #tpu.memory_space<vmem>>) target(%dma_start3A_582 : memref<80x128xf32, #tpu.memory_space<vmem_shared>>) target_semaphore(%run_scoped3A_575 : memref<!tpu.dma_semaphore, #tpu.memory_space<semaphore_mem>>)
      %dma_wait3A_586 = arith.constant 0 : i32
      %dma_wait3A_587 = arith.constant 0 : i32
      %dma_wait3A_588 = tpu.memref_slice %arg7[%dma_wait3A_586, %dma_wait3A_587] : memref<125x128xf32, #tpu.memory_space<vmem>> -> memref<80x128xf32, #tpu.memory_space<vmem>>
      %dma_wait3A_589 = arith.constant 0 : i32
      %dma_wait3A_590 = tpu.memref_slice %arg9[%add3A_42, %dma_wait3A_589] : memref<10240x128xf32, #tpu.memory_space<vmem_shared>> -> memref<80x128xf32, #tpu.memory_space<vmem_shared>>
      %dma_wait3A_591 = arith.constant 0 : i32
      %dma_wait3A_592 = tpu.memref_slice %arg9[%add3A_42, %dma_wait3A_591] : memref<10240x128xf32, #tpu.memory_space<vmem_shared>> -> memref<80x128xf32, #tpu.memory_space<vmem_shared>>
      %dma_wait3A_593 = arith.constant 0 : i32
      %dma_wait3A_594 = arith.constant 0 : i32
      %dma_wait3A_595 = tpu.memref_slice %arg7[%dma_wait3A_593, %dma_wait3A_594] : memref<125x128xf32, #tpu.memory_space<vmem>> -> memref<80x128xf32, #tpu.memory_space<vmem>>
      tpu.wait_dma2 semaphore(%run_scoped3A_575 : memref<!tpu.dma_semaphore, #tpu.memory_space<semaphore_mem>>) src(%dma_wait3A_595 : memref<80x128xf32, #tpu.memory_space<vmem>>) dst(%dma_wait3A_592 : memref<80x128xf32, #tpu.memory_space<vmem_shared>>)
      tpu.yield
    }) : () -> ()
    %mul3A_43 = arith.constant 640 : i32
    %mul3A_44 = arith.muli %arg1, %mul3A_43 : i32
    %add3A_45 = arith.constant 560 : i32
    %add3A_46 = arith.addi %mul3A_44, %add3A_45 : i32
    "tpu.region"() ({
      %run_scoped3A_575 = tpu.sem_alloc : memref<!tpu.dma_semaphore, #tpu.memory_space<semaphore_mem>>
      %dma_start3A_576 = arith.constant 0 : i32
      %dma_start3A_577 = arith.constant 0 : i32
      %dma_start3A_578 = tpu.memref_slice %arg7[%dma_start3A_576, %dma_start3A_577] : memref<125x128xf32, #tpu.memory_space<vmem>> -> memref<80x128xf32, #tpu.memory_space<vmem>>
      %dma_start3A_579 = arith.constant 0 : i32
      %dma_start3A_580 = tpu.memref_slice %arg9[%add3A_46, %dma_start3A_579] : memref<10240x128xf32, #tpu.memory_space<vmem_shared>> -> memref<80x128xf32, #tpu.memory_space<vmem_shared>>
      %dma_start3A_581 = arith.constant 0 : i32
      %dma_start3A_582 = tpu.memref_slice %arg9[%add3A_46, %dma_start3A_581] : memref<10240x128xf32, #tpu.memory_space<vmem_shared>> -> memref<80x128xf32, #tpu.memory_space<vmem_shared>>
      %dma_start3A_583 = arith.constant 0 : i32
      %dma_start3A_584 = arith.constant 0 : i32
      %dma_start3A_585 = tpu.memref_slice %arg7[%dma_start3A_583, %dma_start3A_584] : memref<125x128xf32, #tpu.memory_space<vmem>> -> memref<80x128xf32, #tpu.memory_space<vmem>>
      tpu.enqueue_dma source(%dma_start3A_585 : memref<80x128xf32, #tpu.memory_space<vmem>>) target(%dma_start3A_582 : memref<80x128xf32, #tpu.memory_space<vmem_shared>>) target_semaphore(%run_scoped3A_575 : memref<!tpu.dma_semaphore, #tpu.memory_space<semaphore_mem>>)
      %dma_wait3A_586 = arith.constant 0 : i32
      %dma_wait3A_587 = arith.constant 0 : i32
      %dma_wait3A_588 = tpu.memref_slice %arg7[%dma_wait3A_586, %dma_wait3A_587] : memref<125x128xf32, #tpu.memory_space<vmem>> -> memref<80x128xf32, #tpu.memory_space<vmem>>
      %dma_wait3A_589 = arith.constant 0 : i32
      %dma_wait3A_590 = tpu.memref_slice %arg9[%add3A_46, %dma_wait3A_589] : memref<10240x128xf32, #tpu.memory_space<vmem_shared>> -> memref<80x128xf32, #tpu.memory_space<vmem_shared>>
      %dma_wait3A_591 = arith.constant 0 : i32
      %dma_wait3A_592 = tpu.memref_slice %arg9[%add3A_46, %dma_wait3A_591] : memref<10240x128xf32, #tpu.memory_space<vmem_shared>> -> memref<80x128xf32, #tpu.memory_space<vmem_shared>>
      %dma_wait3A_593 = arith.constant 0 : i32
      %dma_wait3A_594 = arith.constant 0 : i32
      %dma_wait3A_595 = tpu.memref_slice %arg7[%dma_wait3A_593, %dma_wait3A_594] : memref<125x128xf32, #tpu.memory_space<vmem>> -> memref<80x128xf32, #tpu.memory_space<vmem>>
      tpu.wait_dma2 semaphore(%run_scoped3A_575 : memref<!tpu.dma_semaphore, #tpu.memory_space<semaphore_mem>>) src(%dma_wait3A_595 : memref<80x128xf32, #tpu.memory_space<vmem>>) dst(%dma_wait3A_592 : memref<80x128xf32, #tpu.memory_space<vmem_shared>>)
      tpu.yield
    }) : () -> ()
    %barrier3A = arith.constant 0 : index
    tpu.barrier barrier_id(%barrier3A)
    %mul3A_47 = arith.constant 80 : i32
    %mul3A_48 = arith.muli %add3A, %mul3A_47 : i32
    %add3A_49 = arith.constant 0 : i32
    %add3A_50 = arith.addi %mul3A_48, %add3A_49 : i32
    %dma_wait3A = arith.constant 0 : i32
    %dma_wait3A_51 = arith.constant 0 : i32
    %dma_wait3A_52 = tpu.memref_slice %arg3[%dma_wait3A, %add3A_50, %dma_wait3A_51] : memref<2x2560x125xi32, #tpu.memory_space<hbm>> -> memref<2x16x125xi32, #tpu.memory_space<hbm>>
    %dma_wait3A_53 = arith.constant 0 : i32
    %dma_wait3A_54 = arith.constant 0 : i32
    %dma_wait3A_55 = tpu.memref_slice %arg3[%dma_wait3A_53, %add3A_50, %dma_wait3A_54] : memref<2x2560x125xi32, #tpu.memory_space<hbm>> -> memref<2x16x125xi32, #tpu.memory_space<hbm>>
    tpu.wait_dma2 semaphore(%arg12 : memref<!tpu.dma_semaphore, #tpu.memory_space<semaphore_mem>>) src(%dma_wait3A_55 : memref<2x16x125xi32, #tpu.memory_space<hbm>>) dst(%arg5 : memref<2x16x125xi32, #tpu.memory_space<vmem>>)
    %mul3A_56 = arith.constant 80 : i32
    %mul3A_57 = arith.muli %add3A, %mul3A_56 : i32
    %add3A_58 = arith.constant 16 : i32
    %add3A_59 = arith.addi %mul3A_57, %add3A_58 : i32
    %dma_start3A_60 = arith.constant 0 : i32
    %dma_start3A_61 = arith.constant 0 : i32
    %dma_start3A_62 = tpu.memref_slice %arg3[%dma_start3A_60, %add3A_59, %dma_start3A_61] : memref<2x2560x125xi32, #tpu.memory_space<hbm>> -> memref<2x16x125xi32, #tpu.memory_space<hbm>>
    %dma_start3A_63 = arith.constant 0 : i32
    %dma_start3A_64 = arith.constant 0 : i32
    %dma_start3A_65 = tpu.memref_slice %arg3[%dma_start3A_63, %add3A_59, %dma_start3A_64] : memref<2x2560x125xi32, #tpu.memory_space<hbm>> -> memref<2x16x125xi32, #tpu.memory_space<hbm>>
    tpu.enqueue_dma source(%dma_start3A_65 : memref<2x16x125xi32, #tpu.memory_space<hbm>>) target(%arg6 : memref<2x16x125xi32, #tpu.memory_space<vmem>>) target_semaphore(%arg13 : memref<!tpu.dma_semaphore, #tpu.memory_space<semaphore_mem>>)
    %dma_start3A_66 = arith.constant 0 : i32
    %dma_start3A_67 = arith.constant 0 : i32
    %dma_start3A_68 = arith.constant 0 : i32
    %dma_start3A_69 = arith.constant 0 : i32
    %dma_start3A_70 = arith.constant 0 : i32
    %dma_start3A_71 = tpu.memref_slice %arg5[%dma_start3A_68, %dma_start3A_69, %dma_start3A_70] : memref<2x16x125xi32, #tpu.memory_space<vmem>> -> memref<1x1x125xi32, #tpu.memory_space<vmem>>
    %dma_start3A_72 = tpu.memref_squeeze %dma_start3A_71 : memref<1x1x125xi32, #tpu.memory_space<vmem>> -> memref<125xi32, #tpu.memory_space<vmem>>
    %dma_start3A_73 = arith.constant 0 : i32
    %dma_start3A_74 = arith.constant 0 : i32
    %dma_start3A_75 = arith.constant 0 : i32
    %dma_start3A_76 = tpu.memref_slice %arg2[%dma_start3A_66, %dma_start3A_73, %dma_start3A_74, %dma_start3A_75] : memref<1x1x10000x128xf32, #tpu.memory_space<hbm>> -> memref<1x1x10000x128xf32, #tpu.memory_space<hbm>>
    %dma_start3A_77 = tpu.memref_squeeze %dma_start3A_76 : memref<1x1x10000x128xf32, #tpu.memory_space<hbm>> -> memref<1x10000x128xf32, #tpu.memory_space<hbm>>
    %dma_start3A_78 = arith.constant 0 : i32
    %dma_start3A_79 = arith.constant 0 : i32
    %dma_start3A_80 = tpu.memref_slice %dma_start3A_77[%dma_start3A_67, %dma_start3A_78, %dma_start3A_79] : memref<1x10000x128xf32, #tpu.memory_space<hbm>> -> memref<1x10000x128xf32, #tpu.memory_space<hbm>>
    %dma_start3A_81 = tpu.memref_squeeze %dma_start3A_80 : memref<1x10000x128xf32, #tpu.memory_space<hbm>> -> memref<10000x128xf32, #tpu.memory_space<hbm>>
    %dma_start3A_82 = arith.constant 0 : i32
    %dma_start3A_83 = arith.constant 0 : i32
    %dma_start3A_84 = tpu.memref_slice %dma_start3A_81[%dma_start3A_82, %dma_start3A_83] : memref<10000x128xf32, #tpu.memory_space<hbm>> -> memref<10000x128xf32, #tpu.memory_space<hbm>>
    tpu.enqueue_indirect_dma source(%dma_start3A_84 : memref<10000x128xf32, #tpu.memory_space<hbm>>) target(%arg7 : memref<125x128xf32, #tpu.memory_space<vmem>>) offsets(%dma_start3A_72 : memref<125xi32, #tpu.memory_space<vmem>>) semaphore(%arg10 : memref<!tpu.dma_semaphore, #tpu.memory_space<semaphore_mem>>)
    %scan3A_85 = arith.constant 0 : i32
    %scan3A_86 = arith.constant 0 : i32
    %scan3A_87 = arith.constant 0 : i32
    %scan3A_88 = arith.constant 7 : i32
    %scan3A_89 = arith.addi %scan3A_87, %scan3A_88 : i32
    %scan3A_90 = arith.constant 1 : i32
    scf.for %scan3A_575 = %scan3A_87 to %scan3A_89 step %scan3A_90  : i32 {
      %mul3A_576 = arith.constant 2 : i32
      %mul3A_577 = arith.muli %scan3A_575, %mul3A_576 : i32
      %add3A_578 = arith.constant 0 : i32
      %add3A_579 = arith.addi %add3A_578, %mul3A_577 : i32
      %dma_wait3A_580 = arith.constant 0 : i32
      %dma_wait3A_581 = arith.constant 0 : i32
      %dma_wait3A_582 = tpu.memref_slice %arg5[%dma_wait3A_580, %add3A_579, %dma_wait3A_581] : memref<2x16x125xi32, #tpu.memory_space<vmem>> -> memref<1x1x125xi32, #tpu.memory_space<vmem>>
      %dma_wait3A_583 = tpu.memref_squeeze %dma_wait3A_582 : memref<1x1x125xi32, #tpu.memory_space<vmem>> -> memref<125xi32, #tpu.memory_space<vmem>>
      %dma_wait3A_584 = arith.constant 0 : i32
      %dma_wait3A_585 = arith.constant 0 : i32
      %dma_wait3A_586 = arith.constant 0 : i32
      %dma_wait3A_587 = tpu.memref_slice %arg2[%scan3A_85, %dma_wait3A_584, %dma_wait3A_585, %dma_wait3A_586] : memref<1x1x10000x128xf32, #tpu.memory_space<hbm>> -> memref<1x1x10000x128xf32, #tpu.memory_space<hbm>>
      %dma_wait3A_588 = tpu.memref_squeeze %dma_wait3A_587 : memref<1x1x10000x128xf32, #tpu.memory_space<hbm>> -> memref<1x10000x128xf32, #tpu.memory_space<hbm>>
      %dma_wait3A_589 = arith.constant 0 : i32
      %dma_wait3A_590 = arith.constant 0 : i32
      %dma_wait3A_591 = tpu.memref_slice %dma_wait3A_588[%scan3A_86, %dma_wait3A_589, %dma_wait3A_590] : memref<1x10000x128xf32, #tpu.memory_space<hbm>> -> memref<1x10000x128xf32, #tpu.memory_space<hbm>>
      %dma_wait3A_592 = tpu.memref_squeeze %dma_wait3A_591 : memref<1x10000x128xf32, #tpu.memory_space<hbm>> -> memref<10000x128xf32, #tpu.memory_space<hbm>>
      %dma_wait3A_593 = arith.constant 0 : i32
      %dma_wait3A_594 = arith.constant 0 : i32
      %dma_wait3A_595 = tpu.memref_slice %dma_wait3A_592[%dma_wait3A_593, %dma_wait3A_594] : memref<10000x128xf32, #tpu.memory_space<hbm>> -> memref<10000x128xf32, #tpu.memory_space<hbm>>
      tpu.wait_indirect_dma semaphore(%arg10 : memref<!tpu.dma_semaphore, #tpu.memory_space<semaphore_mem>>) src(%dma_wait3A_595 : memref<10000x128xf32, #tpu.memory_space<hbm>>) dst(%arg7 : memref<125x128xf32, #tpu.memory_space<vmem>>)
      %add3A_596 = arith.constant 1 : i32
      %add3A_597 = arith.addi %add3A_579, %add3A_596 : i32
      %dma_start3A_598 = arith.constant 0 : i32
      %dma_start3A_599 = arith.constant 0 : i32
      %dma_start3A_600 = tpu.memref_slice %arg5[%dma_start3A_598, %add3A_597, %dma_start3A_599] : memref<2x16x125xi32, #tpu.memory_space<vmem>> -> memref<1x1x125xi32, #tpu.memory_space<vmem>>
      %dma_start3A_601 = tpu.memref_squeeze %dma_start3A_600 : memref<1x1x125xi32, #tpu.memory_space<vmem>> -> memref<125xi32, #tpu.memory_space<vmem>>
      %dma_start3A_602 = arith.constant 0 : i32
      %dma_start3A_603 = arith.constant 0 : i32
      %dma_start3A_604 = arith.constant 0 : i32
      %dma_start3A_605 = tpu.memref_slice %arg2[%scan3A_85, %dma_start3A_602, %dma_start3A_603, %dma_start3A_604] : memref<1x1x10000x128xf32, #tpu.memory_space<hbm>> -> memref<1x1x10000x128xf32, #tpu.memory_space<hbm>>
      %dma_start3A_606 = tpu.memref_squeeze %dma_start3A_605 : memref<1x1x10000x128xf32, #tpu.memory_space<hbm>> -> memref<1x10000x128xf32, #tpu.memory_space<hbm>>
      %dma_start3A_607 = arith.constant 0 : i32
      %dma_start3A_608 = arith.constant 0 : i32
      %dma_start3A_609 = tpu.memref_slice %dma_start3A_606[%scan3A_86, %dma_start3A_607, %dma_start3A_608] : memref<1x10000x128xf32, #tpu.memory_space<hbm>> -> memref<1x10000x128xf32, #tpu.memory_space<hbm>>
      %dma_start3A_610 = tpu.memref_squeeze %dma_start3A_609 : memref<1x10000x128xf32, #tpu.memory_space<hbm>> -> memref<10000x128xf32, #tpu.memory_space<hbm>>
      %dma_start3A_611 = arith.constant 0 : i32
      %dma_start3A_612 = arith.constant 0 : i32
      %dma_start3A_613 = tpu.memref_slice %dma_start3A_610[%dma_start3A_611, %dma_start3A_612] : memref<10000x128xf32, #tpu.memory_space<hbm>> -> memref<10000x128xf32, #tpu.memory_space<hbm>>
      tpu.enqueue_indirect_dma source(%dma_start3A_613 : memref<10000x128xf32, #tpu.memory_space<hbm>>) target(%arg8 : memref<125x128xf32, #tpu.memory_space<vmem>>) offsets(%dma_start3A_601 : memref<125xi32, #tpu.memory_space<vmem>>) semaphore(%arg11 : memref<!tpu.dma_semaphore, #tpu.memory_space<semaphore_mem>>)
      %run_scoped3A_614 = arith.constant 1 : i32
      "tpu.region"() ({
        %run_scoped3A_654 = tpu.sem_alloc : memref<!tpu.dma_semaphore, #tpu.memory_space<semaphore_mem>>
        %dma_start3A_655 = arith.constant 0 : i32
        %dma_start3A_656 = tpu.memref_slice %arg5[%run_scoped3A_614, %add3A_579, %dma_start3A_655] : memref<2x16x125xi32, #tpu.memory_space<vmem>> -> memref<1x1x125xi32, #tpu.memory_space<vmem>>
        %dma_start3A_657 = tpu.memref_squeeze %dma_start3A_656 : memref<1x1x125xi32, #tpu.memory_space<vmem>> -> memref<125xi32, #tpu.memory_space<vmem>>
        %dma_start3A_658 = arith.constant 0 : i32
        %dma_start3A_659 = arith.constant 0 : i32
        %dma_start3A_660 = tpu.memref_slice %arg9[%dma_start3A_658, %dma_start3A_659] : memref<10240x128xf32, #tpu.memory_space<vmem_shared>> -> memref<10240x128xf32, #tpu.memory_space<vmem_shared>>
        tpu.enqueue_indirect_dma source(%arg7 : memref<125x128xf32, #tpu.memory_space<vmem>>) target(%dma_start3A_660 : memref<10240x128xf32, #tpu.memory_space<vmem_shared>>) offsets(%dma_start3A_657 : memref<125xi32, #tpu.memory_space<vmem>>) semaphore(%run_scoped3A_654 : memref<!tpu.dma_semaphore, #tpu.memory_space<semaphore_mem>>) {add = true}
        %dma_wait3A_661 = arith.constant 0 : i32
        %dma_wait3A_662 = tpu.memref_slice %arg5[%run_scoped3A_614, %add3A_579, %dma_wait3A_661] : memref<2x16x125xi32, #tpu.memory_space<vmem>> -> memref<1x1x125xi32, #tpu.memory_space<vmem>>
        %dma_wait3A_663 = tpu.memref_squeeze %dma_wait3A_662 : memref<1x1x125xi32, #tpu.memory_space<vmem>> -> memref<125xi32, #tpu.memory_space<vmem>>
        %dma_wait3A_664 = arith.constant 0 : i32
        %dma_wait3A_665 = arith.constant 0 : i32
        %dma_wait3A_666 = tpu.memref_slice %arg9[%dma_wait3A_664, %dma_wait3A_665] : memref<10240x128xf32, #tpu.memory_space<vmem_shared>> -> memref<10240x128xf32, #tpu.memory_space<vmem_shared>>
        tpu.wait_indirect_dma semaphore(%run_scoped3A_654 : memref<!tpu.dma_semaphore, #tpu.memory_space<semaphore_mem>>) src(%arg7 : memref<125x128xf32, #tpu.memory_space<vmem>>) dst(%dma_wait3A_666 : memref<10240x128xf32, #tpu.memory_space<vmem_shared>>)
        tpu.yield
      }) : () -> ()
      %add3A_615 = arith.constant 1 : i32
      %add3A_616 = arith.addi %add3A_579, %add3A_615 : i32
      %dma_wait3A_617 = arith.constant 0 : i32
      %dma_wait3A_618 = arith.constant 0 : i32
      %dma_wait3A_619 = tpu.memref_slice %arg5[%dma_wait3A_617, %add3A_616, %dma_wait3A_618] : memref<2x16x125xi32, #tpu.memory_space<vmem>> -> memref<1x1x125xi32, #tpu.memory_space<vmem>>
      %dma_wait3A_620 = tpu.memref_squeeze %dma_wait3A_619 : memref<1x1x125xi32, #tpu.memory_space<vmem>> -> memref<125xi32, #tpu.memory_space<vmem>>
      %dma_wait3A_621 = arith.constant 0 : i32
      %dma_wait3A_622 = arith.constant 0 : i32
      %dma_wait3A_623 = arith.constant 0 : i32
      %dma_wait3A_624 = tpu.memref_slice %arg2[%scan3A_85, %dma_wait3A_621, %dma_wait3A_622, %dma_wait3A_623] : memref<1x1x10000x128xf32, #tpu.memory_space<hbm>> -> memref<1x1x10000x128xf32, #tpu.memory_space<hbm>>
      %dma_wait3A_625 = tpu.memref_squeeze %dma_wait3A_624 : memref<1x1x10000x128xf32, #tpu.memory_space<hbm>> -> memref<1x10000x128xf32, #tpu.memory_space<hbm>>
      %dma_wait3A_626 = arith.constant 0 : i32
      %dma_wait3A_627 = arith.constant 0 : i32
      %dma_wait3A_628 = tpu.memref_slice %dma_wait3A_625[%scan3A_86, %dma_wait3A_626, %dma_wait3A_627] : memref<1x10000x128xf32, #tpu.memory_space<hbm>> -> memref<1x10000x128xf32, #tpu.memory_space<hbm>>
      %dma_wait3A_629 = tpu.memref_squeeze %dma_wait3A_628 : memref<1x10000x128xf32, #tpu.memory_space<hbm>> -> memref<10000x128xf32, #tpu.memory_space<hbm>>
      %dma_wait3A_630 = arith.constant 0 : i32
      %dma_wait3A_631 = arith.constant 0 : i32
      %dma_wait3A_632 = tpu.memref_slice %dma_wait3A_629[%dma_wait3A_630, %dma_wait3A_631] : memref<10000x128xf32, #tpu.memory_space<hbm>> -> memref<10000x128xf32, #tpu.memory_space<hbm>>
      tpu.wait_indirect_dma semaphore(%arg11 : memref<!tpu.dma_semaphore, #tpu.memory_space<semaphore_mem>>) src(%dma_wait3A_632 : memref<10000x128xf32, #tpu.memory_space<hbm>>) dst(%arg8 : memref<125x128xf32, #tpu.memory_space<vmem>>)
      %add3A_633 = arith.constant 2 : i32
      %add3A_634 = arith.addi %add3A_579, %add3A_633 : i32
      %dma_start3A_635 = arith.constant 0 : i32
      %dma_start3A_636 = arith.constant 0 : i32
      %dma_start3A_637 = tpu.memref_slice %arg5[%dma_start3A_635, %add3A_634, %dma_start3A_636] : memref<2x16x125xi32, #tpu.memory_space<vmem>> -> memref<1x1x125xi32, #tpu.memory_space<vmem>>
      %dma_start3A_638 = tpu.memref_squeeze %dma_start3A_637 : memref<1x1x125xi32, #tpu.memory_space<vmem>> -> memref<125xi32, #tpu.memory_space<vmem>>
      %dma_start3A_639 = arith.constant 0 : i32
      %dma_start3A_640 = arith.constant 0 : i32
      %dma_start3A_641 = arith.constant 0 : i32
      %dma_start3A_642 = tpu.memref_slice %arg2[%scan3A_85, %dma_start3A_639, %dma_start3A_640, %dma_start3A_641] : memref<1x1x10000x128xf32, #tpu.memory_space<hbm>> -> memref<1x1x10000x128xf32, #tpu.memory_space<hbm>>
      %dma_start3A_643 = tpu.memref_squeeze %dma_start3A_642 : memref<1x1x10000x128xf32, #tpu.memory_space<hbm>> -> memref<1x10000x128xf32, #tpu.memory_space<hbm>>
      %dma_start3A_644 = arith.constant 0 : i32
      %dma_start3A_645 = arith.constant 0 : i32
      %dma_start3A_646 = tpu.memref_slice %dma_start3A_643[%scan3A_86, %dma_start3A_644, %dma_start3A_645] : memref<1x10000x128xf32, #tpu.memory_space<hbm>> -> memref<1x10000x128xf32, #tpu.memory_space<hbm>>
      %dma_start3A_647 = tpu.memref_squeeze %dma_start3A_646 : memref<1x10000x128xf32, #tpu.memory_space<hbm>> -> memref<10000x128xf32, #tpu.memory_space<hbm>>
      %dma_start3A_648 = arith.constant 0 : i32
      %dma_start3A_649 = arith.constant 0 : i32
      %dma_start3A_650 = tpu.memref_slice %dma_start3A_647[%dma_start3A_648, %dma_start3A_649] : memref<10000x128xf32, #tpu.memory_space<hbm>> -> memref<10000x128xf32, #tpu.memory_space<hbm>>
      tpu.enqueue_indirect_dma source(%dma_start3A_650 : memref<10000x128xf32, #tpu.memory_space<hbm>>) target(%arg7 : memref<125x128xf32, #tpu.memory_space<vmem>>) offsets(%dma_start3A_638 : memref<125xi32, #tpu.memory_space<vmem>>) semaphore(%arg10 : memref<!tpu.dma_semaphore, #tpu.memory_space<semaphore_mem>>)
      %add3A_651 = arith.constant 1 : i32
      %add3A_652 = arith.addi %add3A_579, %add3A_651 : i32
      %run_scoped3A_653 = arith.constant 1 : i32
      "tpu.region"() ({
        %run_scoped3A_654 = tpu.sem_alloc : memref<!tpu.dma_semaphore, #tpu.memory_space<semaphore_mem>>
        %dma_start3A_655 = arith.constant 0 : i32
        %dma_start3A_656 = tpu.memref_slice %arg5[%run_scoped3A_653, %add3A_652, %dma_start3A_655] : memref<2x16x125xi32, #tpu.memory_space<vmem>> -> memref<1x1x125xi32, #tpu.memory_space<vmem>>
        %dma_start3A_657 = tpu.memref_squeeze %dma_start3A_656 : memref<1x1x125xi32, #tpu.memory_space<vmem>> -> memref<125xi32, #tpu.memory_space<vmem>>
        %dma_start3A_658 = arith.constant 0 : i32
        %dma_start3A_659 = arith.constant 0 : i32
        %dma_start3A_660 = tpu.memref_slice %arg9[%dma_start3A_658, %dma_start3A_659] : memref<10240x128xf32, #tpu.memory_space<vmem_shared>> -> memref<10240x128xf32, #tpu.memory_space<vmem_shared>>
        tpu.enqueue_indirect_dma source(%arg8 : memref<125x128xf32, #tpu.memory_space<vmem>>) target(%dma_start3A_660 : memref<10240x128xf32, #tpu.memory_space<vmem_shared>>) offsets(%dma_start3A_657 : memref<125xi32, #tpu.memory_space<vmem>>) semaphore(%run_scoped3A_654 : memref<!tpu.dma_semaphore, #tpu.memory_space<semaphore_mem>>) {add = true}
        %dma_wait3A_661 = arith.constant 0 : i32
        %dma_wait3A_662 = tpu.memref_slice %arg5[%run_scoped3A_653, %add3A_652, %dma_wait3A_661] : memref<2x16x125xi32, #tpu.memory_space<vmem>> -> memref<1x1x125xi32, #tpu.memory_space<vmem>>
        %dma_wait3A_663 = tpu.memref_squeeze %dma_wait3A_662 : memref<1x1x125xi32, #tpu.memory_space<vmem>> -> memref<125xi32, #tpu.memory_space<vmem>>
        %dma_wait3A_664 = arith.constant 0 : i32
        %dma_wait3A_665 = arith.constant 0 : i32
        %dma_wait3A_666 = tpu.memref_slice %arg9[%dma_wait3A_664, %dma_wait3A_665] : memref<10240x128xf32, #tpu.memory_space<vmem_shared>> -> memref<10240x128xf32, #tpu.memory_space<vmem_shared>>
        tpu.wait_indirect_dma semaphore(%run_scoped3A_654 : memref<!tpu.dma_semaphore, #tpu.memory_space<semaphore_mem>>) src(%arg8 : memref<125x128xf32, #tpu.memory_space<vmem>>) dst(%dma_wait3A_666 : memref<10240x128xf32, #tpu.memory_space<vmem_shared>>)
        tpu.yield
      }) : () -> ()
    }
    %scan3A_91 = arith.constant 7 : i32
    %dma_wait3A_92 = arith.constant 0 : i32
    %dma_wait3A_93 = arith.constant 0 : i32
    %dma_wait3A_94 = arith.constant 0 : i32
    %dma_wait3A_95 = arith.constant 14 : i32
    %dma_wait3A_96 = arith.constant 0 : i32
    %dma_wait3A_97 = tpu.memref_slice %arg5[%dma_wait3A_94, %dma_wait3A_95, %dma_wait3A_96] : memref<2x16x125xi32, #tpu.memory_space<vmem>> -> memref<1x1x125xi32, #tpu.memory_space<vmem>>
    %dma_wait3A_98 = tpu.memref_squeeze %dma_wait3A_97 : memref<1x1x125xi32, #tpu.memory_space<vmem>> -> memref<125xi32, #tpu.memory_space<vmem>>
    %dma_wait3A_99 = arith.constant 0 : i32
    %dma_wait3A_100 = arith.constant 0 : i32
    %dma_wait3A_101 = arith.constant 0 : i32
    %dma_wait3A_102 = tpu.memref_slice %arg2[%dma_wait3A_92, %dma_wait3A_99, %dma_wait3A_100, %dma_wait3A_101] : memref<1x1x10000x128xf32, #tpu.memory_space<hbm>> -> memref<1x1x10000x128xf32, #tpu.memory_space<hbm>>
    %dma_wait3A_103 = tpu.memref_squeeze %dma_wait3A_102 : memref<1x1x10000x128xf32, #tpu.memory_space<hbm>> -> memref<1x10000x128xf32, #tpu.memory_space<hbm>>
    %dma_wait3A_104 = arith.constant 0 : i32
    %dma_wait3A_105 = arith.constant 0 : i32
    %dma_wait3A_106 = tpu.memref_slice %dma_wait3A_103[%dma_wait3A_93, %dma_wait3A_104, %dma_wait3A_105] : memref<1x10000x128xf32, #tpu.memory_space<hbm>> -> memref<1x10000x128xf32, #tpu.memory_space<hbm>>
    %dma_wait3A_107 = tpu.memref_squeeze %dma_wait3A_106 : memref<1x10000x128xf32, #tpu.memory_space<hbm>> -> memref<10000x128xf32, #tpu.memory_space<hbm>>
    %dma_wait3A_108 = arith.constant 0 : i32
    %dma_wait3A_109 = arith.constant 0 : i32
    %dma_wait3A_110 = tpu.memref_slice %dma_wait3A_107[%dma_wait3A_108, %dma_wait3A_109] : memref<10000x128xf32, #tpu.memory_space<hbm>> -> memref<10000x128xf32, #tpu.memory_space<hbm>>
    tpu.wait_indirect_dma semaphore(%arg10 : memref<!tpu.dma_semaphore, #tpu.memory_space<semaphore_mem>>) src(%dma_wait3A_110 : memref<10000x128xf32, #tpu.memory_space<hbm>>) dst(%arg7 : memref<125x128xf32, #tpu.memory_space<vmem>>)
    %dma_start3A_111 = arith.constant 0 : i32
    %dma_start3A_112 = arith.constant 0 : i32
    %dma_start3A_113 = arith.constant 0 : i32
    %dma_start3A_114 = arith.constant 15 : i32
    %dma_start3A_115 = arith.constant 0 : i32
    %dma_start3A_116 = tpu.memref_slice %arg5[%dma_start3A_113, %dma_start3A_114, %dma_start3A_115] : memref<2x16x125xi32, #tpu.memory_space<vmem>> -> memref<1x1x125xi32, #tpu.memory_space<vmem>>
    %dma_start3A_117 = tpu.memref_squeeze %dma_start3A_116 : memref<1x1x125xi32, #tpu.memory_space<vmem>> -> memref<125xi32, #tpu.memory_space<vmem>>
    %dma_start3A_118 = arith.constant 0 : i32
    %dma_start3A_119 = arith.constant 0 : i32
    %dma_start3A_120 = arith.constant 0 : i32
    %dma_start3A_121 = tpu.memref_slice %arg2[%dma_start3A_111, %dma_start3A_118, %dma_start3A_119, %dma_start3A_120] : memref<1x1x10000x128xf32, #tpu.memory_space<hbm>> -> memref<1x1x10000x128xf32, #tpu.memory_space<hbm>>
    %dma_start3A_122 = tpu.memref_squeeze %dma_start3A_121 : memref<1x1x10000x128xf32, #tpu.memory_space<hbm>> -> memref<1x10000x128xf32, #tpu.memory_space<hbm>>
    %dma_start3A_123 = arith.constant 0 : i32
    %dma_start3A_124 = arith.constant 0 : i32
    %dma_start3A_125 = tpu.memref_slice %dma_start3A_122[%dma_start3A_112, %dma_start3A_123, %dma_start3A_124] : memref<1x10000x128xf32, #tpu.memory_space<hbm>> -> memref<1x10000x128xf32, #tpu.memory_space<hbm>>
    %dma_start3A_126 = tpu.memref_squeeze %dma_start3A_125 : memref<1x10000x128xf32, #tpu.memory_space<hbm>> -> memref<10000x128xf32, #tpu.memory_space<hbm>>
    %dma_start3A_127 = arith.constant 0 : i32
    %dma_start3A_128 = arith.constant 0 : i32
    %dma_start3A_129 = tpu.memref_slice %dma_start3A_126[%dma_start3A_127, %dma_start3A_128] : memref<10000x128xf32, #tpu.memory_space<hbm>> -> memref<10000x128xf32, #tpu.memory_space<hbm>>
    tpu.enqueue_indirect_dma source(%dma_start3A_129 : memref<10000x128xf32, #tpu.memory_space<hbm>>) target(%arg8 : memref<125x128xf32, #tpu.memory_space<vmem>>) offsets(%dma_start3A_117 : memref<125xi32, #tpu.memory_space<vmem>>) semaphore(%arg11 : memref<!tpu.dma_semaphore, #tpu.memory_space<semaphore_mem>>)
    %run_scoped3A = arith.constant 1 : i32
    %run_scoped3A_130 = arith.constant 14 : i32
    "tpu.region"() ({
      %run_scoped3A_575 = tpu.sem_alloc : memref<!tpu.dma_semaphore, #tpu.memory_space<semaphore_mem>>
      %dma_start3A_576 = arith.constant 0 : i32
      %dma_start3A_577 = tpu.memref_slice %arg5[%run_scoped3A, %run_scoped3A_130, %dma_start3A_576] : memref<2x16x125xi32, #tpu.memory_space<vmem>> -> memref<1x1x125xi32, #tpu.memory_space<vmem>>
      %dma_start3A_578 = tpu.memref_squeeze %dma_start3A_577 : memref<1x1x125xi32, #tpu.memory_space<vmem>> -> memref<125xi32, #tpu.memory_space<vmem>>
      %dma_start3A_579 = arith.constant 0 : i32
      %dma_start3A_580 = arith.constant 0 : i32
      %dma_start3A_581 = tpu.memref_slice %arg9[%dma_start3A_579, %dma_start3A_580] : memref<10240x128xf32, #tpu.memory_space<vmem_shared>> -> memref<10240x128xf32, #tpu.memory_space<vmem_shared>>
      tpu.enqueue_indirect_dma source(%arg7 : memref<125x128xf32, #tpu.memory_space<vmem>>) target(%dma_start3A_581 : memref<10240x128xf32, #tpu.memory_space<vmem_shared>>) offsets(%dma_start3A_578 : memref<125xi32, #tpu.memory_space<vmem>>) semaphore(%run_scoped3A_575 : memref<!tpu.dma_semaphore, #tpu.memory_space<semaphore_mem>>) {add = true}
      %dma_wait3A_582 = arith.constant 0 : i32
      %dma_wait3A_583 = tpu.memref_slice %arg5[%run_scoped3A, %run_scoped3A_130, %dma_wait3A_582] : memref<2x16x125xi32, #tpu.memory_space<vmem>> -> memref<1x1x125xi32, #tpu.memory_space<vmem>>
      %dma_wait3A_584 = tpu.memref_squeeze %dma_wait3A_583 : memref<1x1x125xi32, #tpu.memory_space<vmem>> -> memref<125xi32, #tpu.memory_space<vmem>>
      %dma_wait3A_585 = arith.constant 0 : i32
      %dma_wait3A_586 = arith.constant 0 : i32
      %dma_wait3A_587 = tpu.memref_slice %arg9[%dma_wait3A_585, %dma_wait3A_586] : memref<10240x128xf32, #tpu.memory_space<vmem_shared>> -> memref<10240x128xf32, #tpu.memory_space<vmem_shared>>
      tpu.wait_indirect_dma semaphore(%run_scoped3A_575 : memref<!tpu.dma_semaphore, #tpu.memory_space<semaphore_mem>>) src(%arg7 : memref<125x128xf32, #tpu.memory_space<vmem>>) dst(%dma_wait3A_587 : memref<10240x128xf32, #tpu.memory_space<vmem_shared>>)
      tpu.yield
    }) : () -> ()
    %dma_wait3A_131 = arith.constant 0 : i32
    %dma_wait3A_132 = arith.constant 0 : i32
    %dma_wait3A_133 = arith.constant 0 : i32
    %dma_wait3A_134 = arith.constant 15 : i32
    %dma_wait3A_135 = arith.constant 0 : i32
    %dma_wait3A_136 = tpu.memref_slice %arg5[%dma_wait3A_133, %dma_wait3A_134, %dma_wait3A_135] : memref<2x16x125xi32, #tpu.memory_space<vmem>> -> memref<1x1x125xi32, #tpu.memory_space<vmem>>
    %dma_wait3A_137 = tpu.memref_squeeze %dma_wait3A_136 : memref<1x1x125xi32, #tpu.memory_space<vmem>> -> memref<125xi32, #tpu.memory_space<vmem>>
    %dma_wait3A_138 = arith.constant 0 : i32
    %dma_wait3A_139 = arith.constant 0 : i32
    %dma_wait3A_140 = arith.constant 0 : i32
    %dma_wait3A_141 = tpu.memref_slice %arg2[%dma_wait3A_131, %dma_wait3A_138, %dma_wait3A_139, %dma_wait3A_140] : memref<1x1x10000x128xf32, #tpu.memory_space<hbm>> -> memref<1x1x10000x128xf32, #tpu.memory_space<hbm>>
    %dma_wait3A_142 = tpu.memref_squeeze %dma_wait3A_141 : memref<1x1x10000x128xf32, #tpu.memory_space<hbm>> -> memref<1x10000x128xf32, #tpu.memory_space<hbm>>
    %dma_wait3A_143 = arith.constant 0 : i32
    %dma_wait3A_144 = arith.constant 0 : i32
    %dma_wait3A_145 = tpu.memref_slice %dma_wait3A_142[%dma_wait3A_132, %dma_wait3A_143, %dma_wait3A_144] : memref<1x10000x128xf32, #tpu.memory_space<hbm>> -> memref<1x10000x128xf32, #tpu.memory_space<hbm>>
    %dma_wait3A_146 = tpu.memref_squeeze %dma_wait3A_145 : memref<1x10000x128xf32, #tpu.memory_space<hbm>> -> memref<10000x128xf32, #tpu.memory_space<hbm>>
    %dma_wait3A_147 = arith.constant 0 : i32
    %dma_wait3A_148 = arith.constant 0 : i32
    %dma_wait3A_149 = tpu.memref_slice %dma_wait3A_146[%dma_wait3A_147, %dma_wait3A_148] : memref<10000x128xf32, #tpu.memory_space<hbm>> -> memref<10000x128xf32, #tpu.memory_space<hbm>>
    tpu.wait_indirect_dma semaphore(%arg11 : memref<!tpu.dma_semaphore, #tpu.memory_space<semaphore_mem>>) src(%dma_wait3A_149 : memref<10000x128xf32, #tpu.memory_space<hbm>>) dst(%arg8 : memref<125x128xf32, #tpu.memory_space<vmem>>)
    %run_scoped3A_150 = arith.constant 1 : i32
    %run_scoped3A_151 = arith.constant 15 : i32
    "tpu.region"() ({
      %run_scoped3A_575 = tpu.sem_alloc : memref<!tpu.dma_semaphore, #tpu.memory_space<semaphore_mem>>
      %dma_start3A_576 = arith.constant 0 : i32
      %dma_start3A_577 = tpu.memref_slice %arg5[%run_scoped3A_150, %run_scoped3A_151, %dma_start3A_576] : memref<2x16x125xi32, #tpu.memory_space<vmem>> -> memref<1x1x125xi32, #tpu.memory_space<vmem>>
      %dma_start3A_578 = tpu.memref_squeeze %dma_start3A_577 : memref<1x1x125xi32, #tpu.memory_space<vmem>> -> memref<125xi32, #tpu.memory_space<vmem>>
      %dma_start3A_579 = arith.constant 0 : i32
      %dma_start3A_580 = arith.constant 0 : i32
      %dma_start3A_581 = tpu.memref_slice %arg9[%dma_start3A_579, %dma_start3A_580] : memref<10240x128xf32, #tpu.memory_space<vmem_shared>> -> memref<10240x128xf32, #tpu.memory_space<vmem_shared>>
      tpu.enqueue_indirect_dma source(%arg8 : memref<125x128xf32, #tpu.memory_space<vmem>>) target(%dma_start3A_581 : memref<10240x128xf32, #tpu.memory_space<vmem_shared>>) offsets(%dma_start3A_578 : memref<125xi32, #tpu.memory_space<vmem>>) semaphore(%run_scoped3A_575 : memref<!tpu.dma_semaphore, #tpu.memory_space<semaphore_mem>>) {add = true}
      %dma_wait3A_582 = arith.constant 0 : i32
      %dma_wait3A_583 = tpu.memref_slice %arg5[%run_scoped3A_150, %run_scoped3A_151, %dma_wait3A_582] : memref<2x16x125xi32, #tpu.memory_space<vmem>> -> memref<1x1x125xi32, #tpu.memory_space<vmem>>
      %dma_wait3A_584 = tpu.memref_squeeze %dma_wait3A_583 : memref<1x1x125xi32, #tpu.memory_space<vmem>> -> memref<125xi32, #tpu.memory_space<vmem>>
      %dma_wait3A_585 = arith.constant 0 : i32
      %dma_wait3A_586 = arith.constant 0 : i32
      %dma_wait3A_587 = tpu.memref_slice %arg9[%dma_wait3A_585, %dma_wait3A_586] : memref<10240x128xf32, #tpu.memory_space<vmem_shared>> -> memref<10240x128xf32, #tpu.memory_space<vmem_shared>>
      tpu.wait_indirect_dma semaphore(%run_scoped3A_575 : memref<!tpu.dma_semaphore, #tpu.memory_space<semaphore_mem>>) src(%arg8 : memref<125x128xf32, #tpu.memory_space<vmem>>) dst(%dma_wait3A_587 : memref<10240x128xf32, #tpu.memory_space<vmem_shared>>)
      tpu.yield
    }) : () -> ()
    %mul3A_152 = arith.constant 80 : i32
    %mul3A_153 = arith.muli %add3A, %mul3A_152 : i32
    %add3A_154 = arith.constant 16 : i32
    %add3A_155 = arith.addi %mul3A_153, %add3A_154 : i32
    %dma_wait3A_156 = arith.constant 0 : i32
    %dma_wait3A_157 = arith.constant 0 : i32
    %dma_wait3A_158 = tpu.memref_slice %arg3[%dma_wait3A_156, %add3A_155, %dma_wait3A_157] : memref<2x2560x125xi32, #tpu.memory_space<hbm>> -> memref<2x16x125xi32, #tpu.memory_space<hbm>>
    %dma_wait3A_159 = arith.constant 0 : i32
    %dma_wait3A_160 = arith.constant 0 : i32
    %dma_wait3A_161 = tpu.memref_slice %arg3[%dma_wait3A_159, %add3A_155, %dma_wait3A_160] : memref<2x2560x125xi32, #tpu.memory_space<hbm>> -> memref<2x16x125xi32, #tpu.memory_space<hbm>>
    tpu.wait_dma2 semaphore(%arg13 : memref<!tpu.dma_semaphore, #tpu.memory_space<semaphore_mem>>) src(%dma_wait3A_161 : memref<2x16x125xi32, #tpu.memory_space<hbm>>) dst(%arg6 : memref<2x16x125xi32, #tpu.memory_space<vmem>>)
    %mul3A_162 = arith.constant 80 : i32
    %mul3A_163 = arith.muli %add3A, %mul3A_162 : i32
    %add3A_164 = arith.constant 32 : i32
    %add3A_165 = arith.addi %mul3A_163, %add3A_164 : i32
    %dma_start3A_166 = arith.constant 0 : i32
    %dma_start3A_167 = arith.constant 0 : i32
    %dma_start3A_168 = tpu.memref_slice %arg3[%dma_start3A_166, %add3A_165, %dma_start3A_167] : memref<2x2560x125xi32, #tpu.memory_space<hbm>> -> memref<2x16x125xi32, #tpu.memory_space<hbm>>
    %dma_start3A_169 = arith.constant 0 : i32
    %dma_start3A_170 = arith.constant 0 : i32
    %dma_start3A_171 = tpu.memref_slice %arg3[%dma_start3A_169, %add3A_165, %dma_start3A_170] : memref<2x2560x125xi32, #tpu.memory_space<hbm>> -> memref<2x16x125xi32, #tpu.memory_space<hbm>>
    tpu.enqueue_dma source(%dma_start3A_171 : memref<2x16x125xi32, #tpu.memory_space<hbm>>) target(%arg5 : memref<2x16x125xi32, #tpu.memory_space<vmem>>) target_semaphore(%arg12 : memref<!tpu.dma_semaphore, #tpu.memory_space<semaphore_mem>>)
    %dma_start3A_172 = arith.constant 0 : i32
    %dma_start3A_173 = arith.constant 0 : i32
    %dma_start3A_174 = arith.constant 0 : i32
    %dma_start3A_175 = arith.constant 0 : i32
    %dma_start3A_176 = arith.constant 0 : i32
    %dma_start3A_177 = tpu.memref_slice %arg6[%dma_start3A_174, %dma_start3A_175, %dma_start3A_176] : memref<2x16x125xi32, #tpu.memory_space<vmem>> -> memref<1x1x125xi32, #tpu.memory_space<vmem>>
    %dma_start3A_178 = tpu.memref_squeeze %dma_start3A_177 : memref<1x1x125xi32, #tpu.memory_space<vmem>> -> memref<125xi32, #tpu.memory_space<vmem>>
    %dma_start3A_179 = arith.constant 0 : i32
    %dma_start3A_180 = arith.constant 0 : i32
    %dma_start3A_181 = arith.constant 0 : i32
    %dma_start3A_182 = tpu.memref_slice %arg2[%dma_start3A_172, %dma_start3A_179, %dma_start3A_180, %dma_start3A_181] : memref<1x1x10000x128xf32, #tpu.memory_space<hbm>> -> memref<1x1x10000x128xf32, #tpu.memory_space<hbm>>
    %dma_start3A_183 = tpu.memref_squeeze %dma_start3A_182 : memref<1x1x10000x128xf32, #tpu.memory_space<hbm>> -> memref<1x10000x128xf32, #tpu.memory_space<hbm>>
    %dma_start3A_184 = arith.constant 0 : i32
    %dma_start3A_185 = arith.constant 0 : i32
    %dma_start3A_186 = tpu.memref_slice %dma_start3A_183[%dma_start3A_173, %dma_start3A_184, %dma_start3A_185] : memref<1x10000x128xf32, #tpu.memory_space<hbm>> -> memref<1x10000x128xf32, #tpu.memory_space<hbm>>
    %dma_start3A_187 = tpu.memref_squeeze %dma_start3A_186 : memref<1x10000x128xf32, #tpu.memory_space<hbm>> -> memref<10000x128xf32, #tpu.memory_space<hbm>>
    %dma_start3A_188 = arith.constant 0 : i32
    %dma_start3A_189 = arith.constant 0 : i32
    %dma_start3A_190 = tpu.memref_slice %dma_start3A_187[%dma_start3A_188, %dma_start3A_189] : memref<10000x128xf32, #tpu.memory_space<hbm>> -> memref<10000x128xf32, #tpu.memory_space<hbm>>
    tpu.enqueue_indirect_dma source(%dma_start3A_190 : memref<10000x128xf32, #tpu.memory_space<hbm>>) target(%arg7 : memref<125x128xf32, #tpu.memory_space<vmem>>) offsets(%dma_start3A_178 : memref<125xi32, #tpu.memory_space<vmem>>) semaphore(%arg10 : memref<!tpu.dma_semaphore, #tpu.memory_space<semaphore_mem>>)
    %scan3A_191 = arith.constant 0 : i32
    %scan3A_192 = arith.constant 0 : i32
    %scan3A_193 = arith.constant 0 : i32
    %scan3A_194 = arith.constant 7 : i32
    %scan3A_195 = arith.addi %scan3A_193, %scan3A_194 : i32
    %scan3A_196 = arith.constant 1 : i32
    scf.for %scan3A_575 = %scan3A_193 to %scan3A_195 step %scan3A_196  : i32 {
      %mul3A_576 = arith.constant 2 : i32
      %mul3A_577 = arith.muli %scan3A_575, %mul3A_576 : i32
      %add3A_578 = arith.constant 0 : i32
      %add3A_579 = arith.addi %add3A_578, %mul3A_577 : i32
      %dma_wait3A_580 = arith.constant 0 : i32
      %dma_wait3A_581 = arith.constant 0 : i32
      %dma_wait3A_582 = tpu.memref_slice %arg6[%dma_wait3A_580, %add3A_579, %dma_wait3A_581] : memref<2x16x125xi32, #tpu.memory_space<vmem>> -> memref<1x1x125xi32, #tpu.memory_space<vmem>>
      %dma_wait3A_583 = tpu.memref_squeeze %dma_wait3A_582 : memref<1x1x125xi32, #tpu.memory_space<vmem>> -> memref<125xi32, #tpu.memory_space<vmem>>
      %dma_wait3A_584 = arith.constant 0 : i32
      %dma_wait3A_585 = arith.constant 0 : i32
      %dma_wait3A_586 = arith.constant 0 : i32
      %dma_wait3A_587 = tpu.memref_slice %arg2[%scan3A_191, %dma_wait3A_584, %dma_wait3A_585, %dma_wait3A_586] : memref<1x1x10000x128xf32, #tpu.memory_space<hbm>> -> memref<1x1x10000x128xf32, #tpu.memory_space<hbm>>
      %dma_wait3A_588 = tpu.memref_squeeze %dma_wait3A_587 : memref<1x1x10000x128xf32, #tpu.memory_space<hbm>> -> memref<1x10000x128xf32, #tpu.memory_space<hbm>>
      %dma_wait3A_589 = arith.constant 0 : i32
      %dma_wait3A_590 = arith.constant 0 : i32
      %dma_wait3A_591 = tpu.memref_slice %dma_wait3A_588[%scan3A_192, %dma_wait3A_589, %dma_wait3A_590] : memref<1x10000x128xf32, #tpu.memory_space<hbm>> -> memref<1x10000x128xf32, #tpu.memory_space<hbm>>
      %dma_wait3A_592 = tpu.memref_squeeze %dma_wait3A_591 : memref<1x10000x128xf32, #tpu.memory_space<hbm>> -> memref<10000x128xf32, #tpu.memory_space<hbm>>
      %dma_wait3A_593 = arith.constant 0 : i32
      %dma_wait3A_594 = arith.constant 0 : i32
      %dma_wait3A_595 = tpu.memref_slice %dma_wait3A_592[%dma_wait3A_593, %dma_wait3A_594] : memref<10000x128xf32, #tpu.memory_space<hbm>> -> memref<10000x128xf32, #tpu.memory_space<hbm>>
      tpu.wait_indirect_dma semaphore(%arg10 : memref<!tpu.dma_semaphore, #tpu.memory_space<semaphore_mem>>) src(%dma_wait3A_595 : memref<10000x128xf32, #tpu.memory_space<hbm>>) dst(%arg7 : memref<125x128xf32, #tpu.memory_space<vmem>>)
      %add3A_596 = arith.constant 1 : i32
      %add3A_597 = arith.addi %add3A_579, %add3A_596 : i32
      %dma_start3A_598 = arith.constant 0 : i32
      %dma_start3A_599 = arith.constant 0 : i32
      %dma_start3A_600 = tpu.memref_slice %arg6[%dma_start3A_598, %add3A_597, %dma_start3A_599] : memref<2x16x125xi32, #tpu.memory_space<vmem>> -> memref<1x1x125xi32, #tpu.memory_space<vmem>>
      %dma_start3A_601 = tpu.memref_squeeze %dma_start3A_600 : memref<1x1x125xi32, #tpu.memory_space<vmem>> -> memref<125xi32, #tpu.memory_space<vmem>>
      %dma_start3A_602 = arith.constant 0 : i32
      %dma_start3A_603 = arith.constant 0 : i32
      %dma_start3A_604 = arith.constant 0 : i32
      %dma_start3A_605 = tpu.memref_slice %arg2[%scan3A_191, %dma_start3A_602, %dma_start3A_603, %dma_start3A_604] : memref<1x1x10000x128xf32, #tpu.memory_space<hbm>> -> memref<1x1x10000x128xf32, #tpu.memory_space<hbm>>
      %dma_start3A_606 = tpu.memref_squeeze %dma_start3A_605 : memref<1x1x10000x128xf32, #tpu.memory_space<hbm>> -> memref<1x10000x128xf32, #tpu.memory_space<hbm>>
      %dma_start3A_607 = arith.constant 0 : i32
      %dma_start3A_608 = arith.constant 0 : i32
      %dma_start3A_609 = tpu.memref_slice %dma_start3A_606[%scan3A_192, %dma_start3A_607, %dma_start3A_608] : memref<1x10000x128xf32, #tpu.memory_space<hbm>> -> memref<1x10000x128xf32, #tpu.memory_space<hbm>>
      %dma_start3A_610 = tpu.memref_squeeze %dma_start3A_609 : memref<1x10000x128xf32, #tpu.memory_space<hbm>> -> memref<10000x128xf32, #tpu.memory_space<hbm>>
      %dma_start3A_611 = arith.constant 0 : i32
      %dma_start3A_612 = arith.constant 0 : i32
      %dma_start3A_613 = tpu.memref_slice %dma_start3A_610[%dma_start3A_611, %dma_start3A_612] : memref<10000x128xf32, #tpu.memory_space<hbm>> -> memref<10000x128xf32, #tpu.memory_space<hbm>>
      tpu.enqueue_indirect_dma source(%dma_start3A_613 : memref<10000x128xf32, #tpu.memory_space<hbm>>) target(%arg8 : memref<125x128xf32, #tpu.memory_space<vmem>>) offsets(%dma_start3A_601 : memref<125xi32, #tpu.memory_space<vmem>>) semaphore(%arg11 : memref<!tpu.dma_semaphore, #tpu.memory_space<semaphore_mem>>)
      %run_scoped3A_614 = arith.constant 1 : i32
      "tpu.region"() ({
        %run_scoped3A_654 = tpu.sem_alloc : memref<!tpu.dma_semaphore, #tpu.memory_space<semaphore_mem>>
        %dma_start3A_655 = arith.constant 0 : i32
        %dma_start3A_656 = tpu.memref_slice %arg6[%run_scoped3A_614, %add3A_579, %dma_start3A_655] : memref<2x16x125xi32, #tpu.memory_space<vmem>> -> memref<1x1x125xi32, #tpu.memory_space<vmem>>
        %dma_start3A_657 = tpu.memref_squeeze %dma_start3A_656 : memref<1x1x125xi32, #tpu.memory_space<vmem>> -> memref<125xi32, #tpu.memory_space<vmem>>
        %dma_start3A_658 = arith.constant 0 : i32
        %dma_start3A_659 = arith.constant 0 : i32
        %dma_start3A_660 = tpu.memref_slice %arg9[%dma_start3A_658, %dma_start3A_659] : memref<10240x128xf32, #tpu.memory_space<vmem_shared>> -> memref<10240x128xf32, #tpu.memory_space<vmem_shared>>
        tpu.enqueue_indirect_dma source(%arg7 : memref<125x128xf32, #tpu.memory_space<vmem>>) target(%dma_start3A_660 : memref<10240x128xf32, #tpu.memory_space<vmem_shared>>) offsets(%dma_start3A_657 : memref<125xi32, #tpu.memory_space<vmem>>) semaphore(%run_scoped3A_654 : memref<!tpu.dma_semaphore, #tpu.memory_space<semaphore_mem>>) {add = true}
        %dma_wait3A_661 = arith.constant 0 : i32
        %dma_wait3A_662 = tpu.memref_slice %arg6[%run_scoped3A_614, %add3A_579, %dma_wait3A_661] : memref<2x16x125xi32, #tpu.memory_space<vmem>> -> memref<1x1x125xi32, #tpu.memory_space<vmem>>
        %dma_wait3A_663 = tpu.memref_squeeze %dma_wait3A_662 : memref<1x1x125xi32, #tpu.memory_space<vmem>> -> memref<125xi32, #tpu.memory_space<vmem>>
        %dma_wait3A_664 = arith.constant 0 : i32
        %dma_wait3A_665 = arith.constant 0 : i32
        %dma_wait3A_666 = tpu.memref_slice %arg9[%dma_wait3A_664, %dma_wait3A_665] : memref<10240x128xf32, #tpu.memory_space<vmem_shared>> -> memref<10240x128xf32, #tpu.memory_space<vmem_shared>>
        tpu.wait_indirect_dma semaphore(%run_scoped3A_654 : memref<!tpu.dma_semaphore, #tpu.memory_space<semaphore_mem>>) src(%arg7 : memref<125x128xf32, #tpu.memory_space<vmem>>) dst(%dma_wait3A_666 : memref<10240x128xf32, #tpu.memory_space<vmem_shared>>)
        tpu.yield
      }) : () -> ()
      %add3A_615 = arith.constant 1 : i32
      %add3A_616 = arith.addi %add3A_579, %add3A_615 : i32
      %dma_wait3A_617 = arith.constant 0 : i32
      %dma_wait3A_618 = arith.constant 0 : i32
      %dma_wait3A_619 = tpu.memref_slice %arg6[%dma_wait3A_617, %add3A_616, %dma_wait3A_618] : memref<2x16x125xi32, #tpu.memory_space<vmem>> -> memref<1x1x125xi32, #tpu.memory_space<vmem>>
      %dma_wait3A_620 = tpu.memref_squeeze %dma_wait3A_619 : memref<1x1x125xi32, #tpu.memory_space<vmem>> -> memref<125xi32, #tpu.memory_space<vmem>>
      %dma_wait3A_621 = arith.constant 0 : i32
      %dma_wait3A_622 = arith.constant 0 : i32
      %dma_wait3A_623 = arith.constant 0 : i32
      %dma_wait3A_624 = tpu.memref_slice %arg2[%scan3A_191, %dma_wait3A_621, %dma_wait3A_622, %dma_wait3A_623] : memref<1x1x10000x128xf32, #tpu.memory_space<hbm>> -> memref<1x1x10000x128xf32, #tpu.memory_space<hbm>>
      %dma_wait3A_625 = tpu.memref_squeeze %dma_wait3A_624 : memref<1x1x10000x128xf32, #tpu.memory_space<hbm>> -> memref<1x10000x128xf32, #tpu.memory_space<hbm>>
      %dma_wait3A_626 = arith.constant 0 : i32
      %dma_wait3A_627 = arith.constant 0 : i32
      %dma_wait3A_628 = tpu.memref_slice %dma_wait3A_625[%scan3A_192, %dma_wait3A_626, %dma_wait3A_627] : memref<1x10000x128xf32, #tpu.memory_space<hbm>> -> memref<1x10000x128xf32, #tpu.memory_space<hbm>>
      %dma_wait3A_629 = tpu.memref_squeeze %dma_wait3A_628 : memref<1x10000x128xf32, #tpu.memory_space<hbm>> -> memref<10000x128xf32, #tpu.memory_space<hbm>>
      %dma_wait3A_630 = arith.constant 0 : i32
      %dma_wait3A_631 = arith.constant 0 : i32
      %dma_wait3A_632 = tpu.memref_slice %dma_wait3A_629[%dma_wait3A_630, %dma_wait3A_631] : memref<10000x128xf32, #tpu.memory_space<hbm>> -> memref<10000x128xf32, #tpu.memory_space<hbm>>
      tpu.wait_indirect_dma semaphore(%arg11 : memref<!tpu.dma_semaphore, #tpu.memory_space<semaphore_mem>>) src(%dma_wait3A_632 : memref<10000x128xf32, #tpu.memory_space<hbm>>) dst(%arg8 : memref<125x128xf32, #tpu.memory_space<vmem>>)
      %add3A_633 = arith.constant 2 : i32
      %add3A_634 = arith.addi %add3A_579, %add3A_633 : i32
      %dma_start3A_635 = arith.constant 0 : i32
      %dma_start3A_636 = arith.constant 0 : i32
      %dma_start3A_637 = tpu.memref_slice %arg6[%dma_start3A_635, %add3A_634, %dma_start3A_636] : memref<2x16x125xi32, #tpu.memory_space<vmem>> -> memref<1x1x125xi32, #tpu.memory_space<vmem>>
      %dma_start3A_638 = tpu.memref_squeeze %dma_start3A_637 : memref<1x1x125xi32, #tpu.memory_space<vmem>> -> memref<125xi32, #tpu.memory_space<vmem>>
      %dma_start3A_639 = arith.constant 0 : i32
      %dma_start3A_640 = arith.constant 0 : i32
      %dma_start3A_641 = arith.constant 0 : i32
      %dma_start3A_642 = tpu.memref_slice %arg2[%scan3A_191, %dma_start3A_639, %dma_start3A_640, %dma_start3A_641] : memref<1x1x10000x128xf32, #tpu.memory_space<hbm>> -> memref<1x1x10000x128xf32, #tpu.memory_space<hbm>>
      %dma_start3A_643 = tpu.memref_squeeze %dma_start3A_642 : memref<1x1x10000x128xf32, #tpu.memory_space<hbm>> -> memref<1x10000x128xf32, #tpu.memory_space<hbm>>
      %dma_start3A_644 = arith.constant 0 : i32
      %dma_start3A_645 = arith.constant 0 : i32
      %dma_start3A_646 = tpu.memref_slice %dma_start3A_643[%scan3A_192, %dma_start3A_644, %dma_start3A_645] : memref<1x10000x128xf32, #tpu.memory_space<hbm>> -> memref<1x10000x128xf32, #tpu.memory_space<hbm>>
      %dma_start3A_647 = tpu.memref_squeeze %dma_start3A_646 : memref<1x10000x128xf32, #tpu.memory_space<hbm>> -> memref<10000x128xf32, #tpu.memory_space<hbm>>
      %dma_start3A_648 = arith.constant 0 : i32
      %dma_start3A_649 = arith.constant 0 : i32
      %dma_start3A_650 = tpu.memref_slice %dma_start3A_647[%dma_start3A_648, %dma_start3A_649] : memref<10000x128xf32, #tpu.memory_space<hbm>> -> memref<10000x128xf32, #tpu.memory_space<hbm>>
      tpu.enqueue_indirect_dma source(%dma_start3A_650 : memref<10000x128xf32, #tpu.memory_space<hbm>>) target(%arg7 : memref<125x128xf32, #tpu.memory_space<vmem>>) offsets(%dma_start3A_638 : memref<125xi32, #tpu.memory_space<vmem>>) semaphore(%arg10 : memref<!tpu.dma_semaphore, #tpu.memory_space<semaphore_mem>>)
      %add3A_651 = arith.constant 1 : i32
      %add3A_652 = arith.addi %add3A_579, %add3A_651 : i32
      %run_scoped3A_653 = arith.constant 1 : i32
      "tpu.region"() ({
        %run_scoped3A_654 = tpu.sem_alloc : memref<!tpu.dma_semaphore, #tpu.memory_space<semaphore_mem>>
        %dma_start3A_655 = arith.constant 0 : i32
        %dma_start3A_656 = tpu.memref_slice %arg6[%run_scoped3A_653, %add3A_652, %dma_start3A_655] : memref<2x16x125xi32, #tpu.memory_space<vmem>> -> memref<1x1x125xi32, #tpu.memory_space<vmem>>
        %dma_start3A_657 = tpu.memref_squeeze %dma_start3A_656 : memref<1x1x125xi32, #tpu.memory_space<vmem>> -> memref<125xi32, #tpu.memory_space<vmem>>
        %dma_start3A_658 = arith.constant 0 : i32
        %dma_start3A_659 = arith.constant 0 : i32
        %dma_start3A_660 = tpu.memref_slice %arg9[%dma_start3A_658, %dma_start3A_659] : memref<10240x128xf32, #tpu.memory_space<vmem_shared>> -> memref<10240x128xf32, #tpu.memory_space<vmem_shared>>
        tpu.enqueue_indirect_dma source(%arg8 : memref<125x128xf32, #tpu.memory_space<vmem>>) target(%dma_start3A_660 : memref<10240x128xf32, #tpu.memory_space<vmem_shared>>) offsets(%dma_start3A_657 : memref<125xi32, #tpu.memory_space<vmem>>) semaphore(%run_scoped3A_654 : memref<!tpu.dma_semaphore, #tpu.memory_space<semaphore_mem>>) {add = true}
        %dma_wait3A_661 = arith.constant 0 : i32
        %dma_wait3A_662 = tpu.memref_slice %arg6[%run_scoped3A_653, %add3A_652, %dma_wait3A_661] : memref<2x16x125xi32, #tpu.memory_space<vmem>> -> memref<1x1x125xi32, #tpu.memory_space<vmem>>
        %dma_wait3A_663 = tpu.memref_squeeze %dma_wait3A_662 : memref<1x1x125xi32, #tpu.memory_space<vmem>> -> memref<125xi32, #tpu.memory_space<vmem>>
        %dma_wait3A_664 = arith.constant 0 : i32
        %dma_wait3A_665 = arith.constant 0 : i32
        %dma_wait3A_666 = tpu.memref_slice %arg9[%dma_wait3A_664, %dma_wait3A_665] : memref<10240x128xf32, #tpu.memory_space<vmem_shared>> -> memref<10240x128xf32, #tpu.memory_space<vmem_shared>>
        tpu.wait_indirect_dma semaphore(%run_scoped3A_654 : memref<!tpu.dma_semaphore, #tpu.memory_space<semaphore_mem>>) src(%arg8 : memref<125x128xf32, #tpu.memory_space<vmem>>) dst(%dma_wait3A_666 : memref<10240x128xf32, #tpu.memory_space<vmem_shared>>)
        tpu.yield
      }) : () -> ()
    }
    %scan3A_197 = arith.constant 7 : i32
    %dma_wait3A_198 = arith.constant 0 : i32
    %dma_wait3A_199 = arith.constant 0 : i32
    %dma_wait3A_200 = arith.constant 0 : i32
    %dma_wait3A_201 = arith.constant 14 : i32
    %dma_wait3A_202 = arith.constant 0 : i32
    %dma_wait3A_203 = tpu.memref_slice %arg6[%dma_wait3A_200, %dma_wait3A_201, %dma_wait3A_202] : memref<2x16x125xi32, #tpu.memory_space<vmem>> -> memref<1x1x125xi32, #tpu.memory_space<vmem>>
    %dma_wait3A_204 = tpu.memref_squeeze %dma_wait3A_203 : memref<1x1x125xi32, #tpu.memory_space<vmem>> -> memref<125xi32, #tpu.memory_space<vmem>>
    %dma_wait3A_205 = arith.constant 0 : i32
    %dma_wait3A_206 = arith.constant 0 : i32
    %dma_wait3A_207 = arith.constant 0 : i32
    %dma_wait3A_208 = tpu.memref_slice %arg2[%dma_wait3A_198, %dma_wait3A_205, %dma_wait3A_206, %dma_wait3A_207] : memref<1x1x10000x128xf32, #tpu.memory_space<hbm>> -> memref<1x1x10000x128xf32, #tpu.memory_space<hbm>>
    %dma_wait3A_209 = tpu.memref_squeeze %dma_wait3A_208 : memref<1x1x10000x128xf32, #tpu.memory_space<hbm>> -> memref<1x10000x128xf32, #tpu.memory_space<hbm>>
    %dma_wait3A_210 = arith.constant 0 : i32
    %dma_wait3A_211 = arith.constant 0 : i32
    %dma_wait3A_212 = tpu.memref_slice %dma_wait3A_209[%dma_wait3A_199, %dma_wait3A_210, %dma_wait3A_211] : memref<1x10000x128xf32, #tpu.memory_space<hbm>> -> memref<1x10000x128xf32, #tpu.memory_space<hbm>>
    %dma_wait3A_213 = tpu.memref_squeeze %dma_wait3A_212 : memref<1x10000x128xf32, #tpu.memory_space<hbm>> -> memref<10000x128xf32, #tpu.memory_space<hbm>>
    %dma_wait3A_214 = arith.constant 0 : i32
    %dma_wait3A_215 = arith.constant 0 : i32
    %dma_wait3A_216 = tpu.memref_slice %dma_wait3A_213[%dma_wait3A_214, %dma_wait3A_215] : memref<10000x128xf32, #tpu.memory_space<hbm>> -> memref<10000x128xf32, #tpu.memory_space<hbm>>
    tpu.wait_indirect_dma semaphore(%arg10 : memref<!tpu.dma_semaphore, #tpu.memory_space<semaphore_mem>>) src(%dma_wait3A_216 : memref<10000x128xf32, #tpu.memory_space<hbm>>) dst(%arg7 : memref<125x128xf32, #tpu.memory_space<vmem>>)
    %dma_start3A_217 = arith.constant 0 : i32
    %dma_start3A_218 = arith.constant 0 : i32
    %dma_start3A_219 = arith.constant 0 : i32
    %dma_start3A_220 = arith.constant 15 : i32
    %dma_start3A_221 = arith.constant 0 : i32
    %dma_start3A_222 = tpu.memref_slice %arg6[%dma_start3A_219, %dma_start3A_220, %dma_start3A_221] : memref<2x16x125xi32, #tpu.memory_space<vmem>> -> memref<1x1x125xi32, #tpu.memory_space<vmem>>
    %dma_start3A_223 = tpu.memref_squeeze %dma_start3A_222 : memref<1x1x125xi32, #tpu.memory_space<vmem>> -> memref<125xi32, #tpu.memory_space<vmem>>
    %dma_start3A_224 = arith.constant 0 : i32
    %dma_start3A_225 = arith.constant 0 : i32
    %dma_start3A_226 = arith.constant 0 : i32
    %dma_start3A_227 = tpu.memref_slice %arg2[%dma_start3A_217, %dma_start3A_224, %dma_start3A_225, %dma_start3A_226] : memref<1x1x10000x128xf32, #tpu.memory_space<hbm>> -> memref<1x1x10000x128xf32, #tpu.memory_space<hbm>>
    %dma_start3A_228 = tpu.memref_squeeze %dma_start3A_227 : memref<1x1x10000x128xf32, #tpu.memory_space<hbm>> -> memref<1x10000x128xf32, #tpu.memory_space<hbm>>
    %dma_start3A_229 = arith.constant 0 : i32
    %dma_start3A_230 = arith.constant 0 : i32
    %dma_start3A_231 = tpu.memref_slice %dma_start3A_228[%dma_start3A_218, %dma_start3A_229, %dma_start3A_230] : memref<1x10000x128xf32, #tpu.memory_space<hbm>> -> memref<1x10000x128xf32, #tpu.memory_space<hbm>>
    %dma_start3A_232 = tpu.memref_squeeze %dma_start3A_231 : memref<1x10000x128xf32, #tpu.memory_space<hbm>> -> memref<10000x128xf32, #tpu.memory_space<hbm>>
    %dma_start3A_233 = arith.constant 0 : i32
    %dma_start3A_234 = arith.constant 0 : i32
    %dma_start3A_235 = tpu.memref_slice %dma_start3A_232[%dma_start3A_233, %dma_start3A_234] : memref<10000x128xf32, #tpu.memory_space<hbm>> -> memref<10000x128xf32, #tpu.memory_space<hbm>>
    tpu.enqueue_indirect_dma source(%dma_start3A_235 : memref<10000x128xf32, #tpu.memory_space<hbm>>) target(%arg8 : memref<125x128xf32, #tpu.memory_space<vmem>>) offsets(%dma_start3A_223 : memref<125xi32, #tpu.memory_space<vmem>>) semaphore(%arg11 : memref<!tpu.dma_semaphore, #tpu.memory_space<semaphore_mem>>)
    %run_scoped3A_236 = arith.constant 1 : i32
    %run_scoped3A_237 = arith.constant 14 : i32
    "tpu.region"() ({
      %run_scoped3A_575 = tpu.sem_alloc : memref<!tpu.dma_semaphore, #tpu.memory_space<semaphore_mem>>
      %dma_start3A_576 = arith.constant 0 : i32
      %dma_start3A_577 = tpu.memref_slice %arg6[%run_scoped3A_236, %run_scoped3A_237, %dma_start3A_576] : memref<2x16x125xi32, #tpu.memory_space<vmem>> -> memref<1x1x125xi32, #tpu.memory_space<vmem>>
      %dma_start3A_578 = tpu.memref_squeeze %dma_start3A_577 : memref<1x1x125xi32, #tpu.memory_space<vmem>> -> memref<125xi32, #tpu.memory_space<vmem>>
      %dma_start3A_579 = arith.constant 0 : i32
      %dma_start3A_580 = arith.constant 0 : i32
      %dma_start3A_581 = tpu.memref_slice %arg9[%dma_start3A_579, %dma_start3A_580] : memref<10240x128xf32, #tpu.memory_space<vmem_shared>> -> memref<10240x128xf32, #tpu.memory_space<vmem_shared>>
      tpu.enqueue_indirect_dma source(%arg7 : memref<125x128xf32, #tpu.memory_space<vmem>>) target(%dma_start3A_581 : memref<10240x128xf32, #tpu.memory_space<vmem_shared>>) offsets(%dma_start3A_578 : memref<125xi32, #tpu.memory_space<vmem>>) semaphore(%run_scoped3A_575 : memref<!tpu.dma_semaphore, #tpu.memory_space<semaphore_mem>>) {add = true}
      %dma_wait3A_582 = arith.constant 0 : i32
      %dma_wait3A_583 = tpu.memref_slice %arg6[%run_scoped3A_236, %run_scoped3A_237, %dma_wait3A_582] : memref<2x16x125xi32, #tpu.memory_space<vmem>> -> memref<1x1x125xi32, #tpu.memory_space<vmem>>
      %dma_wait3A_584 = tpu.memref_squeeze %dma_wait3A_583 : memref<1x1x125xi32, #tpu.memory_space<vmem>> -> memref<125xi32, #tpu.memory_space<vmem>>
      %dma_wait3A_585 = arith.constant 0 : i32
      %dma_wait3A_586 = arith.constant 0 : i32
      %dma_wait3A_587 = tpu.memref_slice %arg9[%dma_wait3A_585, %dma_wait3A_586] : memref<10240x128xf32, #tpu.memory_space<vmem_shared>> -> memref<10240x128xf32, #tpu.memory_space<vmem_shared>>
      tpu.wait_indirect_dma semaphore(%run_scoped3A_575 : memref<!tpu.dma_semaphore, #tpu.memory_space<semaphore_mem>>) src(%arg7 : memref<125x128xf32, #tpu.memory_space<vmem>>) dst(%dma_wait3A_587 : memref<10240x128xf32, #tpu.memory_space<vmem_shared>>)
      tpu.yield
    }) : () -> ()
    %dma_wait3A_238 = arith.constant 0 : i32
    %dma_wait3A_239 = arith.constant 0 : i32
    %dma_wait3A_240 = arith.constant 0 : i32
    %dma_wait3A_241 = arith.constant 15 : i32
    %dma_wait3A_242 = arith.constant 0 : i32
    %dma_wait3A_243 = tpu.memref_slice %arg6[%dma_wait3A_240, %dma_wait3A_241, %dma_wait3A_242] : memref<2x16x125xi32, #tpu.memory_space<vmem>> -> memref<1x1x125xi32, #tpu.memory_space<vmem>>
    %dma_wait3A_244 = tpu.memref_squeeze %dma_wait3A_243 : memref<1x1x125xi32, #tpu.memory_space<vmem>> -> memref<125xi32, #tpu.memory_space<vmem>>
    %dma_wait3A_245 = arith.constant 0 : i32
    %dma_wait3A_246 = arith.constant 0 : i32
    %dma_wait3A_247 = arith.constant 0 : i32
    %dma_wait3A_248 = tpu.memref_slice %arg2[%dma_wait3A_238, %dma_wait3A_245, %dma_wait3A_246, %dma_wait3A_247] : memref<1x1x10000x128xf32, #tpu.memory_space<hbm>> -> memref<1x1x10000x128xf32, #tpu.memory_space<hbm>>
    %dma_wait3A_249 = tpu.memref_squeeze %dma_wait3A_248 : memref<1x1x10000x128xf32, #tpu.memory_space<hbm>> -> memref<1x10000x128xf32, #tpu.memory_space<hbm>>
    %dma_wait3A_250 = arith.constant 0 : i32
    %dma_wait3A_251 = arith.constant 0 : i32
    %dma_wait3A_252 = tpu.memref_slice %dma_wait3A_249[%dma_wait3A_239, %dma_wait3A_250, %dma_wait3A_251] : memref<1x10000x128xf32, #tpu.memory_space<hbm>> -> memref<1x10000x128xf32, #tpu.memory_space<hbm>>
    %dma_wait3A_253 = tpu.memref_squeeze %dma_wait3A_252 : memref<1x10000x128xf32, #tpu.memory_space<hbm>> -> memref<10000x128xf32, #tpu.memory_space<hbm>>
    %dma_wait3A_254 = arith.constant 0 : i32
    %dma_wait3A_255 = arith.constant 0 : i32
    %dma_wait3A_256 = tpu.memref_slice %dma_wait3A_253[%dma_wait3A_254, %dma_wait3A_255] : memref<10000x128xf32, #tpu.memory_space<hbm>> -> memref<10000x128xf32, #tpu.memory_space<hbm>>
    tpu.wait_indirect_dma semaphore(%arg11 : memref<!tpu.dma_semaphore, #tpu.memory_space<semaphore_mem>>) src(%dma_wait3A_256 : memref<10000x128xf32, #tpu.memory_space<hbm>>) dst(%arg8 : memref<125x128xf32, #tpu.memory_space<vmem>>)
    %run_scoped3A_257 = arith.constant 1 : i32
    %run_scoped3A_258 = arith.constant 15 : i32
    "tpu.region"() ({
      %run_scoped3A_575 = tpu.sem_alloc : memref<!tpu.dma_semaphore, #tpu.memory_space<semaphore_mem>>
      %dma_start3A_576 = arith.constant 0 : i32
      %dma_start3A_577 = tpu.memref_slice %arg6[%run_scoped3A_257, %run_scoped3A_258, %dma_start3A_576] : memref<2x16x125xi32, #tpu.memory_space<vmem>> -> memref<1x1x125xi32, #tpu.memory_space<vmem>>
      %dma_start3A_578 = tpu.memref_squeeze %dma_start3A_577 : memref<1x1x125xi32, #tpu.memory_space<vmem>> -> memref<125xi32, #tpu.memory_space<vmem>>
      %dma_start3A_579 = arith.constant 0 : i32
      %dma_start3A_580 = arith.constant 0 : i32
      %dma_start3A_581 = tpu.memref_slice %arg9[%dma_start3A_579, %dma_start3A_580] : memref<10240x128xf32, #tpu.memory_space<vmem_shared>> -> memref<10240x128xf32, #tpu.memory_space<vmem_shared>>
      tpu.enqueue_indirect_dma source(%arg8 : memref<125x128xf32, #tpu.memory_space<vmem>>) target(%dma_start3A_581 : memref<10240x128xf32, #tpu.memory_space<vmem_shared>>) offsets(%dma_start3A_578 : memref<125xi32, #tpu.memory_space<vmem>>) semaphore(%run_scoped3A_575 : memref<!tpu.dma_semaphore, #tpu.memory_space<semaphore_mem>>) {add = true}
      %dma_wait3A_582 = arith.constant 0 : i32
      %dma_wait3A_583 = tpu.memref_slice %arg6[%run_scoped3A_257, %run_scoped3A_258, %dma_wait3A_582] : memref<2x16x125xi32, #tpu.memory_space<vmem>> -> memref<1x1x125xi32, #tpu.memory_space<vmem>>
      %dma_wait3A_584 = tpu.memref_squeeze %dma_wait3A_583 : memref<1x1x125xi32, #tpu.memory_space<vmem>> -> memref<125xi32, #tpu.memory_space<vmem>>
      %dma_wait3A_585 = arith.constant 0 : i32
      %dma_wait3A_586 = arith.constant 0 : i32
      %dma_wait3A_587 = tpu.memref_slice %arg9[%dma_wait3A_585, %dma_wait3A_586] : memref<10240x128xf32, #tpu.memory_space<vmem_shared>> -> memref<10240x128xf32, #tpu.memory_space<vmem_shared>>
      tpu.wait_indirect_dma semaphore(%run_scoped3A_575 : memref<!tpu.dma_semaphore, #tpu.memory_space<semaphore_mem>>) src(%arg8 : memref<125x128xf32, #tpu.memory_space<vmem>>) dst(%dma_wait3A_587 : memref<10240x128xf32, #tpu.memory_space<vmem_shared>>)
      tpu.yield
    }) : () -> ()
    %mul3A_259 = arith.constant 80 : i32
    %mul3A_260 = arith.muli %add3A, %mul3A_259 : i32
    %add3A_261 = arith.constant 32 : i32
    %add3A_262 = arith.addi %mul3A_260, %add3A_261 : i32
    %dma_wait3A_263 = arith.constant 0 : i32
    %dma_wait3A_264 = arith.constant 0 : i32
    %dma_wait3A_265 = tpu.memref_slice %arg3[%dma_wait3A_263, %add3A_262, %dma_wait3A_264] : memref<2x2560x125xi32, #tpu.memory_space<hbm>> -> memref<2x16x125xi32, #tpu.memory_space<hbm>>
    %dma_wait3A_266 = arith.constant 0 : i32
    %dma_wait3A_267 = arith.constant 0 : i32
    %dma_wait3A_268 = tpu.memref_slice %arg3[%dma_wait3A_266, %add3A_262, %dma_wait3A_267] : memref<2x2560x125xi32, #tpu.memory_space<hbm>> -> memref<2x16x125xi32, #tpu.memory_space<hbm>>
    tpu.wait_dma2 semaphore(%arg12 : memref<!tpu.dma_semaphore, #tpu.memory_space<semaphore_mem>>) src(%dma_wait3A_268 : memref<2x16x125xi32, #tpu.memory_space<hbm>>) dst(%arg5 : memref<2x16x125xi32, #tpu.memory_space<vmem>>)
    %mul3A_269 = arith.constant 80 : i32
    %mul3A_270 = arith.muli %add3A, %mul3A_269 : i32
    %add3A_271 = arith.constant 48 : i32
    %add3A_272 = arith.addi %mul3A_270, %add3A_271 : i32
    %dma_start3A_273 = arith.constant 0 : i32
    %dma_start3A_274 = arith.constant 0 : i32
    %dma_start3A_275 = tpu.memref_slice %arg3[%dma_start3A_273, %add3A_272, %dma_start3A_274] : memref<2x2560x125xi32, #tpu.memory_space<hbm>> -> memref<2x16x125xi32, #tpu.memory_space<hbm>>
    %dma_start3A_276 = arith.constant 0 : i32
    %dma_start3A_277 = arith.constant 0 : i32
    %dma_start3A_278 = tpu.memref_slice %arg3[%dma_start3A_276, %add3A_272, %dma_start3A_277] : memref<2x2560x125xi32, #tpu.memory_space<hbm>> -> memref<2x16x125xi32, #tpu.memory_space<hbm>>
    tpu.enqueue_dma source(%dma_start3A_278 : memref<2x16x125xi32, #tpu.memory_space<hbm>>) target(%arg6 : memref<2x16x125xi32, #tpu.memory_space<vmem>>) target_semaphore(%arg13 : memref<!tpu.dma_semaphore, #tpu.memory_space<semaphore_mem>>)
    %dma_start3A_279 = arith.constant 0 : i32
    %dma_start3A_280 = arith.constant 0 : i32
    %dma_start3A_281 = arith.constant 0 : i32
    %dma_start3A_282 = arith.constant 0 : i32
    %dma_start3A_283 = arith.constant 0 : i32
    %dma_start3A_284 = tpu.memref_slice %arg5[%dma_start3A_281, %dma_start3A_282, %dma_start3A_283] : memref<2x16x125xi32, #tpu.memory_space<vmem>> -> memref<1x1x125xi32, #tpu.memory_space<vmem>>
    %dma_start3A_285 = tpu.memref_squeeze %dma_start3A_284 : memref<1x1x125xi32, #tpu.memory_space<vmem>> -> memref<125xi32, #tpu.memory_space<vmem>>
    %dma_start3A_286 = arith.constant 0 : i32
    %dma_start3A_287 = arith.constant 0 : i32
    %dma_start3A_288 = arith.constant 0 : i32
    %dma_start3A_289 = tpu.memref_slice %arg2[%dma_start3A_279, %dma_start3A_286, %dma_start3A_287, %dma_start3A_288] : memref<1x1x10000x128xf32, #tpu.memory_space<hbm>> -> memref<1x1x10000x128xf32, #tpu.memory_space<hbm>>
    %dma_start3A_290 = tpu.memref_squeeze %dma_start3A_289 : memref<1x1x10000x128xf32, #tpu.memory_space<hbm>> -> memref<1x10000x128xf32, #tpu.memory_space<hbm>>
    %dma_start3A_291 = arith.constant 0 : i32
    %dma_start3A_292 = arith.constant 0 : i32
    %dma_start3A_293 = tpu.memref_slice %dma_start3A_290[%dma_start3A_280, %dma_start3A_291, %dma_start3A_292] : memref<1x10000x128xf32, #tpu.memory_space<hbm>> -> memref<1x10000x128xf32, #tpu.memory_space<hbm>>
    %dma_start3A_294 = tpu.memref_squeeze %dma_start3A_293 : memref<1x10000x128xf32, #tpu.memory_space<hbm>> -> memref<10000x128xf32, #tpu.memory_space<hbm>>
    %dma_start3A_295 = arith.constant 0 : i32
    %dma_start3A_296 = arith.constant 0 : i32
    %dma_start3A_297 = tpu.memref_slice %dma_start3A_294[%dma_start3A_295, %dma_start3A_296] : memref<10000x128xf32, #tpu.memory_space<hbm>> -> memref<10000x128xf32, #tpu.memory_space<hbm>>
    tpu.enqueue_indirect_dma source(%dma_start3A_297 : memref<10000x128xf32, #tpu.memory_space<hbm>>) target(%arg7 : memref<125x128xf32, #tpu.memory_space<vmem>>) offsets(%dma_start3A_285 : memref<125xi32, #tpu.memory_space<vmem>>) semaphore(%arg10 : memref<!tpu.dma_semaphore, #tpu.memory_space<semaphore_mem>>)
    %scan3A_298 = arith.constant 0 : i32
    %scan3A_299 = arith.constant 0 : i32
    %scan3A_300 = arith.constant 0 : i32
    %scan3A_301 = arith.constant 7 : i32
    %scan3A_302 = arith.addi %scan3A_300, %scan3A_301 : i32
    %scan3A_303 = arith.constant 1 : i32
    scf.for %scan3A_575 = %scan3A_300 to %scan3A_302 step %scan3A_303  : i32 {
      %mul3A_576 = arith.constant 2 : i32
      %mul3A_577 = arith.muli %scan3A_575, %mul3A_576 : i32
      %add3A_578 = arith.constant 0 : i32
      %add3A_579 = arith.addi %add3A_578, %mul3A_577 : i32
      %dma_wait3A_580 = arith.constant 0 : i32
      %dma_wait3A_581 = arith.constant 0 : i32
      %dma_wait3A_582 = tpu.memref_slice %arg5[%dma_wait3A_580, %add3A_579, %dma_wait3A_581] : memref<2x16x125xi32, #tpu.memory_space<vmem>> -> memref<1x1x125xi32, #tpu.memory_space<vmem>>
      %dma_wait3A_583 = tpu.memref_squeeze %dma_wait3A_582 : memref<1x1x125xi32, #tpu.memory_space<vmem>> -> memref<125xi32, #tpu.memory_space<vmem>>
      %dma_wait3A_584 = arith.constant 0 : i32
      %dma_wait3A_585 = arith.constant 0 : i32
      %dma_wait3A_586 = arith.constant 0 : i32
      %dma_wait3A_587 = tpu.memref_slice %arg2[%scan3A_298, %dma_wait3A_584, %dma_wait3A_585, %dma_wait3A_586] : memref<1x1x10000x128xf32, #tpu.memory_space<hbm>> -> memref<1x1x10000x128xf32, #tpu.memory_space<hbm>>
      %dma_wait3A_588 = tpu.memref_squeeze %dma_wait3A_587 : memref<1x1x10000x128xf32, #tpu.memory_space<hbm>> -> memref<1x10000x128xf32, #tpu.memory_space<hbm>>
      %dma_wait3A_589 = arith.constant 0 : i32
      %dma_wait3A_590 = arith.constant 0 : i32
      %dma_wait3A_591 = tpu.memref_slice %dma_wait3A_588[%scan3A_299, %dma_wait3A_589, %dma_wait3A_590] : memref<1x10000x128xf32, #tpu.memory_space<hbm>> -> memref<1x10000x128xf32, #tpu.memory_space<hbm>>
      %dma_wait3A_592 = tpu.memref_squeeze %dma_wait3A_591 : memref<1x10000x128xf32, #tpu.memory_space<hbm>> -> memref<10000x128xf32, #tpu.memory_space<hbm>>
      %dma_wait3A_593 = arith.constant 0 : i32
      %dma_wait3A_594 = arith.constant 0 : i32
      %dma_wait3A_595 = tpu.memref_slice %dma_wait3A_592[%dma_wait3A_593, %dma_wait3A_594] : memref<10000x128xf32, #tpu.memory_space<hbm>> -> memref<10000x128xf32, #tpu.memory_space<hbm>>
      tpu.wait_indirect_dma semaphore(%arg10 : memref<!tpu.dma_semaphore, #tpu.memory_space<semaphore_mem>>) src(%dma_wait3A_595 : memref<10000x128xf32, #tpu.memory_space<hbm>>) dst(%arg7 : memref<125x128xf32, #tpu.memory_space<vmem>>)
      %add3A_596 = arith.constant 1 : i32
      %add3A_597 = arith.addi %add3A_579, %add3A_596 : i32
      %dma_start3A_598 = arith.constant 0 : i32
      %dma_start3A_599 = arith.constant 0 : i32
      %dma_start3A_600 = tpu.memref_slice %arg5[%dma_start3A_598, %add3A_597, %dma_start3A_599] : memref<2x16x125xi32, #tpu.memory_space<vmem>> -> memref<1x1x125xi32, #tpu.memory_space<vmem>>
      %dma_start3A_601 = tpu.memref_squeeze %dma_start3A_600 : memref<1x1x125xi32, #tpu.memory_space<vmem>> -> memref<125xi32, #tpu.memory_space<vmem>>
      %dma_start3A_602 = arith.constant 0 : i32
      %dma_start3A_603 = arith.constant 0 : i32
      %dma_start3A_604 = arith.constant 0 : i32
      %dma_start3A_605 = tpu.memref_slice %arg2[%scan3A_298, %dma_start3A_602, %dma_start3A_603, %dma_start3A_604] : memref<1x1x10000x128xf32, #tpu.memory_space<hbm>> -> memref<1x1x10000x128xf32, #tpu.memory_space<hbm>>
      %dma_start3A_606 = tpu.memref_squeeze %dma_start3A_605 : memref<1x1x10000x128xf32, #tpu.memory_space<hbm>> -> memref<1x10000x128xf32, #tpu.memory_space<hbm>>
      %dma_start3A_607 = arith.constant 0 : i32
      %dma_start3A_608 = arith.constant 0 : i32
      %dma_start3A_609 = tpu.memref_slice %dma_start3A_606[%scan3A_299, %dma_start3A_607, %dma_start3A_608] : memref<1x10000x128xf32, #tpu.memory_space<hbm>> -> memref<1x10000x128xf32, #tpu.memory_space<hbm>>
      %dma_start3A_610 = tpu.memref_squeeze %dma_start3A_609 : memref<1x10000x128xf32, #tpu.memory_space<hbm>> -> memref<10000x128xf32, #tpu.memory_space<hbm>>
      %dma_start3A_611 = arith.constant 0 : i32
      %dma_start3A_612 = arith.constant 0 : i32
      %dma_start3A_613 = tpu.memref_slice %dma_start3A_610[%dma_start3A_611, %dma_start3A_612] : memref<10000x128xf32, #tpu.memory_space<hbm>> -> memref<10000x128xf32, #tpu.memory_space<hbm>>
      tpu.enqueue_indirect_dma source(%dma_start3A_613 : memref<10000x128xf32, #tpu.memory_space<hbm>>) target(%arg8 : memref<125x128xf32, #tpu.memory_space<vmem>>) offsets(%dma_start3A_601 : memref<125xi32, #tpu.memory_space<vmem>>) semaphore(%arg11 : memref<!tpu.dma_semaphore, #tpu.memory_space<semaphore_mem>>)
      %run_scoped3A_614 = arith.constant 1 : i32
      "tpu.region"() ({
        %run_scoped3A_654 = tpu.sem_alloc : memref<!tpu.dma_semaphore, #tpu.memory_space<semaphore_mem>>
        %dma_start3A_655 = arith.constant 0 : i32
        %dma_start3A_656 = tpu.memref_slice %arg5[%run_scoped3A_614, %add3A_579, %dma_start3A_655] : memref<2x16x125xi32, #tpu.memory_space<vmem>> -> memref<1x1x125xi32, #tpu.memory_space<vmem>>
        %dma_start3A_657 = tpu.memref_squeeze %dma_start3A_656 : memref<1x1x125xi32, #tpu.memory_space<vmem>> -> memref<125xi32, #tpu.memory_space<vmem>>
        %dma_start3A_658 = arith.constant 0 : i32
        %dma_start3A_659 = arith.constant 0 : i32
        %dma_start3A_660 = tpu.memref_slice %arg9[%dma_start3A_658, %dma_start3A_659] : memref<10240x128xf32, #tpu.memory_space<vmem_shared>> -> memref<10240x128xf32, #tpu.memory_space<vmem_shared>>
        tpu.enqueue_indirect_dma source(%arg7 : memref<125x128xf32, #tpu.memory_space<vmem>>) target(%dma_start3A_660 : memref<10240x128xf32, #tpu.memory_space<vmem_shared>>) offsets(%dma_start3A_657 : memref<125xi32, #tpu.memory_space<vmem>>) semaphore(%run_scoped3A_654 : memref<!tpu.dma_semaphore, #tpu.memory_space<semaphore_mem>>) {add = true}
        %dma_wait3A_661 = arith.constant 0 : i32
        %dma_wait3A_662 = tpu.memref_slice %arg5[%run_scoped3A_614, %add3A_579, %dma_wait3A_661] : memref<2x16x125xi32, #tpu.memory_space<vmem>> -> memref<1x1x125xi32, #tpu.memory_space<vmem>>
        %dma_wait3A_663 = tpu.memref_squeeze %dma_wait3A_662 : memref<1x1x125xi32, #tpu.memory_space<vmem>> -> memref<125xi32, #tpu.memory_space<vmem>>
        %dma_wait3A_664 = arith.constant 0 : i32
        %dma_wait3A_665 = arith.constant 0 : i32
        %dma_wait3A_666 = tpu.memref_slice %arg9[%dma_wait3A_664, %dma_wait3A_665] : memref<10240x128xf32, #tpu.memory_space<vmem_shared>> -> memref<10240x128xf32, #tpu.memory_space<vmem_shared>>
        tpu.wait_indirect_dma semaphore(%run_scoped3A_654 : memref<!tpu.dma_semaphore, #tpu.memory_space<semaphore_mem>>) src(%arg7 : memref<125x128xf32, #tpu.memory_space<vmem>>) dst(%dma_wait3A_666 : memref<10240x128xf32, #tpu.memory_space<vmem_shared>>)
        tpu.yield
      }) : () -> ()
      %add3A_615 = arith.constant 1 : i32
      %add3A_616 = arith.addi %add3A_579, %add3A_615 : i32
      %dma_wait3A_617 = arith.constant 0 : i32
      %dma_wait3A_618 = arith.constant 0 : i32
      %dma_wait3A_619 = tpu.memref_slice %arg5[%dma_wait3A_617, %add3A_616, %dma_wait3A_618] : memref<2x16x125xi32, #tpu.memory_space<vmem>> -> memref<1x1x125xi32, #tpu.memory_space<vmem>>
      %dma_wait3A_620 = tpu.memref_squeeze %dma_wait3A_619 : memref<1x1x125xi32, #tpu.memory_space<vmem>> -> memref<125xi32, #tpu.memory_space<vmem>>
      %dma_wait3A_621 = arith.constant 0 : i32
      %dma_wait3A_622 = arith.constant 0 : i32
      %dma_wait3A_623 = arith.constant 0 : i32
      %dma_wait3A_624 = tpu.memref_slice %arg2[%scan3A_298, %dma_wait3A_621, %dma_wait3A_622, %dma_wait3A_623] : memref<1x1x10000x128xf32, #tpu.memory_space<hbm>> -> memref<1x1x10000x128xf32, #tpu.memory_space<hbm>>
      %dma_wait3A_625 = tpu.memref_squeeze %dma_wait3A_624 : memref<1x1x10000x128xf32, #tpu.memory_space<hbm>> -> memref<1x10000x128xf32, #tpu.memory_space<hbm>>
      %dma_wait3A_626 = arith.constant 0 : i32
      %dma_wait3A_627 = arith.constant 0 : i32
      %dma_wait3A_628 = tpu.memref_slice %dma_wait3A_625[%scan3A_299, %dma_wait3A_626, %dma_wait3A_627] : memref<1x10000x128xf32, #tpu.memory_space<hbm>> -> memref<1x10000x128xf32, #tpu.memory_space<hbm>>
      %dma_wait3A_629 = tpu.memref_squeeze %dma_wait3A_628 : memref<1x10000x128xf32, #tpu.memory_space<hbm>> -> memref<10000x128xf32, #tpu.memory_space<hbm>>
      %dma_wait3A_630 = arith.constant 0 : i32
      %dma_wait3A_631 = arith.constant 0 : i32
      %dma_wait3A_632 = tpu.memref_slice %dma_wait3A_629[%dma_wait3A_630, %dma_wait3A_631] : memref<10000x128xf32, #tpu.memory_space<hbm>> -> memref<10000x128xf32, #tpu.memory_space<hbm>>
      tpu.wait_indirect_dma semaphore(%arg11 : memref<!tpu.dma_semaphore, #tpu.memory_space<semaphore_mem>>) src(%dma_wait3A_632 : memref<10000x128xf32, #tpu.memory_space<hbm>>) dst(%arg8 : memref<125x128xf32, #tpu.memory_space<vmem>>)
      %add3A_633 = arith.constant 2 : i32
      %add3A_634 = arith.addi %add3A_579, %add3A_633 : i32
      %dma_start3A_635 = arith.constant 0 : i32
      %dma_start3A_636 = arith.constant 0 : i32
      %dma_start3A_637 = tpu.memref_slice %arg5[%dma_start3A_635, %add3A_634, %dma_start3A_636] : memref<2x16x125xi32, #tpu.memory_space<vmem>> -> memref<1x1x125xi32, #tpu.memory_space<vmem>>
      %dma_start3A_638 = tpu.memref_squeeze %dma_start3A_637 : memref<1x1x125xi32, #tpu.memory_space<vmem>> -> memref<125xi32, #tpu.memory_space<vmem>>
      %dma_start3A_639 = arith.constant 0 : i32
      %dma_start3A_640 = arith.constant 0 : i32
      %dma_start3A_641 = arith.constant 0 : i32
      %dma_start3A_642 = tpu.memref_slice %arg2[%scan3A_298, %dma_start3A_639, %dma_start3A_640, %dma_start3A_641] : memref<1x1x10000x128xf32, #tpu.memory_space<hbm>> -> memref<1x1x10000x128xf32, #tpu.memory_space<hbm>>
      %dma_start3A_643 = tpu.memref_squeeze %dma_start3A_642 : memref<1x1x10000x128xf32, #tpu.memory_space<hbm>> -> memref<1x10000x128xf32, #tpu.memory_space<hbm>>
      %dma_start3A_644 = arith.constant 0 : i32
      %dma_start3A_645 = arith.constant 0 : i32
      %dma_start3A_646 = tpu.memref_slice %dma_start3A_643[%scan3A_299, %dma_start3A_644, %dma_start3A_645] : memref<1x10000x128xf32, #tpu.memory_space<hbm>> -> memref<1x10000x128xf32, #tpu.memory_space<hbm>>
      %dma_start3A_647 = tpu.memref_squeeze %dma_start3A_646 : memref<1x10000x128xf32, #tpu.memory_space<hbm>> -> memref<10000x128xf32, #tpu.memory_space<hbm>>
      %dma_start3A_648 = arith.constant 0 : i32
      %dma_start3A_649 = arith.constant 0 : i32
      %dma_start3A_650 = tpu.memref_slice %dma_start3A_647[%dma_start3A_648, %dma_start3A_649] : memref<10000x128xf32, #tpu.memory_space<hbm>> -> memref<10000x128xf32, #tpu.memory_space<hbm>>
      tpu.enqueue_indirect_dma source(%dma_start3A_650 : memref<10000x128xf32, #tpu.memory_space<hbm>>) target(%arg7 : memref<125x128xf32, #tpu.memory_space<vmem>>) offsets(%dma_start3A_638 : memref<125xi32, #tpu.memory_space<vmem>>) semaphore(%arg10 : memref<!tpu.dma_semaphore, #tpu.memory_space<semaphore_mem>>)
      %add3A_651 = arith.constant 1 : i32
      %add3A_652 = arith.addi %add3A_579, %add3A_651 : i32
      %run_scoped3A_653 = arith.constant 1 : i32
      "tpu.region"() ({
        %run_scoped3A_654 = tpu.sem_alloc : memref<!tpu.dma_semaphore, #tpu.memory_space<semaphore_mem>>
        %dma_start3A_655 = arith.constant 0 : i32
        %dma_start3A_656 = tpu.memref_slice %arg5[%run_scoped3A_653, %add3A_652, %dma_start3A_655] : memref<2x16x125xi32, #tpu.memory_space<vmem>> -> memref<1x1x125xi32, #tpu.memory_space<vmem>>
        %dma_start3A_657 = tpu.memref_squeeze %dma_start3A_656 : memref<1x1x125xi32, #tpu.memory_space<vmem>> -> memref<125xi32, #tpu.memory_space<vmem>>
        %dma_start3A_658 = arith.constant 0 : i32
        %dma_start3A_659 = arith.constant 0 : i32
        %dma_start3A_660 = tpu.memref_slice %arg9[%dma_start3A_658, %dma_start3A_659] : memref<10240x128xf32, #tpu.memory_space<vmem_shared>> -> memref<10240x128xf32, #tpu.memory_space<vmem_shared>>
        tpu.enqueue_indirect_dma source(%arg8 : memref<125x128xf32, #tpu.memory_space<vmem>>) target(%dma_start3A_660 : memref<10240x128xf32, #tpu.memory_space<vmem_shared>>) offsets(%dma_start3A_657 : memref<125xi32, #tpu.memory_space<vmem>>) semaphore(%run_scoped3A_654 : memref<!tpu.dma_semaphore, #tpu.memory_space<semaphore_mem>>) {add = true}
        %dma_wait3A_661 = arith.constant 0 : i32
        %dma_wait3A_662 = tpu.memref_slice %arg5[%run_scoped3A_653, %add3A_652, %dma_wait3A_661] : memref<2x16x125xi32, #tpu.memory_space<vmem>> -> memref<1x1x125xi32, #tpu.memory_space<vmem>>
        %dma_wait3A_663 = tpu.memref_squeeze %dma_wait3A_662 : memref<1x1x125xi32, #tpu.memory_space<vmem>> -> memref<125xi32, #tpu.memory_space<vmem>>
        %dma_wait3A_664 = arith.constant 0 : i32
        %dma_wait3A_665 = arith.constant 0 : i32
        %dma_wait3A_666 = tpu.memref_slice %arg9[%dma_wait3A_664, %dma_wait3A_665] : memref<10240x128xf32, #tpu.memory_space<vmem_shared>> -> memref<10240x128xf32, #tpu.memory_space<vmem_shared>>
        tpu.wait_indirect_dma semaphore(%run_scoped3A_654 : memref<!tpu.dma_semaphore, #tpu.memory_space<semaphore_mem>>) src(%arg8 : memref<125x128xf32, #tpu.memory_space<vmem>>) dst(%dma_wait3A_666 : memref<10240x128xf32, #tpu.memory_space<vmem_shared>>)
        tpu.yield
      }) : () -> ()
    }
    %scan3A_304 = arith.constant 7 : i32
    %dma_wait3A_305 = arith.constant 0 : i32
    %dma_wait3A_306 = arith.constant 0 : i32
    %dma_wait3A_307 = arith.constant 0 : i32
    %dma_wait3A_308 = arith.constant 14 : i32
    %dma_wait3A_309 = arith.constant 0 : i32
    %dma_wait3A_310 = tpu.memref_slice %arg5[%dma_wait3A_307, %dma_wait3A_308, %dma_wait3A_309] : memref<2x16x125xi32, #tpu.memory_space<vmem>> -> memref<1x1x125xi32, #tpu.memory_space<vmem>>
    %dma_wait3A_311 = tpu.memref_squeeze %dma_wait3A_310 : memref<1x1x125xi32, #tpu.memory_space<vmem>> -> memref<125xi32, #tpu.memory_space<vmem>>
    %dma_wait3A_312 = arith.constant 0 : i32
    %dma_wait3A_313 = arith.constant 0 : i32
    %dma_wait3A_314 = arith.constant 0 : i32
    %dma_wait3A_315 = tpu.memref_slice %arg2[%dma_wait3A_305, %dma_wait3A_312, %dma_wait3A_313, %dma_wait3A_314] : memref<1x1x10000x128xf32, #tpu.memory_space<hbm>> -> memref<1x1x10000x128xf32, #tpu.memory_space<hbm>>
    %dma_wait3A_316 = tpu.memref_squeeze %dma_wait3A_315 : memref<1x1x10000x128xf32, #tpu.memory_space<hbm>> -> memref<1x10000x128xf32, #tpu.memory_space<hbm>>
    %dma_wait3A_317 = arith.constant 0 : i32
    %dma_wait3A_318 = arith.constant 0 : i32
    %dma_wait3A_319 = tpu.memref_slice %dma_wait3A_316[%dma_wait3A_306, %dma_wait3A_317, %dma_wait3A_318] : memref<1x10000x128xf32, #tpu.memory_space<hbm>> -> memref<1x10000x128xf32, #tpu.memory_space<hbm>>
    %dma_wait3A_320 = tpu.memref_squeeze %dma_wait3A_319 : memref<1x10000x128xf32, #tpu.memory_space<hbm>> -> memref<10000x128xf32, #tpu.memory_space<hbm>>
    %dma_wait3A_321 = arith.constant 0 : i32
    %dma_wait3A_322 = arith.constant 0 : i32
    %dma_wait3A_323 = tpu.memref_slice %dma_wait3A_320[%dma_wait3A_321, %dma_wait3A_322] : memref<10000x128xf32, #tpu.memory_space<hbm>> -> memref<10000x128xf32, #tpu.memory_space<hbm>>
    tpu.wait_indirect_dma semaphore(%arg10 : memref<!tpu.dma_semaphore, #tpu.memory_space<semaphore_mem>>) src(%dma_wait3A_323 : memref<10000x128xf32, #tpu.memory_space<hbm>>) dst(%arg7 : memref<125x128xf32, #tpu.memory_space<vmem>>)
    %dma_start3A_324 = arith.constant 0 : i32
    %dma_start3A_325 = arith.constant 0 : i32
    %dma_start3A_326 = arith.constant 0 : i32
    %dma_start3A_327 = arith.constant 15 : i32
    %dma_start3A_328 = arith.constant 0 : i32
    %dma_start3A_329 = tpu.memref_slice %arg5[%dma_start3A_326, %dma_start3A_327, %dma_start3A_328] : memref<2x16x125xi32, #tpu.memory_space<vmem>> -> memref<1x1x125xi32, #tpu.memory_space<vmem>>
    %dma_start3A_330 = tpu.memref_squeeze %dma_start3A_329 : memref<1x1x125xi32, #tpu.memory_space<vmem>> -> memref<125xi32, #tpu.memory_space<vmem>>
    %dma_start3A_331 = arith.constant 0 : i32
    %dma_start3A_332 = arith.constant 0 : i32
    %dma_start3A_333 = arith.constant 0 : i32
    %dma_start3A_334 = tpu.memref_slice %arg2[%dma_start3A_324, %dma_start3A_331, %dma_start3A_332, %dma_start3A_333] : memref<1x1x10000x128xf32, #tpu.memory_space<hbm>> -> memref<1x1x10000x128xf32, #tpu.memory_space<hbm>>
    %dma_start3A_335 = tpu.memref_squeeze %dma_start3A_334 : memref<1x1x10000x128xf32, #tpu.memory_space<hbm>> -> memref<1x10000x128xf32, #tpu.memory_space<hbm>>
    %dma_start3A_336 = arith.constant 0 : i32
    %dma_start3A_337 = arith.constant 0 : i32
    %dma_start3A_338 = tpu.memref_slice %dma_start3A_335[%dma_start3A_325, %dma_start3A_336, %dma_start3A_337] : memref<1x10000x128xf32, #tpu.memory_space<hbm>> -> memref<1x10000x128xf32, #tpu.memory_space<hbm>>
    %dma_start3A_339 = tpu.memref_squeeze %dma_start3A_338 : memref<1x10000x128xf32, #tpu.memory_space<hbm>> -> memref<10000x128xf32, #tpu.memory_space<hbm>>
    %dma_start3A_340 = arith.constant 0 : i32
    %dma_start3A_341 = arith.constant 0 : i32
    %dma_start3A_342 = tpu.memref_slice %dma_start3A_339[%dma_start3A_340, %dma_start3A_341] : memref<10000x128xf32, #tpu.memory_space<hbm>> -> memref<10000x128xf32, #tpu.memory_space<hbm>>
    tpu.enqueue_indirect_dma source(%dma_start3A_342 : memref<10000x128xf32, #tpu.memory_space<hbm>>) target(%arg8 : memref<125x128xf32, #tpu.memory_space<vmem>>) offsets(%dma_start3A_330 : memref<125xi32, #tpu.memory_space<vmem>>) semaphore(%arg11 : memref<!tpu.dma_semaphore, #tpu.memory_space<semaphore_mem>>)
    %run_scoped3A_343 = arith.constant 1 : i32
    %run_scoped3A_344 = arith.constant 14 : i32
    "tpu.region"() ({
      %run_scoped3A_575 = tpu.sem_alloc : memref<!tpu.dma_semaphore, #tpu.memory_space<semaphore_mem>>
      %dma_start3A_576 = arith.constant 0 : i32
      %dma_start3A_577 = tpu.memref_slice %arg5[%run_scoped3A_343, %run_scoped3A_344, %dma_start3A_576] : memref<2x16x125xi32, #tpu.memory_space<vmem>> -> memref<1x1x125xi32, #tpu.memory_space<vmem>>
      %dma_start3A_578 = tpu.memref_squeeze %dma_start3A_577 : memref<1x1x125xi32, #tpu.memory_space<vmem>> -> memref<125xi32, #tpu.memory_space<vmem>>
      %dma_start3A_579 = arith.constant 0 : i32
      %dma_start3A_580 = arith.constant 0 : i32
      %dma_start3A_581 = tpu.memref_slice %arg9[%dma_start3A_579, %dma_start3A_580] : memref<10240x128xf32, #tpu.memory_space<vmem_shared>> -> memref<10240x128xf32, #tpu.memory_space<vmem_shared>>
      tpu.enqueue_indirect_dma source(%arg7 : memref<125x128xf32, #tpu.memory_space<vmem>>) target(%dma_start3A_581 : memref<10240x128xf32, #tpu.memory_space<vmem_shared>>) offsets(%dma_start3A_578 : memref<125xi32, #tpu.memory_space<vmem>>) semaphore(%run_scoped3A_575 : memref<!tpu.dma_semaphore, #tpu.memory_space<semaphore_mem>>) {add = true}
      %dma_wait3A_582 = arith.constant 0 : i32
      %dma_wait3A_583 = tpu.memref_slice %arg5[%run_scoped3A_343, %run_scoped3A_344, %dma_wait3A_582] : memref<2x16x125xi32, #tpu.memory_space<vmem>> -> memref<1x1x125xi32, #tpu.memory_space<vmem>>
      %dma_wait3A_584 = tpu.memref_squeeze %dma_wait3A_583 : memref<1x1x125xi32, #tpu.memory_space<vmem>> -> memref<125xi32, #tpu.memory_space<vmem>>
      %dma_wait3A_585 = arith.constant 0 : i32
      %dma_wait3A_586 = arith.constant 0 : i32
      %dma_wait3A_587 = tpu.memref_slice %arg9[%dma_wait3A_585, %dma_wait3A_586] : memref<10240x128xf32, #tpu.memory_space<vmem_shared>> -> memref<10240x128xf32, #tpu.memory_space<vmem_shared>>
      tpu.wait_indirect_dma semaphore(%run_scoped3A_575 : memref<!tpu.dma_semaphore, #tpu.memory_space<semaphore_mem>>) src(%arg7 : memref<125x128xf32, #tpu.memory_space<vmem>>) dst(%dma_wait3A_587 : memref<10240x128xf32, #tpu.memory_space<vmem_shared>>)
      tpu.yield
    }) : () -> ()
    %dma_wait3A_345 = arith.constant 0 : i32
    %dma_wait3A_346 = arith.constant 0 : i32
    %dma_wait3A_347 = arith.constant 0 : i32
    %dma_wait3A_348 = arith.constant 15 : i32
    %dma_wait3A_349 = arith.constant 0 : i32
    %dma_wait3A_350 = tpu.memref_slice %arg5[%dma_wait3A_347, %dma_wait3A_348, %dma_wait3A_349] : memref<2x16x125xi32, #tpu.memory_space<vmem>> -> memref<1x1x125xi32, #tpu.memory_space<vmem>>
    %dma_wait3A_351 = tpu.memref_squeeze %dma_wait3A_350 : memref<1x1x125xi32, #tpu.memory_space<vmem>> -> memref<125xi32, #tpu.memory_space<vmem>>
    %dma_wait3A_352 = arith.constant 0 : i32
    %dma_wait3A_353 = arith.constant 0 : i32
    %dma_wait3A_354 = arith.constant 0 : i32
    %dma_wait3A_355 = tpu.memref_slice %arg2[%dma_wait3A_345, %dma_wait3A_352, %dma_wait3A_353, %dma_wait3A_354] : memref<1x1x10000x128xf32, #tpu.memory_space<hbm>> -> memref<1x1x10000x128xf32, #tpu.memory_space<hbm>>
    %dma_wait3A_356 = tpu.memref_squeeze %dma_wait3A_355 : memref<1x1x10000x128xf32, #tpu.memory_space<hbm>> -> memref<1x10000x128xf32, #tpu.memory_space<hbm>>
    %dma_wait3A_357 = arith.constant 0 : i32
    %dma_wait3A_358 = arith.constant 0 : i32
    %dma_wait3A_359 = tpu.memref_slice %dma_wait3A_356[%dma_wait3A_346, %dma_wait3A_357, %dma_wait3A_358] : memref<1x10000x128xf32, #tpu.memory_space<hbm>> -> memref<1x10000x128xf32, #tpu.memory_space<hbm>>
    %dma_wait3A_360 = tpu.memref_squeeze %dma_wait3A_359 : memref<1x10000x128xf32, #tpu.memory_space<hbm>> -> memref<10000x128xf32, #tpu.memory_space<hbm>>
    %dma_wait3A_361 = arith.constant 0 : i32
    %dma_wait3A_362 = arith.constant 0 : i32
    %dma_wait3A_363 = tpu.memref_slice %dma_wait3A_360[%dma_wait3A_361, %dma_wait3A_362] : memref<10000x128xf32, #tpu.memory_space<hbm>> -> memref<10000x128xf32, #tpu.memory_space<hbm>>
    tpu.wait_indirect_dma semaphore(%arg11 : memref<!tpu.dma_semaphore, #tpu.memory_space<semaphore_mem>>) src(%dma_wait3A_363 : memref<10000x128xf32, #tpu.memory_space<hbm>>) dst(%arg8 : memref<125x128xf32, #tpu.memory_space<vmem>>)
    %run_scoped3A_364 = arith.constant 1 : i32
    %run_scoped3A_365 = arith.constant 15 : i32
    "tpu.region"() ({
      %run_scoped3A_575 = tpu.sem_alloc : memref<!tpu.dma_semaphore, #tpu.memory_space<semaphore_mem>>
      %dma_start3A_576 = arith.constant 0 : i32
      %dma_start3A_577 = tpu.memref_slice %arg5[%run_scoped3A_364, %run_scoped3A_365, %dma_start3A_576] : memref<2x16x125xi32, #tpu.memory_space<vmem>> -> memref<1x1x125xi32, #tpu.memory_space<vmem>>
      %dma_start3A_578 = tpu.memref_squeeze %dma_start3A_577 : memref<1x1x125xi32, #tpu.memory_space<vmem>> -> memref<125xi32, #tpu.memory_space<vmem>>
      %dma_start3A_579 = arith.constant 0 : i32
      %dma_start3A_580 = arith.constant 0 : i32
      %dma_start3A_581 = tpu.memref_slice %arg9[%dma_start3A_579, %dma_start3A_580] : memref<10240x128xf32, #tpu.memory_space<vmem_shared>> -> memref<10240x128xf32, #tpu.memory_space<vmem_shared>>
      tpu.enqueue_indirect_dma source(%arg8 : memref<125x128xf32, #tpu.memory_space<vmem>>) target(%dma_start3A_581 : memref<10240x128xf32, #tpu.memory_space<vmem_shared>>) offsets(%dma_start3A_578 : memref<125xi32, #tpu.memory_space<vmem>>) semaphore(%run_scoped3A_575 : memref<!tpu.dma_semaphore, #tpu.memory_space<semaphore_mem>>) {add = true}
      %dma_wait3A_582 = arith.constant 0 : i32
      %dma_wait3A_583 = tpu.memref_slice %arg5[%run_scoped3A_364, %run_scoped3A_365, %dma_wait3A_582] : memref<2x16x125xi32, #tpu.memory_space<vmem>> -> memref<1x1x125xi32, #tpu.memory_space<vmem>>
      %dma_wait3A_584 = tpu.memref_squeeze %dma_wait3A_583 : memref<1x1x125xi32, #tpu.memory_space<vmem>> -> memref<125xi32, #tpu.memory_space<vmem>>
      %dma_wait3A_585 = arith.constant 0 : i32
      %dma_wait3A_586 = arith.constant 0 : i32
      %dma_wait3A_587 = tpu.memref_slice %arg9[%dma_wait3A_585, %dma_wait3A_586] : memref<10240x128xf32, #tpu.memory_space<vmem_shared>> -> memref<10240x128xf32, #tpu.memory_space<vmem_shared>>
      tpu.wait_indirect_dma semaphore(%run_scoped3A_575 : memref<!tpu.dma_semaphore, #tpu.memory_space<semaphore_mem>>) src(%arg8 : memref<125x128xf32, #tpu.memory_space<vmem>>) dst(%dma_wait3A_587 : memref<10240x128xf32, #tpu.memory_space<vmem_shared>>)
      tpu.yield
    }) : () -> ()
    %mul3A_366 = arith.constant 80 : i32
    %mul3A_367 = arith.muli %add3A, %mul3A_366 : i32
    %add3A_368 = arith.constant 48 : i32
    %add3A_369 = arith.addi %mul3A_367, %add3A_368 : i32
    %dma_wait3A_370 = arith.constant 0 : i32
    %dma_wait3A_371 = arith.constant 0 : i32
    %dma_wait3A_372 = tpu.memref_slice %arg3[%dma_wait3A_370, %add3A_369, %dma_wait3A_371] : memref<2x2560x125xi32, #tpu.memory_space<hbm>> -> memref<2x16x125xi32, #tpu.memory_space<hbm>>
    %dma_wait3A_373 = arith.constant 0 : i32
    %dma_wait3A_374 = arith.constant 0 : i32
    %dma_wait3A_375 = tpu.memref_slice %arg3[%dma_wait3A_373, %add3A_369, %dma_wait3A_374] : memref<2x2560x125xi32, #tpu.memory_space<hbm>> -> memref<2x16x125xi32, #tpu.memory_space<hbm>>
    tpu.wait_dma2 semaphore(%arg13 : memref<!tpu.dma_semaphore, #tpu.memory_space<semaphore_mem>>) src(%dma_wait3A_375 : memref<2x16x125xi32, #tpu.memory_space<hbm>>) dst(%arg6 : memref<2x16x125xi32, #tpu.memory_space<vmem>>)
    %mul3A_376 = arith.constant 80 : i32
    %mul3A_377 = arith.muli %add3A, %mul3A_376 : i32
    %add3A_378 = arith.constant 64 : i32
    %add3A_379 = arith.addi %mul3A_377, %add3A_378 : i32
    %dma_start3A_380 = arith.constant 0 : i32
    %dma_start3A_381 = arith.constant 0 : i32
    %dma_start3A_382 = tpu.memref_slice %arg3[%dma_start3A_380, %add3A_379, %dma_start3A_381] : memref<2x2560x125xi32, #tpu.memory_space<hbm>> -> memref<2x16x125xi32, #tpu.memory_space<hbm>>
    %dma_start3A_383 = arith.constant 0 : i32
    %dma_start3A_384 = arith.constant 0 : i32
    %dma_start3A_385 = tpu.memref_slice %arg3[%dma_start3A_383, %add3A_379, %dma_start3A_384] : memref<2x2560x125xi32, #tpu.memory_space<hbm>> -> memref<2x16x125xi32, #tpu.memory_space<hbm>>
    tpu.enqueue_dma source(%dma_start3A_385 : memref<2x16x125xi32, #tpu.memory_space<hbm>>) target(%arg5 : memref<2x16x125xi32, #tpu.memory_space<vmem>>) target_semaphore(%arg12 : memref<!tpu.dma_semaphore, #tpu.memory_space<semaphore_mem>>)
    %dma_start3A_386 = arith.constant 0 : i32
    %dma_start3A_387 = arith.constant 0 : i32
    %dma_start3A_388 = arith.constant 0 : i32
    %dma_start3A_389 = arith.constant 0 : i32
    %dma_start3A_390 = arith.constant 0 : i32
    %dma_start3A_391 = tpu.memref_slice %arg6[%dma_start3A_388, %dma_start3A_389, %dma_start3A_390] : memref<2x16x125xi32, #tpu.memory_space<vmem>> -> memref<1x1x125xi32, #tpu.memory_space<vmem>>
    %dma_start3A_392 = tpu.memref_squeeze %dma_start3A_391 : memref<1x1x125xi32, #tpu.memory_space<vmem>> -> memref<125xi32, #tpu.memory_space<vmem>>
    %dma_start3A_393 = arith.constant 0 : i32
    %dma_start3A_394 = arith.constant 0 : i32
    %dma_start3A_395 = arith.constant 0 : i32
    %dma_start3A_396 = tpu.memref_slice %arg2[%dma_start3A_386, %dma_start3A_393, %dma_start3A_394, %dma_start3A_395] : memref<1x1x10000x128xf32, #tpu.memory_space<hbm>> -> memref<1x1x10000x128xf32, #tpu.memory_space<hbm>>
    %dma_start3A_397 = tpu.memref_squeeze %dma_start3A_396 : memref<1x1x10000x128xf32, #tpu.memory_space<hbm>> -> memref<1x10000x128xf32, #tpu.memory_space<hbm>>
    %dma_start3A_398 = arith.constant 0 : i32
    %dma_start3A_399 = arith.constant 0 : i32
    %dma_start3A_400 = tpu.memref_slice %dma_start3A_397[%dma_start3A_387, %dma_start3A_398, %dma_start3A_399] : memref<1x10000x128xf32, #tpu.memory_space<hbm>> -> memref<1x10000x128xf32, #tpu.memory_space<hbm>>
    %dma_start3A_401 = tpu.memref_squeeze %dma_start3A_400 : memref<1x10000x128xf32, #tpu.memory_space<hbm>> -> memref<10000x128xf32, #tpu.memory_space<hbm>>
    %dma_start3A_402 = arith.constant 0 : i32
    %dma_start3A_403 = arith.constant 0 : i32
    %dma_start3A_404 = tpu.memref_slice %dma_start3A_401[%dma_start3A_402, %dma_start3A_403] : memref<10000x128xf32, #tpu.memory_space<hbm>> -> memref<10000x128xf32, #tpu.memory_space<hbm>>
    tpu.enqueue_indirect_dma source(%dma_start3A_404 : memref<10000x128xf32, #tpu.memory_space<hbm>>) target(%arg7 : memref<125x128xf32, #tpu.memory_space<vmem>>) offsets(%dma_start3A_392 : memref<125xi32, #tpu.memory_space<vmem>>) semaphore(%arg10 : memref<!tpu.dma_semaphore, #tpu.memory_space<semaphore_mem>>)
    %scan3A_405 = arith.constant 0 : i32
    %scan3A_406 = arith.constant 0 : i32
    %scan3A_407 = arith.constant 0 : i32
    %scan3A_408 = arith.constant 7 : i32
    %scan3A_409 = arith.addi %scan3A_407, %scan3A_408 : i32
    %scan3A_410 = arith.constant 1 : i32
    scf.for %scan3A_575 = %scan3A_407 to %scan3A_409 step %scan3A_410  : i32 {
      %mul3A_576 = arith.constant 2 : i32
      %mul3A_577 = arith.muli %scan3A_575, %mul3A_576 : i32
      %add3A_578 = arith.constant 0 : i32
      %add3A_579 = arith.addi %add3A_578, %mul3A_577 : i32
      %dma_wait3A_580 = arith.constant 0 : i32
      %dma_wait3A_581 = arith.constant 0 : i32
      %dma_wait3A_582 = tpu.memref_slice %arg6[%dma_wait3A_580, %add3A_579, %dma_wait3A_581] : memref<2x16x125xi32, #tpu.memory_space<vmem>> -> memref<1x1x125xi32, #tpu.memory_space<vmem>>
      %dma_wait3A_583 = tpu.memref_squeeze %dma_wait3A_582 : memref<1x1x125xi32, #tpu.memory_space<vmem>> -> memref<125xi32, #tpu.memory_space<vmem>>
      %dma_wait3A_584 = arith.constant 0 : i32
      %dma_wait3A_585 = arith.constant 0 : i32
      %dma_wait3A_586 = arith.constant 0 : i32
      %dma_wait3A_587 = tpu.memref_slice %arg2[%scan3A_405, %dma_wait3A_584, %dma_wait3A_585, %dma_wait3A_586] : memref<1x1x10000x128xf32, #tpu.memory_space<hbm>> -> memref<1x1x10000x128xf32, #tpu.memory_space<hbm>>
      %dma_wait3A_588 = tpu.memref_squeeze %dma_wait3A_587 : memref<1x1x10000x128xf32, #tpu.memory_space<hbm>> -> memref<1x10000x128xf32, #tpu.memory_space<hbm>>
      %dma_wait3A_589 = arith.constant 0 : i32
      %dma_wait3A_590 = arith.constant 0 : i32
      %dma_wait3A_591 = tpu.memref_slice %dma_wait3A_588[%scan3A_406, %dma_wait3A_589, %dma_wait3A_590] : memref<1x10000x128xf32, #tpu.memory_space<hbm>> -> memref<1x10000x128xf32, #tpu.memory_space<hbm>>
      %dma_wait3A_592 = tpu.memref_squeeze %dma_wait3A_591 : memref<1x10000x128xf32, #tpu.memory_space<hbm>> -> memref<10000x128xf32, #tpu.memory_space<hbm>>
      %dma_wait3A_593 = arith.constant 0 : i32
      %dma_wait3A_594 = arith.constant 0 : i32
      %dma_wait3A_595 = tpu.memref_slice %dma_wait3A_592[%dma_wait3A_593, %dma_wait3A_594] : memref<10000x128xf32, #tpu.memory_space<hbm>> -> memref<10000x128xf32, #tpu.memory_space<hbm>>
      tpu.wait_indirect_dma semaphore(%arg10 : memref<!tpu.dma_semaphore, #tpu.memory_space<semaphore_mem>>) src(%dma_wait3A_595 : memref<10000x128xf32, #tpu.memory_space<hbm>>) dst(%arg7 : memref<125x128xf32, #tpu.memory_space<vmem>>)
      %add3A_596 = arith.constant 1 : i32
      %add3A_597 = arith.addi %add3A_579, %add3A_596 : i32
      %dma_start3A_598 = arith.constant 0 : i32
      %dma_start3A_599 = arith.constant 0 : i32
      %dma_start3A_600 = tpu.memref_slice %arg6[%dma_start3A_598, %add3A_597, %dma_start3A_599] : memref<2x16x125xi32, #tpu.memory_space<vmem>> -> memref<1x1x125xi32, #tpu.memory_space<vmem>>
      %dma_start3A_601 = tpu.memref_squeeze %dma_start3A_600 : memref<1x1x125xi32, #tpu.memory_space<vmem>> -> memref<125xi32, #tpu.memory_space<vmem>>
      %dma_start3A_602 = arith.constant 0 : i32
      %dma_start3A_603 = arith.constant 0 : i32
      %dma_start3A_604 = arith.constant 0 : i32
      %dma_start3A_605 = tpu.memref_slice %arg2[%scan3A_405, %dma_start3A_602, %dma_start3A_603, %dma_start3A_604] : memref<1x1x10000x128xf32, #tpu.memory_space<hbm>> -> memref<1x1x10000x128xf32, #tpu.memory_space<hbm>>
      %dma_start3A_606 = tpu.memref_squeeze %dma_start3A_605 : memref<1x1x10000x128xf32, #tpu.memory_space<hbm>> -> memref<1x10000x128xf32, #tpu.memory_space<hbm>>
      %dma_start3A_607 = arith.constant 0 : i32
      %dma_start3A_608 = arith.constant 0 : i32
      %dma_start3A_609 = tpu.memref_slice %dma_start3A_606[%scan3A_406, %dma_start3A_607, %dma_start3A_608] : memref<1x10000x128xf32, #tpu.memory_space<hbm>> -> memref<1x10000x128xf32, #tpu.memory_space<hbm>>
      %dma_start3A_610 = tpu.memref_squeeze %dma_start3A_609 : memref<1x10000x128xf32, #tpu.memory_space<hbm>> -> memref<10000x128xf32, #tpu.memory_space<hbm>>
      %dma_start3A_611 = arith.constant 0 : i32
      %dma_start3A_612 = arith.constant 0 : i32
      %dma_start3A_613 = tpu.memref_slice %dma_start3A_610[%dma_start3A_611, %dma_start3A_612] : memref<10000x128xf32, #tpu.memory_space<hbm>> -> memref<10000x128xf32, #tpu.memory_space<hbm>>
      tpu.enqueue_indirect_dma source(%dma_start3A_613 : memref<10000x128xf32, #tpu.memory_space<hbm>>) target(%arg8 : memref<125x128xf32, #tpu.memory_space<vmem>>) offsets(%dma_start3A_601 : memref<125xi32, #tpu.memory_space<vmem>>) semaphore(%arg11 : memref<!tpu.dma_semaphore, #tpu.memory_space<semaphore_mem>>)
      %run_scoped3A_614 = arith.constant 1 : i32
      "tpu.region"() ({
        %run_scoped3A_654 = tpu.sem_alloc : memref<!tpu.dma_semaphore, #tpu.memory_space<semaphore_mem>>
        %dma_start3A_655 = arith.constant 0 : i32
        %dma_start3A_656 = tpu.memref_slice %arg6[%run_scoped3A_614, %add3A_579, %dma_start3A_655] : memref<2x16x125xi32, #tpu.memory_space<vmem>> -> memref<1x1x125xi32, #tpu.memory_space<vmem>>
        %dma_start3A_657 = tpu.memref_squeeze %dma_start3A_656 : memref<1x1x125xi32, #tpu.memory_space<vmem>> -> memref<125xi32, #tpu.memory_space<vmem>>
        %dma_start3A_658 = arith.constant 0 : i32
        %dma_start3A_659 = arith.constant 0 : i32
        %dma_start3A_660 = tpu.memref_slice %arg9[%dma_start3A_658, %dma_start3A_659] : memref<10240x128xf32, #tpu.memory_space<vmem_shared>> -> memref<10240x128xf32, #tpu.memory_space<vmem_shared>>
        tpu.enqueue_indirect_dma source(%arg7 : memref<125x128xf32, #tpu.memory_space<vmem>>) target(%dma_start3A_660 : memref<10240x128xf32, #tpu.memory_space<vmem_shared>>) offsets(%dma_start3A_657 : memref<125xi32, #tpu.memory_space<vmem>>) semaphore(%run_scoped3A_654 : memref<!tpu.dma_semaphore, #tpu.memory_space<semaphore_mem>>) {add = true}
        %dma_wait3A_661 = arith.constant 0 : i32
        %dma_wait3A_662 = tpu.memref_slice %arg6[%run_scoped3A_614, %add3A_579, %dma_wait3A_661] : memref<2x16x125xi32, #tpu.memory_space<vmem>> -> memref<1x1x125xi32, #tpu.memory_space<vmem>>
        %dma_wait3A_663 = tpu.memref_squeeze %dma_wait3A_662 : memref<1x1x125xi32, #tpu.memory_space<vmem>> -> memref<125xi32, #tpu.memory_space<vmem>>
        %dma_wait3A_664 = arith.constant 0 : i32
        %dma_wait3A_665 = arith.constant 0 : i32
        %dma_wait3A_666 = tpu.memref_slice %arg9[%dma_wait3A_664, %dma_wait3A_665] : memref<10240x128xf32, #tpu.memory_space<vmem_shared>> -> memref<10240x128xf32, #tpu.memory_space<vmem_shared>>
        tpu.wait_indirect_dma semaphore(%run_scoped3A_654 : memref<!tpu.dma_semaphore, #tpu.memory_space<semaphore_mem>>) src(%arg7 : memref<125x128xf32, #tpu.memory_space<vmem>>) dst(%dma_wait3A_666 : memref<10240x128xf32, #tpu.memory_space<vmem_shared>>)
        tpu.yield
      }) : () -> ()
      %add3A_615 = arith.constant 1 : i32
      %add3A_616 = arith.addi %add3A_579, %add3A_615 : i32
      %dma_wait3A_617 = arith.constant 0 : i32
      %dma_wait3A_618 = arith.constant 0 : i32
      %dma_wait3A_619 = tpu.memref_slice %arg6[%dma_wait3A_617, %add3A_616, %dma_wait3A_618] : memref<2x16x125xi32, #tpu.memory_space<vmem>> -> memref<1x1x125xi32, #tpu.memory_space<vmem>>
      %dma_wait3A_620 = tpu.memref_squeeze %dma_wait3A_619 : memref<1x1x125xi32, #tpu.memory_space<vmem>> -> memref<125xi32, #tpu.memory_space<vmem>>
      %dma_wait3A_621 = arith.constant 0 : i32
      %dma_wait3A_622 = arith.constant 0 : i32
      %dma_wait3A_623 = arith.constant 0 : i32
      %dma_wait3A_624 = tpu.memref_slice %arg2[%scan3A_405, %dma_wait3A_621, %dma_wait3A_622, %dma_wait3A_623] : memref<1x1x10000x128xf32, #tpu.memory_space<hbm>> -> memref<1x1x10000x128xf32, #tpu.memory_space<hbm>>
      %dma_wait3A_625 = tpu.memref_squeeze %dma_wait3A_624 : memref<1x1x10000x128xf32, #tpu.memory_space<hbm>> -> memref<1x10000x128xf32, #tpu.memory_space<hbm>>
      %dma_wait3A_626 = arith.constant 0 : i32
      %dma_wait3A_627 = arith.constant 0 : i32
      %dma_wait3A_628 = tpu.memref_slice %dma_wait3A_625[%scan3A_406, %dma_wait3A_626, %dma_wait3A_627] : memref<1x10000x128xf32, #tpu.memory_space<hbm>> -> memref<1x10000x128xf32, #tpu.memory_space<hbm>>
      %dma_wait3A_629 = tpu.memref_squeeze %dma_wait3A_628 : memref<1x10000x128xf32, #tpu.memory_space<hbm>> -> memref<10000x128xf32, #tpu.memory_space<hbm>>
      %dma_wait3A_630 = arith.constant 0 : i32
      %dma_wait3A_631 = arith.constant 0 : i32
      %dma_wait3A_632 = tpu.memref_slice %dma_wait3A_629[%dma_wait3A_630, %dma_wait3A_631] : memref<10000x128xf32, #tpu.memory_space<hbm>> -> memref<10000x128xf32, #tpu.memory_space<hbm>>
      tpu.wait_indirect_dma semaphore(%arg11 : memref<!tpu.dma_semaphore, #tpu.memory_space<semaphore_mem>>) src(%dma_wait3A_632 : memref<10000x128xf32, #tpu.memory_space<hbm>>) dst(%arg8 : memref<125x128xf32, #tpu.memory_space<vmem>>)
      %add3A_633 = arith.constant 2 : i32
      %add3A_634 = arith.addi %add3A_579, %add3A_633 : i32
      %dma_start3A_635 = arith.constant 0 : i32
      %dma_start3A_636 = arith.constant 0 : i32
      %dma_start3A_637 = tpu.memref_slice %arg6[%dma_start3A_635, %add3A_634, %dma_start3A_636] : memref<2x16x125xi32, #tpu.memory_space<vmem>> -> memref<1x1x125xi32, #tpu.memory_space<vmem>>
      %dma_start3A_638 = tpu.memref_squeeze %dma_start3A_637 : memref<1x1x125xi32, #tpu.memory_space<vmem>> -> memref<125xi32, #tpu.memory_space<vmem>>
      %dma_start3A_639 = arith.constant 0 : i32
      %dma_start3A_640 = arith.constant 0 : i32
      %dma_start3A_641 = arith.constant 0 : i32
      %dma_start3A_642 = tpu.memref_slice %arg2[%scan3A_405, %dma_start3A_639, %dma_start3A_640, %dma_start3A_641] : memref<1x1x10000x128xf32, #tpu.memory_space<hbm>> -> memref<1x1x10000x128xf32, #tpu.memory_space<hbm>>
      %dma_start3A_643 = tpu.memref_squeeze %dma_start3A_642 : memref<1x1x10000x128xf32, #tpu.memory_space<hbm>> -> memref<1x10000x128xf32, #tpu.memory_space<hbm>>
      %dma_start3A_644 = arith.constant 0 : i32
      %dma_start3A_645 = arith.constant 0 : i32
      %dma_start3A_646 = tpu.memref_slice %dma_start3A_643[%scan3A_406, %dma_start3A_644, %dma_start3A_645] : memref<1x10000x128xf32, #tpu.memory_space<hbm>> -> memref<1x10000x128xf32, #tpu.memory_space<hbm>>
      %dma_start3A_647 = tpu.memref_squeeze %dma_start3A_646 : memref<1x10000x128xf32, #tpu.memory_space<hbm>> -> memref<10000x128xf32, #tpu.memory_space<hbm>>
      %dma_start3A_648 = arith.constant 0 : i32
      %dma_start3A_649 = arith.constant 0 : i32
      %dma_start3A_650 = tpu.memref_slice %dma_start3A_647[%dma_start3A_648, %dma_start3A_649] : memref<10000x128xf32, #tpu.memory_space<hbm>> -> memref<10000x128xf32, #tpu.memory_space<hbm>>
      tpu.enqueue_indirect_dma source(%dma_start3A_650 : memref<10000x128xf32, #tpu.memory_space<hbm>>) target(%arg7 : memref<125x128xf32, #tpu.memory_space<vmem>>) offsets(%dma_start3A_638 : memref<125xi32, #tpu.memory_space<vmem>>) semaphore(%arg10 : memref<!tpu.dma_semaphore, #tpu.memory_space<semaphore_mem>>)
      %add3A_651 = arith.constant 1 : i32
      %add3A_652 = arith.addi %add3A_579, %add3A_651 : i32
      %run_scoped3A_653 = arith.constant 1 : i32
      "tpu.region"() ({
        %run_scoped3A_654 = tpu.sem_alloc : memref<!tpu.dma_semaphore, #tpu.memory_space<semaphore_mem>>
        %dma_start3A_655 = arith.constant 0 : i32
        %dma_start3A_656 = tpu.memref_slice %arg6[%run_scoped3A_653, %add3A_652, %dma_start3A_655] : memref<2x16x125xi32, #tpu.memory_space<vmem>> -> memref<1x1x125xi32, #tpu.memory_space<vmem>>
        %dma_start3A_657 = tpu.memref_squeeze %dma_start3A_656 : memref<1x1x125xi32, #tpu.memory_space<vmem>> -> memref<125xi32, #tpu.memory_space<vmem>>
        %dma_start3A_658 = arith.constant 0 : i32
        %dma_start3A_659 = arith.constant 0 : i32
        %dma_start3A_660 = tpu.memref_slice %arg9[%dma_start3A_658, %dma_start3A_659] : memref<10240x128xf32, #tpu.memory_space<vmem_shared>> -> memref<10240x128xf32, #tpu.memory_space<vmem_shared>>
        tpu.enqueue_indirect_dma source(%arg8 : memref<125x128xf32, #tpu.memory_space<vmem>>) target(%dma_start3A_660 : memref<10240x128xf32, #tpu.memory_space<vmem_shared>>) offsets(%dma_start3A_657 : memref<125xi32, #tpu.memory_space<vmem>>) semaphore(%run_scoped3A_654 : memref<!tpu.dma_semaphore, #tpu.memory_space<semaphore_mem>>) {add = true}
        %dma_wait3A_661 = arith.constant 0 : i32
        %dma_wait3A_662 = tpu.memref_slice %arg6[%run_scoped3A_653, %add3A_652, %dma_wait3A_661] : memref<2x16x125xi32, #tpu.memory_space<vmem>> -> memref<1x1x125xi32, #tpu.memory_space<vmem>>
        %dma_wait3A_663 = tpu.memref_squeeze %dma_wait3A_662 : memref<1x1x125xi32, #tpu.memory_space<vmem>> -> memref<125xi32, #tpu.memory_space<vmem>>
        %dma_wait3A_664 = arith.constant 0 : i32
        %dma_wait3A_665 = arith.constant 0 : i32
        %dma_wait3A_666 = tpu.memref_slice %arg9[%dma_wait3A_664, %dma_wait3A_665] : memref<10240x128xf32, #tpu.memory_space<vmem_shared>> -> memref<10240x128xf32, #tpu.memory_space<vmem_shared>>
        tpu.wait_indirect_dma semaphore(%run_scoped3A_654 : memref<!tpu.dma_semaphore, #tpu.memory_space<semaphore_mem>>) src(%arg8 : memref<125x128xf32, #tpu.memory_space<vmem>>) dst(%dma_wait3A_666 : memref<10240x128xf32, #tpu.memory_space<vmem_shared>>)
        tpu.yield
      }) : () -> ()
    }
    %scan3A_411 = arith.constant 7 : i32
    %dma_wait3A_412 = arith.constant 0 : i32
    %dma_wait3A_413 = arith.constant 0 : i32
    %dma_wait3A_414 = arith.constant 0 : i32
    %dma_wait3A_415 = arith.constant 14 : i32
    %dma_wait3A_416 = arith.constant 0 : i32
    %dma_wait3A_417 = tpu.memref_slice %arg6[%dma_wait3A_414, %dma_wait3A_415, %dma_wait3A_416] : memref<2x16x125xi32, #tpu.memory_space<vmem>> -> memref<1x1x125xi32, #tpu.memory_space<vmem>>
    %dma_wait3A_418 = tpu.memref_squeeze %dma_wait3A_417 : memref<1x1x125xi32, #tpu.memory_space<vmem>> -> memref<125xi32, #tpu.memory_space<vmem>>
    %dma_wait3A_419 = arith.constant 0 : i32
    %dma_wait3A_420 = arith.constant 0 : i32
    %dma_wait3A_421 = arith.constant 0 : i32
    %dma_wait3A_422 = tpu.memref_slice %arg2[%dma_wait3A_412, %dma_wait3A_419, %dma_wait3A_420, %dma_wait3A_421] : memref<1x1x10000x128xf32, #tpu.memory_space<hbm>> -> memref<1x1x10000x128xf32, #tpu.memory_space<hbm>>
    %dma_wait3A_423 = tpu.memref_squeeze %dma_wait3A_422 : memref<1x1x10000x128xf32, #tpu.memory_space<hbm>> -> memref<1x10000x128xf32, #tpu.memory_space<hbm>>
    %dma_wait3A_424 = arith.constant 0 : i32
    %dma_wait3A_425 = arith.constant 0 : i32
    %dma_wait3A_426 = tpu.memref_slice %dma_wait3A_423[%dma_wait3A_413, %dma_wait3A_424, %dma_wait3A_425] : memref<1x10000x128xf32, #tpu.memory_space<hbm>> -> memref<1x10000x128xf32, #tpu.memory_space<hbm>>
    %dma_wait3A_427 = tpu.memref_squeeze %dma_wait3A_426 : memref<1x10000x128xf32, #tpu.memory_space<hbm>> -> memref<10000x128xf32, #tpu.memory_space<hbm>>
    %dma_wait3A_428 = arith.constant 0 : i32
    %dma_wait3A_429 = arith.constant 0 : i32
    %dma_wait3A_430 = tpu.memref_slice %dma_wait3A_427[%dma_wait3A_428, %dma_wait3A_429] : memref<10000x128xf32, #tpu.memory_space<hbm>> -> memref<10000x128xf32, #tpu.memory_space<hbm>>
    tpu.wait_indirect_dma semaphore(%arg10 : memref<!tpu.dma_semaphore, #tpu.memory_space<semaphore_mem>>) src(%dma_wait3A_430 : memref<10000x128xf32, #tpu.memory_space<hbm>>) dst(%arg7 : memref<125x128xf32, #tpu.memory_space<vmem>>)
    %dma_start3A_431 = arith.constant 0 : i32
    %dma_start3A_432 = arith.constant 0 : i32
    %dma_start3A_433 = arith.constant 0 : i32
    %dma_start3A_434 = arith.constant 15 : i32
    %dma_start3A_435 = arith.constant 0 : i32
    %dma_start3A_436 = tpu.memref_slice %arg6[%dma_start3A_433, %dma_start3A_434, %dma_start3A_435] : memref<2x16x125xi32, #tpu.memory_space<vmem>> -> memref<1x1x125xi32, #tpu.memory_space<vmem>>
    %dma_start3A_437 = tpu.memref_squeeze %dma_start3A_436 : memref<1x1x125xi32, #tpu.memory_space<vmem>> -> memref<125xi32, #tpu.memory_space<vmem>>
    %dma_start3A_438 = arith.constant 0 : i32
    %dma_start3A_439 = arith.constant 0 : i32
    %dma_start3A_440 = arith.constant 0 : i32
    %dma_start3A_441 = tpu.memref_slice %arg2[%dma_start3A_431, %dma_start3A_438, %dma_start3A_439, %dma_start3A_440] : memref<1x1x10000x128xf32, #tpu.memory_space<hbm>> -> memref<1x1x10000x128xf32, #tpu.memory_space<hbm>>
    %dma_start3A_442 = tpu.memref_squeeze %dma_start3A_441 : memref<1x1x10000x128xf32, #tpu.memory_space<hbm>> -> memref<1x10000x128xf32, #tpu.memory_space<hbm>>
    %dma_start3A_443 = arith.constant 0 : i32
    %dma_start3A_444 = arith.constant 0 : i32
    %dma_start3A_445 = tpu.memref_slice %dma_start3A_442[%dma_start3A_432, %dma_start3A_443, %dma_start3A_444] : memref<1x10000x128xf32, #tpu.memory_space<hbm>> -> memref<1x10000x128xf32, #tpu.memory_space<hbm>>
    %dma_start3A_446 = tpu.memref_squeeze %dma_start3A_445 : memref<1x10000x128xf32, #tpu.memory_space<hbm>> -> memref<10000x128xf32, #tpu.memory_space<hbm>>
    %dma_start3A_447 = arith.constant 0 : i32
    %dma_start3A_448 = arith.constant 0 : i32
    %dma_start3A_449 = tpu.memref_slice %dma_start3A_446[%dma_start3A_447, %dma_start3A_448] : memref<10000x128xf32, #tpu.memory_space<hbm>> -> memref<10000x128xf32, #tpu.memory_space<hbm>>
    tpu.enqueue_indirect_dma source(%dma_start3A_449 : memref<10000x128xf32, #tpu.memory_space<hbm>>) target(%arg8 : memref<125x128xf32, #tpu.memory_space<vmem>>) offsets(%dma_start3A_437 : memref<125xi32, #tpu.memory_space<vmem>>) semaphore(%arg11 : memref<!tpu.dma_semaphore, #tpu.memory_space<semaphore_mem>>)
    %run_scoped3A_450 = arith.constant 1 : i32
    %run_scoped3A_451 = arith.constant 14 : i32
    "tpu.region"() ({
      %run_scoped3A_575 = tpu.sem_alloc : memref<!tpu.dma_semaphore, #tpu.memory_space<semaphore_mem>>
      %dma_start3A_576 = arith.constant 0 : i32
      %dma_start3A_577 = tpu.memref_slice %arg6[%run_scoped3A_450, %run_scoped3A_451, %dma_start3A_576] : memref<2x16x125xi32, #tpu.memory_space<vmem>> -> memref<1x1x125xi32, #tpu.memory_space<vmem>>
      %dma_start3A_578 = tpu.memref_squeeze %dma_start3A_577 : memref<1x1x125xi32, #tpu.memory_space<vmem>> -> memref<125xi32, #tpu.memory_space<vmem>>
      %dma_start3A_579 = arith.constant 0 : i32
      %dma_start3A_580 = arith.constant 0 : i32
      %dma_start3A_581 = tpu.memref_slice %arg9[%dma_start3A_579, %dma_start3A_580] : memref<10240x128xf32, #tpu.memory_space<vmem_shared>> -> memref<10240x128xf32, #tpu.memory_space<vmem_shared>>
      tpu.enqueue_indirect_dma source(%arg7 : memref<125x128xf32, #tpu.memory_space<vmem>>) target(%dma_start3A_581 : memref<10240x128xf32, #tpu.memory_space<vmem_shared>>) offsets(%dma_start3A_578 : memref<125xi32, #tpu.memory_space<vmem>>) semaphore(%run_scoped3A_575 : memref<!tpu.dma_semaphore, #tpu.memory_space<semaphore_mem>>) {add = true}
      %dma_wait3A_582 = arith.constant 0 : i32
      %dma_wait3A_583 = tpu.memref_slice %arg6[%run_scoped3A_450, %run_scoped3A_451, %dma_wait3A_582] : memref<2x16x125xi32, #tpu.memory_space<vmem>> -> memref<1x1x125xi32, #tpu.memory_space<vmem>>
      %dma_wait3A_584 = tpu.memref_squeeze %dma_wait3A_583 : memref<1x1x125xi32, #tpu.memory_space<vmem>> -> memref<125xi32, #tpu.memory_space<vmem>>
      %dma_wait3A_585 = arith.constant 0 : i32
      %dma_wait3A_586 = arith.constant 0 : i32
      %dma_wait3A_587 = tpu.memref_slice %arg9[%dma_wait3A_585, %dma_wait3A_586] : memref<10240x128xf32, #tpu.memory_space<vmem_shared>> -> memref<10240x128xf32, #tpu.memory_space<vmem_shared>>
      tpu.wait_indirect_dma semaphore(%run_scoped3A_575 : memref<!tpu.dma_semaphore, #tpu.memory_space<semaphore_mem>>) src(%arg7 : memref<125x128xf32, #tpu.memory_space<vmem>>) dst(%dma_wait3A_587 : memref<10240x128xf32, #tpu.memory_space<vmem_shared>>)
      tpu.yield
    }) : () -> ()
    %dma_wait3A_452 = arith.constant 0 : i32
    %dma_wait3A_453 = arith.constant 0 : i32
    %dma_wait3A_454 = arith.constant 0 : i32
    %dma_wait3A_455 = arith.constant 15 : i32
    %dma_wait3A_456 = arith.constant 0 : i32
    %dma_wait3A_457 = tpu.memref_slice %arg6[%dma_wait3A_454, %dma_wait3A_455, %dma_wait3A_456] : memref<2x16x125xi32, #tpu.memory_space<vmem>> -> memref<1x1x125xi32, #tpu.memory_space<vmem>>
    %dma_wait3A_458 = tpu.memref_squeeze %dma_wait3A_457 : memref<1x1x125xi32, #tpu.memory_space<vmem>> -> memref<125xi32, #tpu.memory_space<vmem>>
    %dma_wait3A_459 = arith.constant 0 : i32
    %dma_wait3A_460 = arith.constant 0 : i32
    %dma_wait3A_461 = arith.constant 0 : i32
    %dma_wait3A_462 = tpu.memref_slice %arg2[%dma_wait3A_452, %dma_wait3A_459, %dma_wait3A_460, %dma_wait3A_461] : memref<1x1x10000x128xf32, #tpu.memory_space<hbm>> -> memref<1x1x10000x128xf32, #tpu.memory_space<hbm>>
    %dma_wait3A_463 = tpu.memref_squeeze %dma_wait3A_462 : memref<1x1x10000x128xf32, #tpu.memory_space<hbm>> -> memref<1x10000x128xf32, #tpu.memory_space<hbm>>
    %dma_wait3A_464 = arith.constant 0 : i32
    %dma_wait3A_465 = arith.constant 0 : i32
    %dma_wait3A_466 = tpu.memref_slice %dma_wait3A_463[%dma_wait3A_453, %dma_wait3A_464, %dma_wait3A_465] : memref<1x10000x128xf32, #tpu.memory_space<hbm>> -> memref<1x10000x128xf32, #tpu.memory_space<hbm>>
    %dma_wait3A_467 = tpu.memref_squeeze %dma_wait3A_466 : memref<1x10000x128xf32, #tpu.memory_space<hbm>> -> memref<10000x128xf32, #tpu.memory_space<hbm>>
    %dma_wait3A_468 = arith.constant 0 : i32
    %dma_wait3A_469 = arith.constant 0 : i32
    %dma_wait3A_470 = tpu.memref_slice %dma_wait3A_467[%dma_wait3A_468, %dma_wait3A_469] : memref<10000x128xf32, #tpu.memory_space<hbm>> -> memref<10000x128xf32, #tpu.memory_space<hbm>>
    tpu.wait_indirect_dma semaphore(%arg11 : memref<!tpu.dma_semaphore, #tpu.memory_space<semaphore_mem>>) src(%dma_wait3A_470 : memref<10000x128xf32, #tpu.memory_space<hbm>>) dst(%arg8 : memref<125x128xf32, #tpu.memory_space<vmem>>)
    %run_scoped3A_471 = arith.constant 1 : i32
    %run_scoped3A_472 = arith.constant 15 : i32
    "tpu.region"() ({
      %run_scoped3A_575 = tpu.sem_alloc : memref<!tpu.dma_semaphore, #tpu.memory_space<semaphore_mem>>
      %dma_start3A_576 = arith.constant 0 : i32
      %dma_start3A_577 = tpu.memref_slice %arg6[%run_scoped3A_471, %run_scoped3A_472, %dma_start3A_576] : memref<2x16x125xi32, #tpu.memory_space<vmem>> -> memref<1x1x125xi32, #tpu.memory_space<vmem>>
      %dma_start3A_578 = tpu.memref_squeeze %dma_start3A_577 : memref<1x1x125xi32, #tpu.memory_space<vmem>> -> memref<125xi32, #tpu.memory_space<vmem>>
      %dma_start3A_579 = arith.constant 0 : i32
      %dma_start3A_580 = arith.constant 0 : i32
      %dma_start3A_581 = tpu.memref_slice %arg9[%dma_start3A_579, %dma_start3A_580] : memref<10240x128xf32, #tpu.memory_space<vmem_shared>> -> memref<10240x128xf32, #tpu.memory_space<vmem_shared>>
      tpu.enqueue_indirect_dma source(%arg8 : memref<125x128xf32, #tpu.memory_space<vmem>>) target(%dma_start3A_581 : memref<10240x128xf32, #tpu.memory_space<vmem_shared>>) offsets(%dma_start3A_578 : memref<125xi32, #tpu.memory_space<vmem>>) semaphore(%run_scoped3A_575 : memref<!tpu.dma_semaphore, #tpu.memory_space<semaphore_mem>>) {add = true}
      %dma_wait3A_582 = arith.constant 0 : i32
      %dma_wait3A_583 = tpu.memref_slice %arg6[%run_scoped3A_471, %run_scoped3A_472, %dma_wait3A_582] : memref<2x16x125xi32, #tpu.memory_space<vmem>> -> memref<1x1x125xi32, #tpu.memory_space<vmem>>
      %dma_wait3A_584 = tpu.memref_squeeze %dma_wait3A_583 : memref<1x1x125xi32, #tpu.memory_space<vmem>> -> memref<125xi32, #tpu.memory_space<vmem>>
      %dma_wait3A_585 = arith.constant 0 : i32
      %dma_wait3A_586 = arith.constant 0 : i32
      %dma_wait3A_587 = tpu.memref_slice %arg9[%dma_wait3A_585, %dma_wait3A_586] : memref<10240x128xf32, #tpu.memory_space<vmem_shared>> -> memref<10240x128xf32, #tpu.memory_space<vmem_shared>>
      tpu.wait_indirect_dma semaphore(%run_scoped3A_575 : memref<!tpu.dma_semaphore, #tpu.memory_space<semaphore_mem>>) src(%arg8 : memref<125x128xf32, #tpu.memory_space<vmem>>) dst(%dma_wait3A_587 : memref<10240x128xf32, #tpu.memory_space<vmem_shared>>)
      tpu.yield
    }) : () -> ()
    %mul3A_473 = arith.constant 80 : i32
    %mul3A_474 = arith.muli %add3A, %mul3A_473 : i32
    %add3A_475 = arith.constant 64 : i32
    %add3A_476 = arith.addi %mul3A_474, %add3A_475 : i32
    %dma_wait3A_477 = arith.constant 0 : i32
    %dma_wait3A_478 = arith.constant 0 : i32
    %dma_wait3A_479 = tpu.memref_slice %arg3[%dma_wait3A_477, %add3A_476, %dma_wait3A_478] : memref<2x2560x125xi32, #tpu.memory_space<hbm>> -> memref<2x16x125xi32, #tpu.memory_space<hbm>>
    %dma_wait3A_480 = arith.constant 0 : i32
    %dma_wait3A_481 = arith.constant 0 : i32
    %dma_wait3A_482 = tpu.memref_slice %arg3[%dma_wait3A_480, %add3A_476, %dma_wait3A_481] : memref<2x2560x125xi32, #tpu.memory_space<hbm>> -> memref<2x16x125xi32, #tpu.memory_space<hbm>>
    tpu.wait_dma2 semaphore(%arg12 : memref<!tpu.dma_semaphore, #tpu.memory_space<semaphore_mem>>) src(%dma_wait3A_482 : memref<2x16x125xi32, #tpu.memory_space<hbm>>) dst(%arg5 : memref<2x16x125xi32, #tpu.memory_space<vmem>>)
    %dma_start3A_483 = arith.constant 0 : i32
    %dma_start3A_484 = arith.constant 0 : i32
    %dma_start3A_485 = arith.constant 0 : i32
    %dma_start3A_486 = arith.constant 0 : i32
    %dma_start3A_487 = arith.constant 0 : i32
    %dma_start3A_488 = tpu.memref_slice %arg5[%dma_start3A_485, %dma_start3A_486, %dma_start3A_487] : memref<2x16x125xi32, #tpu.memory_space<vmem>> -> memref<1x1x125xi32, #tpu.memory_space<vmem>>
    %dma_start3A_489 = tpu.memref_squeeze %dma_start3A_488 : memref<1x1x125xi32, #tpu.memory_space<vmem>> -> memref<125xi32, #tpu.memory_space<vmem>>
    %dma_start3A_490 = arith.constant 0 : i32
    %dma_start3A_491 = arith.constant 0 : i32
    %dma_start3A_492 = arith.constant 0 : i32
    %dma_start3A_493 = tpu.memref_slice %arg2[%dma_start3A_483, %dma_start3A_490, %dma_start3A_491, %dma_start3A_492] : memref<1x1x10000x128xf32, #tpu.memory_space<hbm>> -> memref<1x1x10000x128xf32, #tpu.memory_space<hbm>>
    %dma_start3A_494 = tpu.memref_squeeze %dma_start3A_493 : memref<1x1x10000x128xf32, #tpu.memory_space<hbm>> -> memref<1x10000x128xf32, #tpu.memory_space<hbm>>
    %dma_start3A_495 = arith.constant 0 : i32
    %dma_start3A_496 = arith.constant 0 : i32
    %dma_start3A_497 = tpu.memref_slice %dma_start3A_494[%dma_start3A_484, %dma_start3A_495, %dma_start3A_496] : memref<1x10000x128xf32, #tpu.memory_space<hbm>> -> memref<1x10000x128xf32, #tpu.memory_space<hbm>>
    %dma_start3A_498 = tpu.memref_squeeze %dma_start3A_497 : memref<1x10000x128xf32, #tpu.memory_space<hbm>> -> memref<10000x128xf32, #tpu.memory_space<hbm>>
    %dma_start3A_499 = arith.constant 0 : i32
    %dma_start3A_500 = arith.constant 0 : i32
    %dma_start3A_501 = tpu.memref_slice %dma_start3A_498[%dma_start3A_499, %dma_start3A_500] : memref<10000x128xf32, #tpu.memory_space<hbm>> -> memref<10000x128xf32, #tpu.memory_space<hbm>>
    tpu.enqueue_indirect_dma source(%dma_start3A_501 : memref<10000x128xf32, #tpu.memory_space<hbm>>) target(%arg7 : memref<125x128xf32, #tpu.memory_space<vmem>>) offsets(%dma_start3A_489 : memref<125xi32, #tpu.memory_space<vmem>>) semaphore(%arg10 : memref<!tpu.dma_semaphore, #tpu.memory_space<semaphore_mem>>)
    %scan3A_502 = arith.constant 0 : i32
    %scan3A_503 = arith.constant 0 : i32
    %scan3A_504 = arith.constant 0 : i32
    %scan3A_505 = arith.constant 7 : i32
    %scan3A_506 = arith.addi %scan3A_504, %scan3A_505 : i32
    %scan3A_507 = arith.constant 1 : i32
    scf.for %scan3A_575 = %scan3A_504 to %scan3A_506 step %scan3A_507  : i32 {
      %mul3A_576 = arith.constant 2 : i32
      %mul3A_577 = arith.muli %scan3A_575, %mul3A_576 : i32
      %add3A_578 = arith.constant 0 : i32
      %add3A_579 = arith.addi %add3A_578, %mul3A_577 : i32
      %dma_wait3A_580 = arith.constant 0 : i32
      %dma_wait3A_581 = arith.constant 0 : i32
      %dma_wait3A_582 = tpu.memref_slice %arg5[%dma_wait3A_580, %add3A_579, %dma_wait3A_581] : memref<2x16x125xi32, #tpu.memory_space<vmem>> -> memref<1x1x125xi32, #tpu.memory_space<vmem>>
      %dma_wait3A_583 = tpu.memref_squeeze %dma_wait3A_582 : memref<1x1x125xi32, #tpu.memory_space<vmem>> -> memref<125xi32, #tpu.memory_space<vmem>>
      %dma_wait3A_584 = arith.constant 0 : i32
      %dma_wait3A_585 = arith.constant 0 : i32
      %dma_wait3A_586 = arith.constant 0 : i32
      %dma_wait3A_587 = tpu.memref_slice %arg2[%scan3A_502, %dma_wait3A_584, %dma_wait3A_585, %dma_wait3A_586] : memref<1x1x10000x128xf32, #tpu.memory_space<hbm>> -> memref<1x1x10000x128xf32, #tpu.memory_space<hbm>>
      %dma_wait3A_588 = tpu.memref_squeeze %dma_wait3A_587 : memref<1x1x10000x128xf32, #tpu.memory_space<hbm>> -> memref<1x10000x128xf32, #tpu.memory_space<hbm>>
      %dma_wait3A_589 = arith.constant 0 : i32
      %dma_wait3A_590 = arith.constant 0 : i32
      %dma_wait3A_591 = tpu.memref_slice %dma_wait3A_588[%scan3A_503, %dma_wait3A_589, %dma_wait3A_590] : memref<1x10000x128xf32, #tpu.memory_space<hbm>> -> memref<1x10000x128xf32, #tpu.memory_space<hbm>>
      %dma_wait3A_592 = tpu.memref_squeeze %dma_wait3A_591 : memref<1x10000x128xf32, #tpu.memory_space<hbm>> -> memref<10000x128xf32, #tpu.memory_space<hbm>>
      %dma_wait3A_593 = arith.constant 0 : i32
      %dma_wait3A_594 = arith.constant 0 : i32
      %dma_wait3A_595 = tpu.memref_slice %dma_wait3A_592[%dma_wait3A_593, %dma_wait3A_594] : memref<10000x128xf32, #tpu.memory_space<hbm>> -> memref<10000x128xf32, #tpu.memory_space<hbm>>
      tpu.wait_indirect_dma semaphore(%arg10 : memref<!tpu.dma_semaphore, #tpu.memory_space<semaphore_mem>>) src(%dma_wait3A_595 : memref<10000x128xf32, #tpu.memory_space<hbm>>) dst(%arg7 : memref<125x128xf32, #tpu.memory_space<vmem>>)
      %add3A_596 = arith.constant 1 : i32
      %add3A_597 = arith.addi %add3A_579, %add3A_596 : i32
      %dma_start3A_598 = arith.constant 0 : i32
      %dma_start3A_599 = arith.constant 0 : i32
      %dma_start3A_600 = tpu.memref_slice %arg5[%dma_start3A_598, %add3A_597, %dma_start3A_599] : memref<2x16x125xi32, #tpu.memory_space<vmem>> -> memref<1x1x125xi32, #tpu.memory_space<vmem>>
      %dma_start3A_601 = tpu.memref_squeeze %dma_start3A_600 : memref<1x1x125xi32, #tpu.memory_space<vmem>> -> memref<125xi32, #tpu.memory_space<vmem>>
      %dma_start3A_602 = arith.constant 0 : i32
      %dma_start3A_603 = arith.constant 0 : i32
      %dma_start3A_604 = arith.constant 0 : i32
      %dma_start3A_605 = tpu.memref_slice %arg2[%scan3A_502, %dma_start3A_602, %dma_start3A_603, %dma_start3A_604] : memref<1x1x10000x128xf32, #tpu.memory_space<hbm>> -> memref<1x1x10000x128xf32, #tpu.memory_space<hbm>>
      %dma_start3A_606 = tpu.memref_squeeze %dma_start3A_605 : memref<1x1x10000x128xf32, #tpu.memory_space<hbm>> -> memref<1x10000x128xf32, #tpu.memory_space<hbm>>
      %dma_start3A_607 = arith.constant 0 : i32
      %dma_start3A_608 = arith.constant 0 : i32
      %dma_start3A_609 = tpu.memref_slice %dma_start3A_606[%scan3A_503, %dma_start3A_607, %dma_start3A_608] : memref<1x10000x128xf32, #tpu.memory_space<hbm>> -> memref<1x10000x128xf32, #tpu.memory_space<hbm>>
      %dma_start3A_610 = tpu.memref_squeeze %dma_start3A_609 : memref<1x10000x128xf32, #tpu.memory_space<hbm>> -> memref<10000x128xf32, #tpu.memory_space<hbm>>
      %dma_start3A_611 = arith.constant 0 : i32
      %dma_start3A_612 = arith.constant 0 : i32
      %dma_start3A_613 = tpu.memref_slice %dma_start3A_610[%dma_start3A_611, %dma_start3A_612] : memref<10000x128xf32, #tpu.memory_space<hbm>> -> memref<10000x128xf32, #tpu.memory_space<hbm>>
      tpu.enqueue_indirect_dma source(%dma_start3A_613 : memref<10000x128xf32, #tpu.memory_space<hbm>>) target(%arg8 : memref<125x128xf32, #tpu.memory_space<vmem>>) offsets(%dma_start3A_601 : memref<125xi32, #tpu.memory_space<vmem>>) semaphore(%arg11 : memref<!tpu.dma_semaphore, #tpu.memory_space<semaphore_mem>>)
      %run_scoped3A_614 = arith.constant 1 : i32
      "tpu.region"() ({
        %run_scoped3A_654 = tpu.sem_alloc : memref<!tpu.dma_semaphore, #tpu.memory_space<semaphore_mem>>
        %dma_start3A_655 = arith.constant 0 : i32
        %dma_start3A_656 = tpu.memref_slice %arg5[%run_scoped3A_614, %add3A_579, %dma_start3A_655] : memref<2x16x125xi32, #tpu.memory_space<vmem>> -> memref<1x1x125xi32, #tpu.memory_space<vmem>>
        %dma_start3A_657 = tpu.memref_squeeze %dma_start3A_656 : memref<1x1x125xi32, #tpu.memory_space<vmem>> -> memref<125xi32, #tpu.memory_space<vmem>>
        %dma_start3A_658 = arith.constant 0 : i32
        %dma_start3A_659 = arith.constant 0 : i32
        %dma_start3A_660 = tpu.memref_slice %arg9[%dma_start3A_658, %dma_start3A_659] : memref<10240x128xf32, #tpu.memory_space<vmem_shared>> -> memref<10240x128xf32, #tpu.memory_space<vmem_shared>>
        tpu.enqueue_indirect_dma source(%arg7 : memref<125x128xf32, #tpu.memory_space<vmem>>) target(%dma_start3A_660 : memref<10240x128xf32, #tpu.memory_space<vmem_shared>>) offsets(%dma_start3A_657 : memref<125xi32, #tpu.memory_space<vmem>>) semaphore(%run_scoped3A_654 : memref<!tpu.dma_semaphore, #tpu.memory_space<semaphore_mem>>) {add = true}
        %dma_wait3A_661 = arith.constant 0 : i32
        %dma_wait3A_662 = tpu.memref_slice %arg5[%run_scoped3A_614, %add3A_579, %dma_wait3A_661] : memref<2x16x125xi32, #tpu.memory_space<vmem>> -> memref<1x1x125xi32, #tpu.memory_space<vmem>>
        %dma_wait3A_663 = tpu.memref_squeeze %dma_wait3A_662 : memref<1x1x125xi32, #tpu.memory_space<vmem>> -> memref<125xi32, #tpu.memory_space<vmem>>
        %dma_wait3A_664 = arith.constant 0 : i32
        %dma_wait3A_665 = arith.constant 0 : i32
        %dma_wait3A_666 = tpu.memref_slice %arg9[%dma_wait3A_664, %dma_wait3A_665] : memref<10240x128xf32, #tpu.memory_space<vmem_shared>> -> memref<10240x128xf32, #tpu.memory_space<vmem_shared>>
        tpu.wait_indirect_dma semaphore(%run_scoped3A_654 : memref<!tpu.dma_semaphore, #tpu.memory_space<semaphore_mem>>) src(%arg7 : memref<125x128xf32, #tpu.memory_space<vmem>>) dst(%dma_wait3A_666 : memref<10240x128xf32, #tpu.memory_space<vmem_shared>>)
        tpu.yield
      }) : () -> ()
      %add3A_615 = arith.constant 1 : i32
      %add3A_616 = arith.addi %add3A_579, %add3A_615 : i32
      %dma_wait3A_617 = arith.constant 0 : i32
      %dma_wait3A_618 = arith.constant 0 : i32
      %dma_wait3A_619 = tpu.memref_slice %arg5[%dma_wait3A_617, %add3A_616, %dma_wait3A_618] : memref<2x16x125xi32, #tpu.memory_space<vmem>> -> memref<1x1x125xi32, #tpu.memory_space<vmem>>
      %dma_wait3A_620 = tpu.memref_squeeze %dma_wait3A_619 : memref<1x1x125xi32, #tpu.memory_space<vmem>> -> memref<125xi32, #tpu.memory_space<vmem>>
      %dma_wait3A_621 = arith.constant 0 : i32
      %dma_wait3A_622 = arith.constant 0 : i32
      %dma_wait3A_623 = arith.constant 0 : i32
      %dma_wait3A_624 = tpu.memref_slice %arg2[%scan3A_502, %dma_wait3A_621, %dma_wait3A_622, %dma_wait3A_623] : memref<1x1x10000x128xf32, #tpu.memory_space<hbm>> -> memref<1x1x10000x128xf32, #tpu.memory_space<hbm>>
      %dma_wait3A_625 = tpu.memref_squeeze %dma_wait3A_624 : memref<1x1x10000x128xf32, #tpu.memory_space<hbm>> -> memref<1x10000x128xf32, #tpu.memory_space<hbm>>
      %dma_wait3A_626 = arith.constant 0 : i32
      %dma_wait3A_627 = arith.constant 0 : i32
      %dma_wait3A_628 = tpu.memref_slice %dma_wait3A_625[%scan3A_503, %dma_wait3A_626, %dma_wait3A_627] : memref<1x10000x128xf32, #tpu.memory_space<hbm>> -> memref<1x10000x128xf32, #tpu.memory_space<hbm>>
      %dma_wait3A_629 = tpu.memref_squeeze %dma_wait3A_628 : memref<1x10000x128xf32, #tpu.memory_space<hbm>> -> memref<10000x128xf32, #tpu.memory_space<hbm>>
      %dma_wait3A_630 = arith.constant 0 : i32
      %dma_wait3A_631 = arith.constant 0 : i32
      %dma_wait3A_632 = tpu.memref_slice %dma_wait3A_629[%dma_wait3A_630, %dma_wait3A_631] : memref<10000x128xf32, #tpu.memory_space<hbm>> -> memref<10000x128xf32, #tpu.memory_space<hbm>>
      tpu.wait_indirect_dma semaphore(%arg11 : memref<!tpu.dma_semaphore, #tpu.memory_space<semaphore_mem>>) src(%dma_wait3A_632 : memref<10000x128xf32, #tpu.memory_space<hbm>>) dst(%arg8 : memref<125x128xf32, #tpu.memory_space<vmem>>)
      %add3A_633 = arith.constant 2 : i32
      %add3A_634 = arith.addi %add3A_579, %add3A_633 : i32
      %dma_start3A_635 = arith.constant 0 : i32
      %dma_start3A_636 = arith.constant 0 : i32
      %dma_start3A_637 = tpu.memref_slice %arg5[%dma_start3A_635, %add3A_634, %dma_start3A_636] : memref<2x16x125xi32, #tpu.memory_space<vmem>> -> memref<1x1x125xi32, #tpu.memory_space<vmem>>
      %dma_start3A_638 = tpu.memref_squeeze %dma_start3A_637 : memref<1x1x125xi32, #tpu.memory_space<vmem>> -> memref<125xi32, #tpu.memory_space<vmem>>
      %dma_start3A_639 = arith.constant 0 : i32
      %dma_start3A_640 = arith.constant 0 : i32
      %dma_start3A_641 = arith.constant 0 : i32
      %dma_start3A_642 = tpu.memref_slice %arg2[%scan3A_502, %dma_start3A_639, %dma_start3A_640, %dma_start3A_641] : memref<1x1x10000x128xf32, #tpu.memory_space<hbm>> -> memref<1x1x10000x128xf32, #tpu.memory_space<hbm>>
      %dma_start3A_643 = tpu.memref_squeeze %dma_start3A_642 : memref<1x1x10000x128xf32, #tpu.memory_space<hbm>> -> memref<1x10000x128xf32, #tpu.memory_space<hbm>>
      %dma_start3A_644 = arith.constant 0 : i32
      %dma_start3A_645 = arith.constant 0 : i32
      %dma_start3A_646 = tpu.memref_slice %dma_start3A_643[%scan3A_503, %dma_start3A_644, %dma_start3A_645] : memref<1x10000x128xf32, #tpu.memory_space<hbm>> -> memref<1x10000x128xf32, #tpu.memory_space<hbm>>
      %dma_start3A_647 = tpu.memref_squeeze %dma_start3A_646 : memref<1x10000x128xf32, #tpu.memory_space<hbm>> -> memref<10000x128xf32, #tpu.memory_space<hbm>>
      %dma_start3A_648 = arith.constant 0 : i32
      %dma_start3A_649 = arith.constant 0 : i32
      %dma_start3A_650 = tpu.memref_slice %dma_start3A_647[%dma_start3A_648, %dma_start3A_649] : memref<10000x128xf32, #tpu.memory_space<hbm>> -> memref<10000x128xf32, #tpu.memory_space<hbm>>
      tpu.enqueue_indirect_dma source(%dma_start3A_650 : memref<10000x128xf32, #tpu.memory_space<hbm>>) target(%arg7 : memref<125x128xf32, #tpu.memory_space<vmem>>) offsets(%dma_start3A_638 : memref<125xi32, #tpu.memory_space<vmem>>) semaphore(%arg10 : memref<!tpu.dma_semaphore, #tpu.memory_space<semaphore_mem>>)
      %add3A_651 = arith.constant 1 : i32
      %add3A_652 = arith.addi %add3A_579, %add3A_651 : i32
      %run_scoped3A_653 = arith.constant 1 : i32
      "tpu.region"() ({
        %run_scoped3A_654 = tpu.sem_alloc : memref<!tpu.dma_semaphore, #tpu.memory_space<semaphore_mem>>
        %dma_start3A_655 = arith.constant 0 : i32
        %dma_start3A_656 = tpu.memref_slice %arg5[%run_scoped3A_653, %add3A_652, %dma_start3A_655] : memref<2x16x125xi32, #tpu.memory_space<vmem>> -> memref<1x1x125xi32, #tpu.memory_space<vmem>>
        %dma_start3A_657 = tpu.memref_squeeze %dma_start3A_656 : memref<1x1x125xi32, #tpu.memory_space<vmem>> -> memref<125xi32, #tpu.memory_space<vmem>>
        %dma_start3A_658 = arith.constant 0 : i32
        %dma_start3A_659 = arith.constant 0 : i32
        %dma_start3A_660 = tpu.memref_slice %arg9[%dma_start3A_658, %dma_start3A_659] : memref<10240x128xf32, #tpu.memory_space<vmem_shared>> -> memref<10240x128xf32, #tpu.memory_space<vmem_shared>>
        tpu.enqueue_indirect_dma source(%arg8 : memref<125x128xf32, #tpu.memory_space<vmem>>) target(%dma_start3A_660 : memref<10240x128xf32, #tpu.memory_space<vmem_shared>>) offsets(%dma_start3A_657 : memref<125xi32, #tpu.memory_space<vmem>>) semaphore(%run_scoped3A_654 : memref<!tpu.dma_semaphore, #tpu.memory_space<semaphore_mem>>) {add = true}
        %dma_wait3A_661 = arith.constant 0 : i32
        %dma_wait3A_662 = tpu.memref_slice %arg5[%run_scoped3A_653, %add3A_652, %dma_wait3A_661] : memref<2x16x125xi32, #tpu.memory_space<vmem>> -> memref<1x1x125xi32, #tpu.memory_space<vmem>>
        %dma_wait3A_663 = tpu.memref_squeeze %dma_wait3A_662 : memref<1x1x125xi32, #tpu.memory_space<vmem>> -> memref<125xi32, #tpu.memory_space<vmem>>
        %dma_wait3A_664 = arith.constant 0 : i32
        %dma_wait3A_665 = arith.constant 0 : i32
        %dma_wait3A_666 = tpu.memref_slice %arg9[%dma_wait3A_664, %dma_wait3A_665] : memref<10240x128xf32, #tpu.memory_space<vmem_shared>> -> memref<10240x128xf32, #tpu.memory_space<vmem_shared>>
        tpu.wait_indirect_dma semaphore(%run_scoped3A_654 : memref<!tpu.dma_semaphore, #tpu.memory_space<semaphore_mem>>) src(%arg8 : memref<125x128xf32, #tpu.memory_space<vmem>>) dst(%dma_wait3A_666 : memref<10240x128xf32, #tpu.memory_space<vmem_shared>>)
        tpu.yield
      }) : () -> ()
    }
    %scan3A_508 = arith.constant 7 : i32
    %dma_wait3A_509 = arith.constant 0 : i32
    %dma_wait3A_510 = arith.constant 0 : i32
    %dma_wait3A_511 = arith.constant 0 : i32
    %dma_wait3A_512 = arith.constant 14 : i32
    %dma_wait3A_513 = arith.constant 0 : i32
    %dma_wait3A_514 = tpu.memref_slice %arg5[%dma_wait3A_511, %dma_wait3A_512, %dma_wait3A_513] : memref<2x16x125xi32, #tpu.memory_space<vmem>> -> memref<1x1x125xi32, #tpu.memory_space<vmem>>
    %dma_wait3A_515 = tpu.memref_squeeze %dma_wait3A_514 : memref<1x1x125xi32, #tpu.memory_space<vmem>> -> memref<125xi32, #tpu.memory_space<vmem>>
    %dma_wait3A_516 = arith.constant 0 : i32
    %dma_wait3A_517 = arith.constant 0 : i32
    %dma_wait3A_518 = arith.constant 0 : i32
    %dma_wait3A_519 = tpu.memref_slice %arg2[%dma_wait3A_509, %dma_wait3A_516, %dma_wait3A_517, %dma_wait3A_518] : memref<1x1x10000x128xf32, #tpu.memory_space<hbm>> -> memref<1x1x10000x128xf32, #tpu.memory_space<hbm>>
    %dma_wait3A_520 = tpu.memref_squeeze %dma_wait3A_519 : memref<1x1x10000x128xf32, #tpu.memory_space<hbm>> -> memref<1x10000x128xf32, #tpu.memory_space<hbm>>
    %dma_wait3A_521 = arith.constant 0 : i32
    %dma_wait3A_522 = arith.constant 0 : i32
    %dma_wait3A_523 = tpu.memref_slice %dma_wait3A_520[%dma_wait3A_510, %dma_wait3A_521, %dma_wait3A_522] : memref<1x10000x128xf32, #tpu.memory_space<hbm>> -> memref<1x10000x128xf32, #tpu.memory_space<hbm>>
    %dma_wait3A_524 = tpu.memref_squeeze %dma_wait3A_523 : memref<1x10000x128xf32, #tpu.memory_space<hbm>> -> memref<10000x128xf32, #tpu.memory_space<hbm>>
    %dma_wait3A_525 = arith.constant 0 : i32
    %dma_wait3A_526 = arith.constant 0 : i32
    %dma_wait3A_527 = tpu.memref_slice %dma_wait3A_524[%dma_wait3A_525, %dma_wait3A_526] : memref<10000x128xf32, #tpu.memory_space<hbm>> -> memref<10000x128xf32, #tpu.memory_space<hbm>>
    tpu.wait_indirect_dma semaphore(%arg10 : memref<!tpu.dma_semaphore, #tpu.memory_space<semaphore_mem>>) src(%dma_wait3A_527 : memref<10000x128xf32, #tpu.memory_space<hbm>>) dst(%arg7 : memref<125x128xf32, #tpu.memory_space<vmem>>)
    %dma_start3A_528 = arith.constant 0 : i32
    %dma_start3A_529 = arith.constant 0 : i32
    %dma_start3A_530 = arith.constant 0 : i32
    %dma_start3A_531 = arith.constant 15 : i32
    %dma_start3A_532 = arith.constant 0 : i32
    %dma_start3A_533 = tpu.memref_slice %arg5[%dma_start3A_530, %dma_start3A_531, %dma_start3A_532] : memref<2x16x125xi32, #tpu.memory_space<vmem>> -> memref<1x1x125xi32, #tpu.memory_space<vmem>>
    %dma_start3A_534 = tpu.memref_squeeze %dma_start3A_533 : memref<1x1x125xi32, #tpu.memory_space<vmem>> -> memref<125xi32, #tpu.memory_space<vmem>>
    %dma_start3A_535 = arith.constant 0 : i32
    %dma_start3A_536 = arith.constant 0 : i32
    %dma_start3A_537 = arith.constant 0 : i32
    %dma_start3A_538 = tpu.memref_slice %arg2[%dma_start3A_528, %dma_start3A_535, %dma_start3A_536, %dma_start3A_537] : memref<1x1x10000x128xf32, #tpu.memory_space<hbm>> -> memref<1x1x10000x128xf32, #tpu.memory_space<hbm>>
    %dma_start3A_539 = tpu.memref_squeeze %dma_start3A_538 : memref<1x1x10000x128xf32, #tpu.memory_space<hbm>> -> memref<1x10000x128xf32, #tpu.memory_space<hbm>>
    %dma_start3A_540 = arith.constant 0 : i32
    %dma_start3A_541 = arith.constant 0 : i32
    %dma_start3A_542 = tpu.memref_slice %dma_start3A_539[%dma_start3A_529, %dma_start3A_540, %dma_start3A_541] : memref<1x10000x128xf32, #tpu.memory_space<hbm>> -> memref<1x10000x128xf32, #tpu.memory_space<hbm>>
    %dma_start3A_543 = tpu.memref_squeeze %dma_start3A_542 : memref<1x10000x128xf32, #tpu.memory_space<hbm>> -> memref<10000x128xf32, #tpu.memory_space<hbm>>
    %dma_start3A_544 = arith.constant 0 : i32
    %dma_start3A_545 = arith.constant 0 : i32
    %dma_start3A_546 = tpu.memref_slice %dma_start3A_543[%dma_start3A_544, %dma_start3A_545] : memref<10000x128xf32, #tpu.memory_space<hbm>> -> memref<10000x128xf32, #tpu.memory_space<hbm>>
    tpu.enqueue_indirect_dma source(%dma_start3A_546 : memref<10000x128xf32, #tpu.memory_space<hbm>>) target(%arg8 : memref<125x128xf32, #tpu.memory_space<vmem>>) offsets(%dma_start3A_534 : memref<125xi32, #tpu.memory_space<vmem>>) semaphore(%arg11 : memref<!tpu.dma_semaphore, #tpu.memory_space<semaphore_mem>>)
    %run_scoped3A_547 = arith.constant 1 : i32
    %run_scoped3A_548 = arith.constant 14 : i32
    "tpu.region"() ({
      %run_scoped3A_575 = tpu.sem_alloc : memref<!tpu.dma_semaphore, #tpu.memory_space<semaphore_mem>>
      %dma_start3A_576 = arith.constant 0 : i32
      %dma_start3A_577 = tpu.memref_slice %arg5[%run_scoped3A_547, %run_scoped3A_548, %dma_start3A_576] : memref<2x16x125xi32, #tpu.memory_space<vmem>> -> memref<1x1x125xi32, #tpu.memory_space<vmem>>
      %dma_start3A_578 = tpu.memref_squeeze %dma_start3A_577 : memref<1x1x125xi32, #tpu.memory_space<vmem>> -> memref<125xi32, #tpu.memory_space<vmem>>
      %dma_start3A_579 = arith.constant 0 : i32
      %dma_start3A_580 = arith.constant 0 : i32
      %dma_start3A_581 = tpu.memref_slice %arg9[%dma_start3A_579, %dma_start3A_580] : memref<10240x128xf32, #tpu.memory_space<vmem_shared>> -> memref<10240x128xf32, #tpu.memory_space<vmem_shared>>
      tpu.enqueue_indirect_dma source(%arg7 : memref<125x128xf32, #tpu.memory_space<vmem>>) target(%dma_start3A_581 : memref<10240x128xf32, #tpu.memory_space<vmem_shared>>) offsets(%dma_start3A_578 : memref<125xi32, #tpu.memory_space<vmem>>) semaphore(%run_scoped3A_575 : memref<!tpu.dma_semaphore, #tpu.memory_space<semaphore_mem>>) {add = true}
      %dma_wait3A_582 = arith.constant 0 : i32
      %dma_wait3A_583 = tpu.memref_slice %arg5[%run_scoped3A_547, %run_scoped3A_548, %dma_wait3A_582] : memref<2x16x125xi32, #tpu.memory_space<vmem>> -> memref<1x1x125xi32, #tpu.memory_space<vmem>>
      %dma_wait3A_584 = tpu.memref_squeeze %dma_wait3A_583 : memref<1x1x125xi32, #tpu.memory_space<vmem>> -> memref<125xi32, #tpu.memory_space<vmem>>
      %dma_wait3A_585 = arith.constant 0 : i32
      %dma_wait3A_586 = arith.constant 0 : i32
      %dma_wait3A_587 = tpu.memref_slice %arg9[%dma_wait3A_585, %dma_wait3A_586] : memref<10240x128xf32, #tpu.memory_space<vmem_shared>> -> memref<10240x128xf32, #tpu.memory_space<vmem_shared>>
      tpu.wait_indirect_dma semaphore(%run_scoped3A_575 : memref<!tpu.dma_semaphore, #tpu.memory_space<semaphore_mem>>) src(%arg7 : memref<125x128xf32, #tpu.memory_space<vmem>>) dst(%dma_wait3A_587 : memref<10240x128xf32, #tpu.memory_space<vmem_shared>>)
      tpu.yield
    }) : () -> ()
    %dma_wait3A_549 = arith.constant 0 : i32
    %dma_wait3A_550 = arith.constant 0 : i32
    %dma_wait3A_551 = arith.constant 0 : i32
    %dma_wait3A_552 = arith.constant 15 : i32
    %dma_wait3A_553 = arith.constant 0 : i32
    %dma_wait3A_554 = tpu.memref_slice %arg5[%dma_wait3A_551, %dma_wait3A_552, %dma_wait3A_553] : memref<2x16x125xi32, #tpu.memory_space<vmem>> -> memref<1x1x125xi32, #tpu.memory_space<vmem>>
    %dma_wait3A_555 = tpu.memref_squeeze %dma_wait3A_554 : memref<1x1x125xi32, #tpu.memory_space<vmem>> -> memref<125xi32, #tpu.memory_space<vmem>>
    %dma_wait3A_556 = arith.constant 0 : i32
    %dma_wait3A_557 = arith.constant 0 : i32
    %dma_wait3A_558 = arith.constant 0 : i32
    %dma_wait3A_559 = tpu.memref_slice %arg2[%dma_wait3A_549, %dma_wait3A_556, %dma_wait3A_557, %dma_wait3A_558] : memref<1x1x10000x128xf32, #tpu.memory_space<hbm>> -> memref<1x1x10000x128xf32, #tpu.memory_space<hbm>>
    %dma_wait3A_560 = tpu.memref_squeeze %dma_wait3A_559 : memref<1x1x10000x128xf32, #tpu.memory_space<hbm>> -> memref<1x10000x128xf32, #tpu.memory_space<hbm>>
    %dma_wait3A_561 = arith.constant 0 : i32
    %dma_wait3A_562 = arith.constant 0 : i32
    %dma_wait3A_563 = tpu.memref_slice %dma_wait3A_560[%dma_wait3A_550, %dma_wait3A_561, %dma_wait3A_562] : memref<1x10000x128xf32, #tpu.memory_space<hbm>> -> memref<1x10000x128xf32, #tpu.memory_space<hbm>>
    %dma_wait3A_564 = tpu.memref_squeeze %dma_wait3A_563 : memref<1x10000x128xf32, #tpu.memory_space<hbm>> -> memref<10000x128xf32, #tpu.memory_space<hbm>>
    %dma_wait3A_565 = arith.constant 0 : i32
    %dma_wait3A_566 = arith.constant 0 : i32
    %dma_wait3A_567 = tpu.memref_slice %dma_wait3A_564[%dma_wait3A_565, %dma_wait3A_566] : memref<10000x128xf32, #tpu.memory_space<hbm>> -> memref<10000x128xf32, #tpu.memory_space<hbm>>
    tpu.wait_indirect_dma semaphore(%arg11 : memref<!tpu.dma_semaphore, #tpu.memory_space<semaphore_mem>>) src(%dma_wait3A_567 : memref<10000x128xf32, #tpu.memory_space<hbm>>) dst(%arg8 : memref<125x128xf32, #tpu.memory_space<vmem>>)
    %run_scoped3A_568 = arith.constant 1 : i32
    %run_scoped3A_569 = arith.constant 15 : i32
    "tpu.region"() ({
      %run_scoped3A_575 = tpu.sem_alloc : memref<!tpu.dma_semaphore, #tpu.memory_space<semaphore_mem>>
      %dma_start3A_576 = arith.constant 0 : i32
      %dma_start3A_577 = tpu.memref_slice %arg5[%run_scoped3A_568, %run_scoped3A_569, %dma_start3A_576] : memref<2x16x125xi32, #tpu.memory_space<vmem>> -> memref<1x1x125xi32, #tpu.memory_space<vmem>>
      %dma_start3A_578 = tpu.memref_squeeze %dma_start3A_577 : memref<1x1x125xi32, #tpu.memory_space<vmem>> -> memref<125xi32, #tpu.memory_space<vmem>>
      %dma_start3A_579 = arith.constant 0 : i32
      %dma_start3A_580 = arith.constant 0 : i32
      %dma_start3A_581 = tpu.memref_slice %arg9[%dma_start3A_579, %dma_start3A_580] : memref<10240x128xf32, #tpu.memory_space<vmem_shared>> -> memref<10240x128xf32, #tpu.memory_space<vmem_shared>>
      tpu.enqueue_indirect_dma source(%arg8 : memref<125x128xf32, #tpu.memory_space<vmem>>) target(%dma_start3A_581 : memref<10240x128xf32, #tpu.memory_space<vmem_shared>>) offsets(%dma_start3A_578 : memref<125xi32, #tpu.memory_space<vmem>>) semaphore(%run_scoped3A_575 : memref<!tpu.dma_semaphore, #tpu.memory_space<semaphore_mem>>) {add = true}
      %dma_wait3A_582 = arith.constant 0 : i32
      %dma_wait3A_583 = tpu.memref_slice %arg5[%run_scoped3A_568, %run_scoped3A_569, %dma_wait3A_582] : memref<2x16x125xi32, #tpu.memory_space<vmem>> -> memref<1x1x125xi32, #tpu.memory_space<vmem>>
      %dma_wait3A_584 = tpu.memref_squeeze %dma_wait3A_583 : memref<1x1x125xi32, #tpu.memory_space<vmem>> -> memref<125xi32, #tpu.memory_space<vmem>>
      %dma_wait3A_585 = arith.constant 0 : i32
      %dma_wait3A_586 = arith.constant 0 : i32
      %dma_wait3A_587 = tpu.memref_slice %arg9[%dma_wait3A_585, %dma_wait3A_586] : memref<10240x128xf32, #tpu.memory_space<vmem_shared>> -> memref<10240x128xf32, #tpu.memory_space<vmem_shared>>
      tpu.wait_indirect_dma semaphore(%run_scoped3A_575 : memref<!tpu.dma_semaphore, #tpu.memory_space<semaphore_mem>>) src(%arg8 : memref<125x128xf32, #tpu.memory_space<vmem>>) dst(%dma_wait3A_587 : memref<10240x128xf32, #tpu.memory_space<vmem_shared>>)
      tpu.yield
    }) : () -> ()
    %barrier3A_570 = arith.constant 0 : index
    tpu.barrier barrier_id(%barrier3A_570)
    %mul3A_571 = arith.constant 640 : i32
    %mul3A_572 = arith.muli %arg1, %mul3A_571 : i32
    %mul3A_573 = arith.constant 640 : i32
    %mul3A_574 = arith.muli %arg1, %mul3A_573 : i32
    "tpu.region"() ({
      %run_scoped3A_575 = tpu.sem_alloc : memref<!tpu.dma_semaphore, #tpu.memory_space<semaphore_mem>>
      %dma_start3A_576 = arith.constant 0 : i32
      %dma_start3A_577 = tpu.memref_slice %arg4[%arg0, %mul3A_574, %dma_start3A_576] : memref<2x10240x128xf32, #tpu.memory_space<hbm>> -> memref<1x640x128xf32, #tpu.memory_space<hbm>>
      %dma_start3A_578 = tpu.memref_squeeze %dma_start3A_577 : memref<1x640x128xf32, #tpu.memory_space<hbm>> -> memref<640x128xf32, #tpu.memory_space<hbm>>
      %dma_start3A_579 = arith.constant 0 : i32
      %dma_start3A_580 = tpu.memref_slice %arg9[%mul3A_572, %dma_start3A_579] : memref<10240x128xf32, #tpu.memory_space<vmem_shared>> -> memref<640x128xf32, #tpu.memory_space<vmem_shared>>
      tpu.enqueue_dma source(%dma_start3A_580 : memref<640x128xf32, #tpu.memory_space<vmem_shared>>) target(%dma_start3A_578 : memref<640x128xf32, #tpu.memory_space<hbm>>) target_semaphore(%run_scoped3A_575 : memref<!tpu.dma_semaphore, #tpu.memory_space<semaphore_mem>>)
      %dma_wait3A_581 = arith.constant 0 : i32
      %dma_wait3A_582 = tpu.memref_slice %arg4[%arg0, %mul3A_574, %dma_wait3A_581] : memref<2x10240x128xf32, #tpu.memory_space<hbm>> -> memref<1x640x128xf32, #tpu.memory_space<hbm>>
      %dma_wait3A_583 = tpu.memref_squeeze %dma_wait3A_582 : memref<1x640x128xf32, #tpu.memory_space<hbm>> -> memref<640x128xf32, #tpu.memory_space<hbm>>
      %dma_wait3A_584 = arith.constant 0 : i32
      %dma_wait3A_585 = tpu.memref_slice %arg9[%mul3A_572, %dma_wait3A_584] : memref<10240x128xf32, #tpu.memory_space<vmem_shared>> -> memref<640x128xf32, #tpu.memory_space<vmem_shared>>
      tpu.wait_dma2 semaphore(%run_scoped3A_575 : memref<!tpu.dma_semaphore, #tpu.memory_space<semaphore_mem>>) src(%dma_wait3A_585 : memref<640x128xf32, #tpu.memory_space<vmem_shared>>) dst(%dma_wait3A_583 : memref<640x128xf32, #tpu.memory_space<hbm>>)
      tpu.yield
    }) : () -> ()
    return
  }
}

module attributes {stable_mosaic.version = 14 : i64} {
  func.func @_combine_body(%arg0: i32, %arg1: memref<1x1000x128xf32, #tpu.memory_space<vmem>>, %arg2: memref<1x1000x128xf32, #tpu.memory_space<vmem>>, %arg3: memref<1000x128xf32, #tpu.memory_space<vmem>>) attributes {dimension_semantics = [#tpu.dimension_semantics<arbitrary>], iteration_bounds = array<i64: 10>, scalar_prefetch = 0 : i64, scratch_operands = 0 : i64, tpu.core_type = #tpu.core_type<tc>, window_params = [{transform_indices = @transform_0, window_bounds = array<i64: 1, 1000, 128>}, {transform_indices = @transform_1, window_bounds = array<i64: 1, 1000, 128>}, {transform_indices = @transform_2, window_bounds = array<i64: 1000, 128>}]} {
    %get3A = arith.constant 0 : index
    %get3A_0 = arith.constant 0 : index
    %get3A_1 = arith.constant 0 : index
    %get3A_2 = vector.load %arg1[%get3A, %get3A_0, %get3A_1] : memref<1x1000x128xf32, #tpu.memory_space<vmem>>, vector<1x1000x128xf32>
    %get3A_3 = vector.shape_cast %get3A_2 : vector<1x1000x128xf32> to vector<1000x128xf32>
    %get3A_4 = arith.constant 0 : index
    %get3A_5 = arith.constant 0 : index
    %get3A_6 = arith.constant 0 : index
    %get3A_7 = vector.load %arg2[%get3A_4, %get3A_5, %get3A_6] : memref<1x1000x128xf32, #tpu.memory_space<vmem>>, vector<1x1000x128xf32>
    %get3A_8 = vector.shape_cast %get3A_7 : vector<1x1000x128xf32> to vector<1000x128xf32>
    %add3A = arith.addf %get3A_3, %get3A_8 : vector<1000x128xf32>
    %swap3A = arith.constant 0 : index
    %swap3A_9 = arith.constant 0 : index
    %swap3A_10 = vector.load %arg3[%swap3A, %swap3A_9] : memref<1000x128xf32, #tpu.memory_space<vmem>>, vector<1000x128xf32>
    tpu.vector_store %arg3[%swap3A, %swap3A_9], %add3A {strides = array<i32>} : memref<1000x128xf32, #tpu.memory_space<vmem>>, vector<1000x128xf32>,
    return
  }
  func.func @transform_0(%arg0: i32) -> (i32, i32, i32) {
    %c0_i32 = arith.constant 0 : i32
    %c0_i32_0 = arith.constant 0 : i32
    %c0_i32_1 = arith.constant 0 : i32
    return %c0_i32, %arg0, %c0_i32_0 : i32, i32, i32
  }
  func.func @transform_1(%arg0: i32) -> (i32, i32, i32) {
    %c1_i32 = arith.constant 1 : i32
    %c0_i32 = arith.constant 0 : i32
    %c0_i32_0 = arith.constant 0 : i32
    return %c1_i32, %arg0, %c0_i32 : i32, i32, i32
  }
  func.func @transform_2(%arg0: i32) -> (i32, i32) {
    %c0_i32 = arith.constant 0 : i32
    %c0_i32_0 = arith.constant 0 : i32
    return %arg0, %c0_i32 : i32, i32
  }
}

</mosaic_0001>

<sc_bundles>
// kernel: kernel.4.cloned.1.call-start
scs
__scs_entry_jumppad:
0x0: {  	(pc) =	sbr.rel $0x88, $3  }
0x1: {  	(tag) =	ssettag $0x0;
	lr =	simm.s32 $0x1  }
0x2: {  	[smem:$0x3F9F] =	sst lr;
	_ =	strace $0xD0000000  }
0x3: {  	_ = 	snop  }
0x4: {  	_ = 	snop  }
0x5: {  	_ = 	snop  }
0x6: {  	_ = 	snop  }
0x7: {  	_ = 	snop  }
__scs_overlays_trampoline_lowered:
0x8: {  	[smem:$0x3FAE] =	sst s0  }
0x9: {  	[smem:$0x3FAF] =	sst s1  }
0xa: {  	[smem:$0x3FB0] =	sst s2  }
0xb: {  	[smem:$0x3FB1] =	sst s3  }
0xc: {  	[smem:$0x3FB2] =	sst s4  }
0xd: {  	[smem:$0x3FB3] =	sst s5  }
0xe: {  	[smem:$0x3FB4] =	sst s6  }
0xf: {  	[smem:$0x3FB5] =	sst s7  }
0x10: {  	[smem:$0x3FB6] =	sst s8  }
0x11: {  	[smem:$0x3FB7] =	sst s9;
	s0 =	simm.s32 @!p0 $0x0  }
0x12: {  	s1 =	sld [smem:$0x3F9D];
	s0 =	simm.s32 @p0 $0x1  }
0x13: {  	[smem:$0x3FB8] =	sst s0;
	s0 =	simm.s32 @!p1 $0x0  }
0x14: {  	s2 =	sld [smem:$0x3F9C];
	s0 =	simm.s32 @p1 $0x1  }
0x15: {  	[smem:$0x3FB9] =	sst s0;
	s0 =	simm.s32 @!p2 $0x0  }
0x16: {  	s3 =	sld [smem:$0x3FDB];
	s0 =	simm.s32 @p2 $0x1  }
0x17: {  	s4 =	simm.s32 $0x1BF5;
	[smem:$0x3FBB] =	sst s0  }
0x18: {  	s0 =	sld [smem:$0x3F9E];
	_ =	swait.ge [sflag:s4], $0x0  }
0x19: {  	s7 =	sld [smem:$0x3F9F]  }
0x1a: {  	s8 =	sadd.s32 $0xFFFFE003, lr  }
0x1b: {  	s9 =	sadd.s32 $0xFFFFFEF7, lr;
	s5 =	simm.s32 $0xFFFFFFFF;
	p2 =	slt.u32 s8, $0xFFFFF086  }
0x1c: {  	p1 =	slt.u32 s9, $0xF7A;
	s5 =	simm.s32 @!p2 $0x0  }
0x1d: {  	s5 =	simm.s32 @p1 $0x1;
	p0 =	seq.s32 s7, s2  }
0x1e: {  	s7 =	smul.u32 @!p0 $0xF7A, s2;
	p2 =	seq.s32 @!p0 s5, $0x0  }
0x1f: {  	s9 =	smul.u32 $0xF7A, s1;
	s8 =	simm.s32 @!p0 $0x1BF5;
	p2 =	por !p2, p0  }
0x20: {  	[sflag:s8] =	ssyncset.s32 @!p0 $0xFFFFF086;
	s6 =	sadd.s32 @!p0 s3, s7;
	s7 =	simm.s32 @!p0 $0x108  }
0x21: {  	s3 =	sadd.s32 s3, s9;
	s6 =	sadd.s32 @!p0 $0x88, s6;
	s7 =	simm.s32 @p2 $0x1082  }
0x22: {  	[simem:s7], [sflag:s8] =	dma.local @!p0 [hbm:s6], $0xF7A  }
0x23: {  	s9 =	sor.u32 $0xD0000000, s2;
	s6 =	simm.s32 $0x108;
	_ =	swait.ge @!p0 [sflag:s8], $0x0  }
0x24: {  	s3 =	sadd.s32 $0x88, s3;
	s6 =	simm.s32 @!p1 $0x1082;
	[sflag:s4] =	ssyncset.s32 $0xFFFFF086  }
0x25: {  	[simem:s6], [sflag:s4] =	dma.local [hbm:s3], $0xF7A  }
0x26: {  	[smem:$0x3F9F] =	sst s1;
	(tag) =	ssettag s2;
	_ =	strace s9  }
0x27: {  	s1 =	sld [smem:$0x3FAF]  }
0x28: {  	s2 =	sld [smem:$0x3FB0]  }
0x29: {  	s4 =	sld [smem:$0x3FB2]  }
0x2a: {  	p0 =	seq.s32 s5, $0x0;
	s5 =	sld [smem:$0x3FB3]  }
0x2b: {  	s6 =	sld [smem:$0x3FB4]  }
0x2c: {  	s7 =	sld [smem:$0x3FB5]  }
0x2d: {  	s3 =	simm.s32 $0x108;
	s8 =	sld [smem:$0x3FB6]  }
0x2e: {  	s3 =	simm.s32 @!p0 $0x1082;
	s9 =	sld [smem:$0x3FB7]  }
0x2f: {  	lr =	sadd.s32 s0, s3;
	s0 =	sld [smem:$0x3FAE]  }
0x30: {  	s3 =	sld [smem:$0x3FB1]  }
0x31: {  	[smem:$0x3FBA] =	sst s10  }
0x32: {  	s10 =	sld [smem:$0x3FB8];
	_ =	sdelay $0x3  }
0x33: {  	p0 =	seq.s32 s10, $0x1;
	s10 =	sld [smem:$0x3FBA];
	_ =	sdelay $0x3  }
0x34: {  	[smem:$0x3FBA] =	sst s10  }
0x35: {  	s10 =	sld [smem:$0x3FB9];
	_ =	sdelay $0x3  }
0x36: {  	p1 =	seq.s32 s10, $0x1;
	s10 =	sld [smem:$0x3FBA];
	_ =	sdelay $0x3  }
0x37: {  	[smem:$0x3FBA] =	sst s10  }
0x38: {  	s10 =	sld [smem:$0x3FBB]  }
0x39: {  	_ = 	snop;
	(pc) =	sbr.ind lr, $3  }
0x3a: {  	_ = 	snop  }
0x3b: {  	_ = 	snop  }
0x3c: {  	p2 =	seq.s32 s10, $0x1;
	s10 =	sld [smem:$0x3FBA]  }
0x3d: {  	_ =	shalt  }
0x3e: {  	_ =	shalt  }
0x3f: {  	_ =	shalt  }
0x40: {  	_ =	shalt  }
0x41: {  	_ =	shalt  }
0x42: {  	_ =	shalt  }
0x43: {  	_ =	shalt  }
0x44: {  	_ =	shalt  }
0x45: {  	_ =	shalt  }
0x46: {  	_ =	shalt  }
0x47: {  	_ =	shalt  }
0x48: {  	_ =	shalt  }
0x49: {  	_ =	shalt  }
0x4a: {  	_ =	shalt  }
0x4b: {  	_ =	shalt  }
0x4c: {  	_ =	shalt  }
0x4d: {  	_ =	shalt  }
0x4e: {  	_ =	shalt  }
0x4f: {  	_ =	shalt  }
0x50: {  	_ =	shalt  }
0x51: {  	_ =	shalt  }
0x52: {  	_ =	shalt  }
0x53: {  	_ =	shalt  }
0x54: {  	_ =	shalt  }
0x55: {  	_ =	shalt  }
0x56: {  	_ =	shalt  }
0x57: {  	_ =	shalt  }
0x58: {  	_ =	shalt  }
0x59: {  	_ =	shalt  }
0x5a: {  	_ =	shalt  }
0x5b: {  	_ =	shalt  }
0x5c: {  	_ =	shalt  }
0x5d: {  	_ =	shalt  }
0x5e: {  	_ =	shalt  }
0x5f: {  	_ =	shalt  }
0x60: {  	_ =	shalt  }
0x61: {  	_ =	shalt  }
0x62: {  	_ =	shalt  }
0x63: {  	_ =	shalt  }
0x64: {  	_ =	shalt  }
0x65: {  	_ =	shalt  }
0x66: {  	_ =	shalt  }
0x67: {  	_ =	shalt  }
0x68: {  	_ =	shalt  }
0x69: {  	_ =	shalt  }
0x6a: {  	_ =	shalt  }
0x6b: {  	_ =	shalt  }
0x6c: {  	_ =	shalt  }
0x6d: {  	_ =	shalt  }
0x6e: {  	_ =	shalt  }
0x6f: {  	_ =	shalt  }
0x70: {  	_ =	shalt  }
0x71: {  	_ =	shalt  }
0x72: {  	_ =	shalt  }
0x73: {  	_ =	shalt  }
0x74: {  	_ =	shalt  }
0x75: {  	_ =	shalt  }
0x76: {  	_ =	shalt  }
0x77: {  	_ =	shalt  }
0x78: {  	_ =	shalt  }
0x79: {  	_ =	shalt  }
0x7a: {  	_ =	shalt  }
0x7b: {  	_ =	shalt  }
0x7c: {  	_ =	shalt  }
0x7d: {  	_ =	shalt  }
0x7e: {  	_ =	shalt  }
0x7f: {  	_ =	shalt  }
0x80: {  	_ =	shalt  }
0x81: {  	_ =	shalt  }
0x82: {  	_ =	shalt  }
0x83: {  	_ =	shalt  }
0x84: {  	_ =	shalt  }
0x85: {  	_ =	shalt  }
0x86: {  	_ =	shalt  }
0x87: {  	_ =	shalt  }
.Lfunc_end0:
.L_simem_size_0:
called_computation_lowered:
.L_overlay_start_0:
0x88: {  	s2 =	sld [smem:$0x3FD9]  }
0x89: {  	s3 =	sld [smem:$0x3FFE];
	_ =	sdelay $0x1  }
0x8a: {  	s1 =	srdreg.scid  }
0x8b: {  	s0 =	sand.u32 $0x1, s1  }
0x8c: {  	s17 =	sshll.u32 s0, $0xA;
	s2 =	sadd.s32 s3, s2  }
0x8d: {  	s2 =	sadd.s32 s2, s17  }
0x8e: {  	[smem:$0x3FC6] =	sst s2  }
0x8f: {  	_ = 	snop  }
0x90: {  	s2 =	sld [smem:$0x3FC9]  }
0x91: {  	s18 =	sld [smem:$0x3FD0];
	(tm) =	ssettm $0x1  }
0x92: {  	s4 =	sld [smem:$0x3FFB];
	_ =	sdelay $0x3  }
0x93: {  	_ =	strace s4  }
0x94: {  	s4 =	sld [smem:$0x3FFC];
	_ =	sdelay $0x3  }
0x95: {  	_ =	strace s4  }
0x96: {  	s4 =	sld [smem:$0x3FFD];
	_ =	sdelay $0x3  }
0x97: {  	_ =	strace s4  }
0x98: {  	_ =	strace $0x8FFFFFFF  }
0x99: {  	s19 =	sld [smem:$0x3FDB];
	_ =	sdelay $0x1  }
0x9a: {  	s5 =	simm.s32 $_scs_section_size  }
0x9b: {  	s6 =	simm.s32 $_size__tile_overlayer_lowered;
	s7 =	simm.s32 $_tile_overlayer_lowered  }
0x9c: {  	s22 =	simm.s32 $0x1BFF;
	s21 =	sshll.u32 s7, $0x1;
	s4 =	sadd.s32 s5, s19  }
0x9d: {  	s8 =	simm.s32 $0x0;
	s20 =	sshll.u32 s6, $0x1;
	s6 =	sadd.s32 s21, s4  }
0x9e: {  	[timem:s8], [sflag:s22] =	dma.local [hbm:s6], s20  }
0x9f: {  	_ =	swait.ge [sflag:s22], s20  }
0xa0: {  	s5 =	ssub.s32 $0x0, s20;
	[sflag:s22] =	ssyncset.done $0x0  }
0xa1: {  	[sflag:s22] =	ssyncadd.s32 s5;
	_ =	sdelay $0x1  }
0xa2: {  	s23 =	simm.s32 $0x1B8B  }
0xa3: {  	_ =	swait.ge [sflag:s23], $0x1  }
0xa4: {  	[sflag:s23] =	ssyncset.done $0x0  }
0xa5: {  	s25 =	simm.s32 $0x1B8E;
	s24 =	sld [smem:$0x3FFE];
	[sflag:s23] =	ssyncadd.s32 $0xFFFFFFFF  }
0xa6: {  	s26 =	simm.s32 $execute0_lowered;
	[smem:$0x3FD2] =	sst s25  }
0xa7: {  	s6 =	sshll.u32 s26, $0x1;
	_ =	strace $0x80000046;
	[dreg:$0x1] =	wrdreg $0xFFFFFFFF  }
0xa8: {  	s28 =	simm.s32 $_size_execute0_lowered;
	s4 =	sadd.s32 s4, s6;
	[dreg:$0x0] =	wrdreg $0x0  }
0xa9: {  	s6 =	sshll.u32 s28, $0x1;
	[dreg:$0x2] =	wrdreg s4  }
0xaa: {  	[dreg:$0x3] =	wrdreg s6  }
0xab: {  	[dreg:$0x4] =	wrdreg $0xC0  }
0xac: {  	_ =	task [dreg:s8], $0x5FFFF  }
0xad: {  	[dreg:$0x1] =	wrdreg $0xFFFFFFFF  }
0xae: {  	[dreg:$0x0] =	wrdreg $0x60  }
0xaf: {  	[dreg:$0x2] =	wrdreg s2  }
0xb0: {  	[dreg:$0x3] =	wrdreg s18  }
0xb1: {  	[dreg:$0x4] =	wrdreg s24  }
0xb2: {  	[dreg:$0x5] =	wrdreg $0xA0000  }
0xb3: {  	[dreg:$0x6] =	wrdreg $0x9  }
0xb4: {  	_ =	task.clear_ibuf [dreg:s8], $0x7FFFF;
	_ =	strace $0x90000046  }
0xb5: {  	s29 =	simm.s32 $0x9;
	_ =	strace $0x80000048  }
0xb6: {  	_ =	swait.ge [sflag:s29], $0x1  }
0xb7: {  	[sflag:s29] =	ssyncadd.s32 $0xFFFFFFFF  }
0xb8: {  	_ =	strace $0x90000048  }
0xb9: {  	_ =	sfence  }
0xba: {  	s30 =	sld [smem:$0x0];
	_ =	sdelay $0x2  }
0xbb: {  	s31 =	sshll.u32 s1, $0xD;
	s1 =	sshrl.u32 s1, $0x2  }
0xbc: {  	s3 =	sand.u32 $0x4000, s31;
	s1 =	sadd.s32 s1, s30  }
0xbd: {  	s0 =	sor.u32 s3, s0;
	s1 =	sshll.u32 s1, $0x11  }
0xbe: {  	s0 =	sor.u32 s1, s0  }
0xbf: {  	s0 =	sadd.s32 $0x8F2B, s0  }
0xc0: {  	[sflag:s0] =	ssyncadd.remote.s32 $0x1  }
0xc1: {  	_ =	sfence.sel $0xFFFF  }
0xc2: {  	[dreg:$0x0] =	wrdreg $0xFFFFFFFF;
	(pc) =	sbr.abs _section_cstart, $3  }
0xc3: {  	[dreg:$0x1] =	wrdreg $0xFFFFFFFF  }
0xc4: {  	_ =	task.clear_ibuf [dreg:s8], $0x2FFFF;
	_ =	strace $0x9FFFFFFF  }
0xc5: {  	(tm) =	ssettm $0x7FFFFFFF  }
tec
execute0_lowered:
.L_overlay_start_1:
0x0: {  	(tag) =	ssettag $0x1  }
0x1: {  	s0 =	rddreg [dreg:$0x0]  }
0x2: {  	s1 =	rddreg [dreg:$0x1]  }
0x3: {  	s2 =	srdreg.scid;
	s5 =	rddreg [dreg:$0x2]  }
0x4: {  	s8 =	stileid.u32;
	s3 =	rddreg [dreg:$0x3];
	s4 =	simm.s32 $0x0  }
0x5: {  	s28 =	simm.s32 $0x1;
	s30 =	simm.s32 $0x6000;
	s7 =	smul.u32 $0x14000, s8  }
0x6: {  	s2 =	sand.u32 $0x1, s2;
	s12 =	sshll.u32 s8, $0x1;
	s8 =	smul.u32 $0x50000, s8  }
0x7: {  	s31 =	simm.s32 $0x2;
	[smem:$0x7FF] =	sst s4;
	s6 =	smul.u32 $0x140000, s2  }
0x8: {  	s10 =	simm.s32 $0x1200;
	s11 =	simm.s32 $0x1980;
	_ =	strace $0x80000047  }
0x9: {  	s13 =	sshrl.u32 s8, $0x2;
	s6 =	sadd.s32 s7, s6;
	s7 =	sor.u32 s2, s12  }
0xa: {  	s8 =	simm.s32 $0x1180;
	s6 =	sshrl.u32 s6, $0x3;
	s9 =	smul.u32 $0x500, s7  }
0xb: {  	s2 =	ssub.s32 $0x2, s2;
	s6 =	sadd.s32 s6, s5;
	s5 =	sadd.s32 s13, s3  }
0xc: {  	s12 =	simm.s32 $0x1280;
	s15 =	sadd.s32 s1, s9;
	[dreg:$0x13] =	wrdreg s5  }
0xd: {  	s14 =	sshrl.u32 s2, $0x1;
	s16 =	sadd.s32 $0x2800, s5;
	[dreg:$0x5] =	wrdreg s15  }
0xe: {  	s7 =	smul.u32 $0x2800, s7;
	s17 =	sadd.s32 $0x5000, s5;
	[dreg:$0x6] =	wrdreg s16  }
0xf: {  	s2 =	ssub.s32 s2, s14;
	s18 =	sadd.s32 $0x7800, s5;
	[dreg:$0x7] =	wrdreg s17  }
0x10: {  	s13 =	simm.s32 $0x1A00;
	s19 =	sadd.s32 $0xA000, s5;
	[dreg:$0x8] =	wrdreg s18  }
0x11: {  	s14 =	simm.s32 $0x1300;
	s20 =	sadd.s32 $0xC800, s5;
	[dreg:$0x9] =	wrdreg s19  }
0x12: {  	s7 =	sshrl.u32 s7, $0x3;
	s21 =	sadd.s32 $0xF000, s5;
	[dreg:$0xa] =	wrdreg s20  }
0x13: {  	s22 =	sadd.s32 $0x11800, s5;
	s26 =	sadd.s32 $0x600, s6;
	[dreg:$0xb] =	wrdreg s21  }
0x14: {  	s29 =	smax.u32 s2, $0x1;
	s2 =	simm.s32 $0x800;
	[dreg:$0xc] =	wrdreg s22  }
0x15: {  	s6 =	simm.s32 $0x1100;
	s9 =	simm.s32 $0x1900;
	[dreg:$0x11] =	wrdreg s26  }
0x16: {  	s1 =	sadd.s32 s1, s7;
	[dreg:$0x12] =	wrdreg s29;
	s22 =	simm.s32 $0x2000  }
0x17: {  	s26 =	simm.s32 $0x7D;
	s17 =	simm.s32 $0x0;
	s23 =	sadd.s32 $0x100, s1  }
0x18: {  	s16 =	simm.s32 $0x1080;
	s24 =	sadd.s32 $0x200, s1;
	[dreg:$0xd] =	wrdreg s23  }
0x19: {  	s7 =	simm.s32 $0x1880;
	s25 =	sadd.s32 $0x300, s1;
	[dreg:$0xe] =	wrdreg s24  }
0x1a: {  	s15 =	simm.s32 $0x1A80;
	s1 =	sadd.s32 $0x400, s1;
	[dreg:$0xf] =	wrdreg s25  }
0x1b: {  	s21 =	simm.s32 $0x1B00;
	[dreg:$0x10] =	wrdreg s1;
	s1 =	simm.s32 $0x50000  }
0x1c: {  	v0 =	vimm.f32 $0.0e+00;
	s23 =	simm.s32 $0x5;
	s24 =	simm.s32 $0x3;
	s25 =	simm.s32 $0x1380  }
.LBB2_1:
0x1d: {  	s18 =	rddreg [dreg:$0x5]  }
0x1e: {  	[tilespmem:s4], [sflag:$0x3] =	stream.strided.gather [hbm4b:s18+s2], $0x1000, s1, s2, $0x38;
	[tilespmem:$0x1E000] =	vst v63  }
0x1f: {  	s19 =	simm.s32 $0x200;
	s18 =	simm.s32 $0x0  }
.LBB2_2:
0x20: {  	p0 =	sne.s32 s19, $0x9E00;
	[tilespmem:s18+$0x2070] =	vst v0  }
0x21: {  	[tilespmem:s18+$0x2000] =	vst v0  }
0x22: {  	[tilespmem:s18+$0x2010] =	vst v0  }
.Ltmp0:
0x23: {  	[tilespmem:s18+$0x2020] =	vst v0;
	(pc) =	sbr.rel @p0 .LBB2_2-.Ltmp0, $4  }
0x24: {  	[tilespmem:s18+$0x2030] =	vst v0  }
0x25: {  	[tilespmem:s18+$0x2040] =	vst v0  }
0x26: {  	[tilespmem:s18+$0x2050] =	vst v0  }
0x27: {  	[tilespmem:s18+$0x2060] =	vst v0;
	s18 =	sshra.s32 s19, $0x2;
	s19 =	sadd.s32 $0x200, s19  }
0x28: {  	[tilespmem:s18+$0x2070] =	vst v0  }
0x29: {  	[tilespmem:s18+$0x2000] =	vst v0  }
0x2a: {  	[tilespmem:s18+$0x2010] =	vst v0  }
0x2b: {  	[tilespmem:s18+$0x2020] =	vst v0  }
0x2c: {  	[tilespmem:s18+$0x2030] =	vst v0  }
0x2d: {  	[tilespmem:s18+$0x2040] =	vst v0  }
0x2e: {  	[tilespmem:s18+$0x2050] =	vst v0  }
0x2f: {  	[tilespmem:s18+$0x2060] =	vst v0;
	s5 =	rddreg [dreg:$0x13]  }
0x30: {  	[spmem:s5] =	stream.linear.scatter [tilespmem:s22], [sflag:$0x5], $0x2800, $0x38;
	[tilespmem:$0x1E000] =	vst v63  }
0x31: {  	_ =	swait.ge [sflag:s23], $0x2800  }
0x32: {  	[sflag:s23] =	ssyncset.done $0x0  }
0x33: {  	s5 =	rddreg [dreg:$0x6];
	[sflag:s23] =	ssyncadd.s32 $0xFFFFD800  }
0x34: {  	[spmem:s5] =	stream.linear.scatter [tilespmem:s22], [sflag:$0x5], $0x2800, $0x38;
	[tilespmem:$0x1E000] =	vst v63  }
0x35: {  	_ =	swait.ge [sflag:s23], $0x2800  }
0x36: {  	[sflag:s23] =	ssyncset.done $0x0  }
0x37: {  	s19 =	rddreg [dreg:$0x7];
	[sflag:s23] =	ssyncadd.s32 $0xFFFFD800  }
0x38: {  	[spmem:s19] =	stream.linear.scatter [tilespmem:s22], [sflag:$0x5], $0x2800, $0x38;
	[tilespmem:$0x1E000] =	vst v63  }
0x39: {  	_ =	swait.ge [sflag:s23], $0x2800  }
0x3a: {  	[sflag:s23] =	ssyncset.done $0x0  }
0x3b: {  	s20 =	rddreg [dreg:$0x8];
	[sflag:s23] =	ssyncadd.s32 $0xFFFFD800  }
0x3c: {  	[spmem:s20] =	stream.linear.scatter [tilespmem:s22], [sflag:$0x5], $0x2800, $0x38;
	[tilespmem:$0x1E000] =	vst v63  }
0x3d: {  	_ =	swait.ge [sflag:s23], $0x2800  }
0x3e: {  	[sflag:s23] =	ssyncset.done $0x0  }
0x3f: {  	s29 =	rddreg [dreg:$0x9];
	[sflag:s23] =	ssyncadd.s32 $0xFFFFD800  }
0x40: {  	[spmem:s29] =	stream.linear.scatter [tilespmem:s22], [sflag:$0x5], $0x2800, $0x38;
	[tilespmem:$0x1E000] =	vst v63  }
0x41: {  	_ =	swait.ge [sflag:s23], $0x2800  }
0x42: {  	[sflag:s23] =	ssyncset.done $0x0  }
0x43: {  	s5 =	rddreg [dreg:$0xa];
	[sflag:s23] =	ssyncadd.s32 $0xFFFFD800  }
0x44: {  	[spmem:s5] =	stream.linear.scatter [tilespmem:s22], [sflag:$0x5], $0x2800, $0x38;
	[tilespmem:$0x1E000] =	vst v63  }
0x45: {  	_ =	swait.ge [sflag:s23], $0x2800  }
0x46: {  	[sflag:s23] =	ssyncset.done $0x0  }
0x47: {  	s19 =	rddreg [dreg:$0xb];
	[sflag:s23] =	ssyncadd.s32 $0xFFFFD800  }
0x48: {  	[spmem:s19] =	stream.linear.scatter [tilespmem:s22], [sflag:$0x5], $0x2800, $0x38;
	[tilespmem:$0x1E000] =	vst v63  }
0x49: {  	_ =	swait.ge [sflag:s23], $0x2800  }
0x4a: {  	[sflag:s23] =	ssyncset.done $0x0  }
0x4b: {  	s20 =	rddreg [dreg:$0xc];
	[sflag:s23] =	ssyncadd.s32 $0xFFFFD800  }
0x4c: {  	[spmem:s20] =	stream.linear.scatter [tilespmem:s22], [sflag:$0x5], $0x2800, $0x38;
	[tilespmem:$0x1E000] =	vst v63  }
0x4d: {  	_ =	swait.ge [sflag:s23], $0x2800  }
0x4e: {  	[sflag:s23] =	ssyncset.done $0x0  }
0x4f: {  	[sflag:s23] =	ssyncadd.s32 $0xFFFFD800  }
0x50: {  	[bflag:$0x0] =	sbarrier.arrive $0xFFFF  }
0x51: {  	_ =	swait.ge [sflag:s24], $0x1000  }
0x52: {  	[sflag:s24] =	ssyncset.done $0x0  }
0x53: {  	s5 =	simm.s32 $0x1000;
	s29 =	rddreg [dreg:$0xd];
	[sflag:s24] =	ssyncadd.s32 $0xFFFFF000  }
0x54: {  	[tilespmem:s5], [sflag:$0x4] =	stream.strided.gather [hbm4b:s29+s2], $0x1000, s1, s2, $0x38;
	[tilespmem:$0x1E000] =	vst v63  }
0x55: {  	_ = 	snop  }
0x56: {  	[tilespmem:s22], [sflag:$0x1] =	stream.indirect.gather [hbm4b:s0+s26], $0x80, s4, s26, $0xb8;
	[tilespmem:$0x1E000] =	vst v63  }
0x57: {  	_ =	swait.ge [sflag:s28], $0x3E80  }
0x58: {  	[sflag:s28] =	ssyncset.done $0x0  }
0x59: {  	s4 =	simm.s32 $0x80;
	[sflag:s28] =	ssyncadd.s32 $0xFFFFC180  }
0x5a: {  	[tilespmem:s30], [sflag:$0x2] =	stream.indirect.gather [hbm4b:s0+s26], $0x80, s4, s26, $0xb8;
	[tilespmem:$0x1E000] =	vst v63  }
0x5b: {  	_ = 	snop  }
0x5c: {  	[spmem:s3] =	stream.indirect.scatter.add.f32 [tilespmem:s22], [sflag:$0x5], $0x80, s2, s26, $0xb8;
	[tilespmem:$0x1E000] =	vst v63  }
0x5d: {  	_ =	swait.ge [sflag:s23], $0x3E80  }
0x5e: {  	[sflag:s23] =	ssyncset.done $0x0  }
0x5f: {  	[sflag:s23] =	ssyncadd.s32 $0xFFFFC180  }
0x60: {  	_ =	swait.ge [sflag:s31], $0x3E80  }
0x61: {  	[sflag:s31] =	ssyncset.done $0x0  }
0x62: {  	s18 =	simm.s32 $0x100;
	[sflag:s31] =	ssyncadd.s32 $0xFFFFC180  }
0x63: {  	[tilespmem:s22], [sflag:$0x1] =	stream.indirect.gather [hbm4b:s0+s26], $0x80, s18, s26, $0xb8;
	[tilespmem:$0x1E000] =	vst v63  }
0x64: {  	s19 =	simm.s32 $0x880  }
0x65: {  	[spmem:s3] =	stream.indirect.scatter.add.f32 [tilespmem:s30], [sflag:$0x5], $0x80, s19, s26, $0xb8;
	[tilespmem:$0x1E000] =	vst v63  }
0x66: {  	_ =	swait.ge [sflag:s23], $0x3E80  }
0x67: {  	[sflag:s23] =	ssyncset.done $0x0  }
0x68: {  	[sflag:s23] =	ssyncadd.s32 $0xFFFFC180  }
0x69: {  	_ =	swait.ge [sflag:s28], $0x3E80  }
0x6a: {  	[sflag:s28] =	ssyncset.done $0x0  }
0x6b: {  	s20 =	simm.s32 $0x180;
	[sflag:s28] =	ssyncadd.s32 $0xFFFFC180  }
0x6c: {  	[tilespmem:s30], [sflag:$0x2] =	stream.indirect.gather [hbm4b:s0+s26], $0x80, s20, s26, $0xb8;
	[tilespmem:$0x1E000] =	vst v63  }
0x6d: {  	s29 =	simm.s32 $0x900  }
0x6e: {  	[spmem:s3] =	stream.indirect.scatter.add.f32 [tilespmem:s22], [sflag:$0x5], $0x80, s29, s26, $0xb8;
	[tilespmem:$0x1E000] =	vst v63  }
0x6f: {  	_ =	swait.ge [sflag:s23], $0x3E80  }
0x70: {  	[sflag:s23] =	ssyncset.done $0x0  }
0x71: {  	[sflag:s23] =	ssyncadd.s32 $0xFFFFC180  }
0x72: {  	_ =	swait.ge [sflag:s31], $0x3E80  }
0x73: {  	[sflag:s31] =	ssyncset.done $0x0  }
0x74: {  	s4 =	simm.s32 $0x200;
	[sflag:s31] =	ssyncadd.s32 $0xFFFFC180  }
0x75: {  	[tilespmem:s22], [sflag:$0x1] =	stream.indirect.gather [hbm4b:s0+s26], $0x80, s4, s26, $0xb8;
	[tilespmem:$0x1E000] =	vst v63  }
0x76: {  	s18 =	simm.s32 $0x980  }
0x77: {  	[spmem:s3] =	stream.indirect.scatter.add.f32 [tilespmem:s30], [sflag:$0x5], $0x80, s18, s26, $0xb8;
	[tilespmem:$0x1E000] =	vst v63  }
0x78: {  	_ =	swait.ge [sflag:s23], $0x3E80  }
0x79: {  	[sflag:s23] =	ssyncset.done $0x0  }
0x7a: {  	[sflag:s23] =	ssyncadd.s32 $0xFFFFC180  }
0x7b: {  	_ =	swait.ge [sflag:s28], $0x3E80  }
0x7c: {  	[sflag:s28] =	ssyncset.done $0x0  }
0x7d: {  	s19 =	simm.s32 $0x280;
	[sflag:s28] =	ssyncadd.s32 $0xFFFFC180  }
0x7e: {  	[tilespmem:s30], [sflag:$0x2] =	stream.indirect.gather [hbm4b:s0+s26], $0x80, s19, s26, $0xb8;
	[tilespmem:$0x1E000] =	vst v63  }
0x7f: {  	s20 =	simm.s32 $0xA00  }
0x80: {  	[spmem:s3] =	stream.indirect.scatter.add.f32 [tilespmem:s22], [sflag:$0x5], $0x80, s20, s26, $0xb8;
	[tilespmem:$0x1E000] =	vst v63  }
0x81: {  	_ =	swait.ge [sflag:s23], $0x3E80  }
0x82: {  	[sflag:s23] =	ssyncset.done $0x0  }
0x83: {  	[sflag:s23] =	ssyncadd.s32 $0xFFFFC180  }
0x84: {  	_ =	swait.ge [sflag:s31], $0x3E80  }
0x85: {  	[sflag:s31] =	ssyncset.done $0x0  }
0x86: {  	s29 =	simm.s32 $0x300;
	[sflag:s31] =	ssyncadd.s32 $0xFFFFC180  }
0x87: {  	[tilespmem:s22], [sflag:$0x1] =	stream.indirect.gather [hbm4b:s0+s26], $0x80, s29, s26, $0xb8;
	[tilespmem:$0x1E000] =	vst v63  }
0x88: {  	s4 =	simm.s32 $0xA80  }
0x89: {  	[spmem:s3] =	stream.indirect.scatter.add.f32 [tilespmem:s30], [sflag:$0x5], $0x80, s4, s26, $0xb8;
	[tilespmem:$0x1E000] =	vst v63  }
0x8a: {  	_ =	swait.ge [sflag:s23], $0x3E80  }
0x8b: {  	[sflag:s23] =	ssyncset.done $0x0  }
0x8c: {  	[sflag:s23] =	ssyncadd.s32 $0xFFFFC180  }
0x8d: {  	_ =	swait.ge [sflag:s28], $0x3E80  }
0x8e: {  	[sflag:s28] =	ssyncset.done $0x0  }
0x8f: {  	s18 =	simm.s32 $0x380;
	[sflag:s28] =	ssyncadd.s32 $0xFFFFC180  }
0x90: {  	[tilespmem:s30], [sflag:$0x2] =	stream.indirect.gather [hbm4b:s0+s26], $0x80, s18, s26, $0xb8;
	[tilespmem:$0x1E000] =	vst v63  }
0x91: {  	s19 =	simm.s32 $0xB00  }
0x92: {  	[spmem:s3] =	stream.indirect.scatter.add.f32 [tilespmem:s22], [sflag:$0x5], $0x80, s19, s26, $0xb8;
	[tilespmem:$0x1E000] =	vst v63  }
0x93: {  	_ =	swait.ge [sflag:s23], $0x3E80  }
0x94: {  	[sflag:s23] =	ssyncset.done $0x0  }
0x95: {  	[sflag:s23] =	ssyncadd.s32 $0xFFFFC180  }
0x96: {  	_ =	swait.ge [sflag:s31], $0x3E80  }
0x97: {  	[sflag:s31] =	ssyncset.done $0x0  }
0x98: {  	s20 =	simm.s32 $0x400;
	[sflag:s31] =	ssyncadd.s32 $0xFFFFC180  }
0x99: {  	[tilespmem:s22], [sflag:$0x1] =	stream.indirect.gather [hbm4b:s0+s26], $0x80, s20, s26, $0xb8;
	[tilespmem:$0x1E000] =	vst v63  }
0x9a: {  	s29 =	simm.s32 $0xB80  }
0x9b: {  	[spmem:s3] =	stream.indirect.scatter.add.f32 [tilespmem:s30], [sflag:$0x5], $0x80, s29, s26, $0xb8;
	[tilespmem:$0x1E000] =	vst v63  }
0x9c: {  	_ =	swait.ge [sflag:s23], $0x3E80  }
0x9d: {  	[sflag:s23] =	ssyncset.done $0x0  }
0x9e: {  	[sflag:s23] =	ssyncadd.s32 $0xFFFFC180  }
0x9f: {  	_ =	swait.ge [sflag:s28], $0x3E80  }
0xa0: {  	[sflag:s28] =	ssyncset.done $0x0  }
0xa1: {  	s4 =	simm.s32 $0x480;
	[sflag:s28] =	ssyncadd.s32 $0xFFFFC180  }
0xa2: {  	[tilespmem:s30], [sflag:$0x2] =	stream.indirect.gather [hbm4b:s0+s26], $0x80, s4, s26, $0xb8;
	[tilespmem:$0x1E000] =	vst v63  }
0xa3: {  	s18 =	simm.s32 $0xC00  }
0xa4: {  	[spmem:s3] =	stream.indirect.scatter.add.f32 [tilespmem:s22], [sflag:$0x5], $0x80, s18, s26, $0xb8;
	[tilespmem:$0x1E000] =	vst v63  }
0xa5: {  	_ =	swait.ge [sflag:s23], $0x3E80  }
0xa6: {  	[sflag:s23] =	ssyncset.done $0x0  }
0xa7: {  	[sflag:s23] =	ssyncadd.s32 $0xFFFFC180  }
0xa8: {  	_ =	swait.ge [sflag:s31], $0x3E80  }
0xa9: {  	[sflag:s31] =	ssyncset.done $0x0  }
0xaa: {  	s19 =	simm.s32 $0x500;
	[sflag:s31] =	ssyncadd.s32 $0xFFFFC180  }
0xab: {  	[tilespmem:s22], [sflag:$0x1] =	stream.indirect.gather [hbm4b:s0+s26], $0x80, s19, s26, $0xb8;
	[tilespmem:$0x1E000] =	vst v63  }
0xac: {  	s20 =	simm.s32 $0xC80  }
0xad: {  	[spmem:s3] =	stream.indirect.scatter.add.f32 [tilespmem:s30], [sflag:$0x5], $0x80, s20, s26, $0xb8;
	[tilespmem:$0x1E000] =	vst v63  }
0xae: {  	_ =	swait.ge [sflag:s23], $0x3E80  }
0xaf: {  	[sflag:s23] =	ssyncset.done $0x0  }
0xb0: {  	[sflag:s23] =	ssyncadd.s32 $0xFFFFC180  }
0xb1: {  	_ =	swait.ge [sflag:s28], $0x3E80  }
0xb2: {  	[sflag:s28] =	ssyncset.done $0x0  }
0xb3: {  	s29 =	simm.s32 $0x580;
	[sflag:s28] =	ssyncadd.s32 $0xFFFFC180  }
0xb4: {  	[tilespmem:s30], [sflag:$0x2] =	stream.indirect.gather [hbm4b:s0+s26], $0x80, s29, s26, $0xb8;
	[tilespmem:$0x1E000] =	vst v63  }
0xb5: {  	s4 =	simm.s32 $0xD00  }
0xb6: {  	[spmem:s3] =	stream.indirect.scatter.add.f32 [tilespmem:s22], [sflag:$0x5], $0x80, s4, s26, $0xb8;
	[tilespmem:$0x1E000] =	vst v63  }
0xb7: {  	_ =	swait.ge [sflag:s23], $0x3E80  }
0xb8: {  	[sflag:s23] =	ssyncset.done $0x0  }
0xb9: {  	[sflag:s23] =	ssyncadd.s32 $0xFFFFC180  }
0xba: {  	_ =	swait.ge [sflag:s31], $0x3E80  }
0xbb: {  	[sflag:s31] =	ssyncset.done $0x0  }
0xbc: {  	s18 =	simm.s32 $0x600;
	[sflag:s31] =	ssyncadd.s32 $0xFFFFC180  }
0xbd: {  	[tilespmem:s22], [sflag:$0x1] =	stream.indirect.gather [hbm4b:s0+s26], $0x80, s18, s26, $0xb8;
	[tilespmem:$0x1E000] =	vst v63  }
0xbe: {  	s19 =	simm.s32 $0xD80  }
0xbf: {  	[spmem:s3] =	stream.indirect.scatter.add.f32 [tilespmem:s30], [sflag:$0x5], $0x80, s19, s26, $0xb8;
	[tilespmem:$0x1E000] =	vst v63  }
0xc0: {  	_ =	swait.ge [sflag:s23], $0x3E80  }
0xc1: {  	[sflag:s23] =	ssyncset.done $0x0  }
0xc2: {  	[sflag:s23] =	ssyncadd.s32 $0xFFFFC180  }
0xc3: {  	_ =	swait.ge [sflag:s28], $0x3E80  }
0xc4: {  	[sflag:s28] =	ssyncset.done $0x0  }
0xc5: {  	s20 =	simm.s32 $0x680;
	[sflag:s28] =	ssyncadd.s32 $0xFFFFC180  }
0xc6: {  	[tilespmem:s30], [sflag:$0x2] =	stream.indirect.gather [hbm4b:s0+s26], $0x80, s20, s26, $0xb8;
	[tilespmem:$0x1E000] =	vst v63  }
0xc7: {  	s29 =	simm.s32 $0xE00  }
0xc8: {  	[spmem:s3] =	stream.indirect.scatter.add.f32 [tilespmem:s22], [sflag:$0x5], $0x80, s29, s26, $0xb8;
	[tilespmem:$0x1E000] =	vst v63  }
0xc9: {  	_ =	swait.ge [sflag:s23], $0x3E80  }
0xca: {  	[sflag:s23] =	ssyncset.done $0x0  }
0xcb: {  	[sflag:s23] =	ssyncadd.s32 $0xFFFFC180  }
0xcc: {  	_ =	swait.ge [sflag:s31], $0x3E80  }
0xcd: {  	[sflag:s31] =	ssyncset.done $0x0  }
0xce: {  	s4 =	simm.s32 $0x700;
	[sflag:s31] =	ssyncadd.s32 $0xFFFFC180  }
0xcf: {  	[tilespmem:s22], [sflag:$0x1] =	stream.indirect.gather [hbm4b:s0+s26], $0x80, s4, s26, $0xb8;
	[tilespmem:$0x1E000] =	vst v63  }
0xd0: {  	s18 =	simm.s32 $0xE80  }
0xd1: {  	[spmem:s3] =	stream.indirect.scatter.add.f32 [tilespmem:s30], [sflag:$0x5], $0x80, s18, s26, $0xb8;
	[tilespmem:$0x1E000] =	vst v63  }
0xd2: {  	_ =	swait.ge [sflag:s23], $0x3E80  }
0xd3: {  	[sflag:s23] =	ssyncset.done $0x0  }
0xd4: {  	[sflag:s23] =	ssyncadd.s32 $0xFFFFC180  }
0xd5: {  	_ =	swait.ge [sflag:s28], $0x3E80  }
0xd6: {  	[sflag:s28] =	ssyncset.done $0x0  }
0xd7: {  	s19 =	simm.s32 $0x780;
	[sflag:s28] =	ssyncadd.s32 $0xFFFFC180  }
0xd8: {  	[tilespmem:s30], [sflag:$0x2] =	stream.indirect.gather [hbm4b:s0+s26], $0x80, s19, s26, $0xb8;
	[tilespmem:$0x1E000] =	vst v63  }
0xd9: {  	s20 =	simm.s32 $0xF00  }
0xda: {  	[spmem:s3] =	stream.indirect.scatter.add.f32 [tilespmem:s22], [sflag:$0x5], $0x80, s20, s26, $0xb8;
	[tilespmem:$0x1E000] =	vst v63  }
0xdb: {  	_ =	swait.ge [sflag:s23], $0x3E80  }
0xdc: {  	[sflag:s23] =	ssyncset.done $0x0  }
0xdd: {  	[sflag:s23] =	ssyncadd.s32 $0xFFFFC180  }
0xde: {  	_ =	swait.ge [sflag:s31], $0x3E80  }
0xdf: {  	[sflag:s31] =	ssyncset.done $0x0  }
0xe0: {  	s29 =	simm.s32 $0xF80;
	[sflag:s31] =	ssyncadd.s32 $0xFFFFC180  }
0xe1: {  	[spmem:s3] =	stream.indirect.scatter.add.f32 [tilespmem:s30], [sflag:$0x5], $0x80, s29, s26, $0xb8;
	[tilespmem:$0x1E000] =	vst v63  }
0xe2: {  	_ =	swait.ge [sflag:s23], $0x3E80  }
0xe3: {  	[sflag:s23] =	ssyncset.done $0x0  }
0xe4: {  	s20 =	simm.s32 $0x4;
	[sflag:s23] =	ssyncadd.s32 $0xFFFFC180  }
0xe5: {  	_ =	swait.ge [sflag:s20], $0x1000  }
0xe6: {  	s19 =	simm.s32 $0x50000;
	[sflag:s20] =	ssyncset.done $0x0  }
0xe7: {  	s29 =	simm.s32 $0x0;
	s4 =	rddreg [dreg:$0xe];
	[sflag:s20] =	ssyncadd.s32 $0xFFFFF000  }
0xe8: {  	[tilespmem:s29], [sflag:$0x3] =	stream.strided.gather [hbm4b:s4+s2], $0x1000, s19, s2, $0x38;
	[tilespmem:$0x1E000] =	vst v63  }
0xe9: {  	_ = 	snop  }
0xea: {  	[tilespmem:s22], [sflag:$0x1] =	stream.indirect.gather [hbm4b:s0+s26], $0x80, s5, s26, $0xb8;
	[tilespmem:$0x1E000] =	vst v63  }
0xeb: {  	_ =	swait.ge [sflag:s28], $0x3E80  }
0xec: {  	[sflag:s28] =	ssyncset.done $0x0  }
0xed: {  	[sflag:s28] =	ssyncadd.s32 $0xFFFFC180  }
0xee: {  	[tilespmem:s30], [sflag:$0x2] =	stream.indirect.gather [hbm4b:s0+s26], $0x80, s16, s26, $0xb8;
	[tilespmem:$0x1E000] =	vst v63  }
0xef: {  	s2 =	simm.s32 $0x1800  }
0xf0: {  	[spmem:s3] =	stream.indirect.scatter.add.f32 [tilespmem:s22], [sflag:$0x5], $0x80, s2, s26, $0xb8;
	[tilespmem:$0x1E000] =	vst v63  }
0xf1: {  	_ =	swait.ge [sflag:s23], $0x3E80  }
0xf2: {  	[sflag:s23] =	ssyncset.done $0x0  }
0xf3: {  	[sflag:s23] =	ssyncadd.s32 $0xFFFFC180  }
0xf4: {  	_ =	swait.ge [sflag:s31], $0x3E80  }
0xf5: {  	[sflag:s31] =	ssyncset.done $0x0  }
0xf6: {  	[sflag:s31] =	ssyncadd.s32 $0xFFFFC180  }
0xf7: {  	[tilespmem:s22], [sflag:$0x1] =	stream.indirect.gather [hbm4b:s0+s26], $0x80, s6, s26, $0xb8;
	[tilespmem:$0x1E000] =	vst v63  }
0xf8: {  	_ = 	snop  }
0xf9: {  	[spmem:s3] =	stream.indirect.scatter.add.f32 [tilespmem:s30], [sflag:$0x5], $0x80, s7, s26, $0xb8;
	[tilespmem:$0x1E000] =	vst v63  }
0xfa: {  	_ =	swait.ge [sflag:s23], $0x3E80  }
0xfb: {  	[sflag:s23] =	ssyncset.done $0x0  }
0xfc: {  	[sflag:s23] =	ssyncadd.s32 $0xFFFFC180  }
0xfd: {  	_ =	swait.ge [sflag:s28], $0x3E80  }
0xfe: {  	[sflag:s28] =	ssyncset.done $0x0  }
0xff: {  	[sflag:s28] =	ssyncadd.s32 $0xFFFFC180  }
0x100: {  	[tilespmem:s30], [sflag:$0x2] =	stream.indirect.gather [hbm4b:s0+s26], $0x80, s8, s26, $0xb8;
	[tilespmem:$0x1E000] =	vst v63  }
0x101: {  	_ = 	snop  }
0x102: {  	[spmem:s3] =	stream.indirect.scatter.add.f32 [tilespmem:s22], [sflag:$0x5], $0x80, s9, s26, $0xb8;
	[tilespmem:$0x1E000] =	vst v63  }
0x103: {  	_ =	swait.ge [sflag:s23], $0x3E80  }
0x104: {  	[sflag:s23] =	ssyncset.done $0x0  }
0x105: {  	[sflag:s23] =	ssyncadd.s32 $0xFFFFC180  }
0x106: {  	_ =	swait.ge [sflag:s31], $0x3E80  }
0x107: {  	[sflag:s31] =	ssyncset.done $0x0  }
0x108: {  	[sflag:s31] =	ssyncadd.s32 $0xFFFFC180  }
0x109: {  	[tilespmem:s22], [sflag:$0x1] =	stream.indirect.gather [hbm4b:s0+s26], $0x80, s10, s26, $0xb8;
	[tilespmem:$0x1E000] =	vst v63  }
0x10a: {  	_ = 	snop  }
0x10b: {  	[spmem:s3] =	stream.indirect.scatter.add.f32 [tilespmem:s30], [sflag:$0x5], $0x80, s11, s26, $0xb8;
	[tilespmem:$0x1E000] =	vst v63  }
0x10c: {  	_ =	swait.ge [sflag:s23], $0x3E80  }
0x10d: {  	[sflag:s23] =	ssyncset.done $0x0  }
0x10e: {  	[sflag:s23] =	ssyncadd.s32 $0xFFFFC180  }
0x10f: {  	_ =	swait.ge [sflag:s28], $0x3E80  }
0x110: {  	[sflag:s28] =	ssyncset.done $0x0  }
0x111: {  	[sflag:s28] =	ssyncadd.s32 $0xFFFFC180  }
0x112: {  	[tilespmem:s30], [sflag:$0x2] =	stream.indirect.gather [hbm4b:s0+s26], $0x80, s12, s26, $0xb8;
	[tilespmem:$0x1E000] =	vst v63  }
0x113: {  	_ = 	snop  }
0x114: {  	[spmem:s3] =	stream.indirect.scatter.add.f32 [tilespmem:s22], [sflag:$0x5], $0x80, s13, s26, $0xb8;
	[tilespmem:$0x1E000] =	vst v63  }
0x115: {  	_ =	swait.ge [sflag:s23], $0x3E80  }
0x116: {  	[sflag:s23] =	ssyncset.done $0x0  }
0x117: {  	[sflag:s23] =	ssyncadd.s32 $0xFFFFC180  }
0x118: {  	_ =	swait.ge [sflag:s31], $0x3E80  }
0x119: {  	[sflag:s31] =	ssyncset.done $0x0  }
0x11a: {  	[sflag:s31] =	ssyncadd.s32 $0xFFFFC180  }
0x11b: {  	[tilespmem:s22], [sflag:$0x1] =	stream.indirect.gather [hbm4b:s0+s26], $0x80, s14, s26, $0xb8;
	[tilespmem:$0x1E000] =	vst v63  }
0x11c: {  	_ = 	snop  }
0x11d: {  	[spmem:s3] =	stream.indirect.scatter.add.f32 [tilespmem:s30], [sflag:$0x5], $0x80, s15, s26, $0xb8;
	[tilespmem:$0x1E000] =	vst v63  }
0x11e: {  	_ =	swait.ge [sflag:s23], $0x3E80  }
0x11f: {  	[sflag:s23] =	ssyncset.done $0x0  }
0x120: {  	[sflag:s23] =	ssyncadd.s32 $0xFFFFC180  }
0x121: {  	_ =	swait.ge [sflag:s28], $0x3E80  }
0x122: {  	[sflag:s28] =	ssyncset.done $0x0  }
0x123: {  	[sflag:s28] =	ssyncadd.s32 $0xFFFFC180  }
0x124: {  	[tilespmem:s30], [sflag:$0x2] =	stream.indirect.gather [hbm4b:s0+s26], $0x80, s25, s26, $0xb8;
	[tilespmem:$0x1E000] =	vst v63  }
0x125: {  	_ = 	snop  }
0x126: {  	[spmem:s3] =	stream.indirect.scatter.add.f32 [tilespmem:s22], [sflag:$0x5], $0x80, s21, s26, $0xb8;
	[tilespmem:$0x1E000] =	vst v63  }
0x127: {  	_ =	swait.ge [sflag:s23], $0x3E80  }
0x128: {  	[sflag:s23] =	ssyncset.done $0x0  }
0x129: {  	[sflag:s23] =	ssyncadd.s32 $0xFFFFC180  }
0x12a: {  	_ =	swait.ge [sflag:s31], $0x3E80  }
0x12b: {  	[sflag:s31] =	ssyncset.done $0x0  }
0x12c: {  	s19 =	simm.s32 $0x1400;
	[sflag:s31] =	ssyncadd.s32 $0xFFFFC180  }
0x12d: {  	[tilespmem:s22], [sflag:$0x1] =	stream.indirect.gather [hbm4b:s0+s26], $0x80, s19, s26, $0xb8;
	[tilespmem:$0x1E000] =	vst v63  }
0x12e: {  	s29 =	simm.s32 $0x1B80  }
0x12f: {  	[spmem:s3] =	stream.indirect.scatter.add.f32 [tilespmem:s30], [sflag:$0x5], $0x80, s29, s26, $0xb8;
	[tilespmem:$0x1E000] =	vst v63  }
0x130: {  	_ =	swait.ge [sflag:s23], $0x3E80  }
0x131: {  	[sflag:s23] =	ssyncset.done $0x0  }
0x132: {  	[sflag:s23] =	ssyncadd.s32 $0xFFFFC180  }
0x133: {  	_ =	swait.ge [sflag:s28], $0x3E80  }
0x134: {  	[sflag:s28] =	ssyncset.done $0x0  }
0x135: {  	s18 =	simm.s32 $0x1480;
	[sflag:s28] =	ssyncadd.s32 $0xFFFFC180  }
0x136: {  	[tilespmem:s30], [sflag:$0x2] =	stream.indirect.gather [hbm4b:s0+s26], $0x80, s18, s26, $0xb8;
	[tilespmem:$0x1E000] =	vst v63  }
0x137: {  	s18 =	simm.s32 $0x1C00  }
0x138: {  	[spmem:s3] =	stream.indirect.scatter.add.f32 [tilespmem:s22], [sflag:$0x5], $0x80, s18, s26, $0xb8;
	[tilespmem:$0x1E000] =	vst v63  }
0x139: {  	_ =	swait.ge [sflag:s23], $0x3E80  }
0x13a: {  	[sflag:s23] =	ssyncset.done $0x0  }
0x13b: {  	[sflag:s23] =	ssyncadd.s32 $0xFFFFC180  }
0x13c: {  	_ =	swait.ge [sflag:s31], $0x3E80  }
0x13d: {  	[sflag:s31] =	ssyncset.done $0x0  }
0x13e: {  	s18 =	simm.s32 $0x1500;
	[sflag:s31] =	ssyncadd.s32 $0xFFFFC180  }
0x13f: {  	[tilespmem:s22], [sflag:$0x1] =	stream.indirect.gather [hbm4b:s0+s26], $0x80, s18, s26, $0xb8;
	[tilespmem:$0x1E000] =	vst v63  }
0x140: {  	s18 =	simm.s32 $0x1C80  }
0x141: {  	[spmem:s3] =	stream.indirect.scatter.add.f32 [tilespmem:s30], [sflag:$0x5], $0x80, s18, s26, $0xb8;
	[tilespmem:$0x1E000] =	vst v63  }
0x142: {  	_ =	swait.ge [sflag:s23], $0x3E80  }
0x143: {  	[sflag:s23] =	ssyncset.done $0x0  }
0x144: {  	[sflag:s23] =	ssyncadd.s32 $0xFFFFC180  }
0x145: {  	_ =	swait.ge [sflag:s28], $0x3E80  }
0x146: {  	[sflag:s28] =	ssyncset.done $0x0  }
0x147: {  	s18 =	simm.s32 $0x1580;
	[sflag:s28] =	ssyncadd.s32 $0xFFFFC180  }
0x148: {  	[tilespmem:s30], [sflag:$0x2] =	stream.indirect.gather [hbm4b:s0+s26], $0x80, s18, s26, $0xb8;
	[tilespmem:$0x1E000] =	vst v63  }
0x149: {  	s18 =	simm.s32 $0x1D00  }
0x14a: {  	[spmem:s3] =	stream.indirect.scatter.add.f32 [tilespmem:s22], [sflag:$0x5], $0x80, s18, s26, $0xb8;
	[tilespmem:$0x1E000] =	vst v63  }
0x14b: {  	_ =	swait.ge [sflag:s23], $0x3E80  }
0x14c: {  	[sflag:s23] =	ssyncset.done $0x0  }
0x14d: {  	[sflag:s23] =	ssyncadd.s32 $0xFFFFC180  }
0x14e: {  	_ =	swait.ge [sflag:s31], $0x3E80  }
0x14f: {  	[sflag:s31] =	ssyncset.done $0x0  }
0x150: {  	s18 =	simm.s32 $0x1600;
	[sflag:s31] =	ssyncadd.s32 $0xFFFFC180  }
0x151: {  	[tilespmem:s22], [sflag:$0x1] =	stream.indirect.gather [hbm4b:s0+s26], $0x80, s18, s26, $0xb8;
	[tilespmem:$0x1E000] =	vst v63  }
0x152: {  	s18 =	simm.s32 $0x1D80  }
0x153: {  	[spmem:s3] =	stream.indirect.scatter.add.f32 [tilespmem:s30], [sflag:$0x5], $0x80, s18, s26, $0xb8;
	[tilespmem:$0x1E000] =	vst v63  }
0x154: {  	_ =	swait.ge [sflag:s23], $0x3E80  }
0x155: {  	[sflag:s23] =	ssyncset.done $0x0  }
0x156: {  	[sflag:s23] =	ssyncadd.s32 $0xFFFFC180  }
0x157: {  	_ =	swait.ge [sflag:s28], $0x3E80  }
0x158: {  	[sflag:s28] =	ssyncset.done $0x0  }
0x159: {  	s18 =	simm.s32 $0x1680;
	[sflag:s28] =	ssyncadd.s32 $0xFFFFC180  }
0x15a: {  	[tilespmem:s30], [sflag:$0x2] =	stream.indirect.gather [hbm4b:s0+s26], $0x80, s18, s26, $0xb8;
	[tilespmem:$0x1E000] =	vst v63  }
0x15b: {  	s18 =	simm.s32 $0x1E00  }
0x15c: {  	[spmem:s3] =	stream.indirect.scatter.add.f32 [tilespmem:s22], [sflag:$0x5], $0x80, s18, s26, $0xb8;
	[tilespmem:$0x1E000] =	vst v63  }
0x15d: {  	_ =	swait.ge [sflag:s23], $0x3E80  }
0x15e: {  	[sflag:s23] =	ssyncset.done $0x0  }
0x15f: {  	[sflag:s23] =	ssyncadd.s32 $0xFFFFC180  }
0x160: {  	_ =	swait.ge [sflag:s31], $0x3E80  }
0x161: {  	[sflag:s31] =	ssyncset.done $0x0  }
0x162: {  	s18 =	simm.s32 $0x1700;
	[sflag:s31] =	ssyncadd.s32 $0xFFFFC180  }
0x163: {  	[tilespmem:s22], [sflag:$0x1] =	stream.indirect.gather [hbm4b:s0+s26], $0x80, s18, s26, $0xb8;
	[tilespmem:$0x1E000] =	vst v63  }
0x164: {  	s18 =	simm.s32 $0x1E80  }
0x165: {  	[spmem:s3] =	stream.indirect.scatter.add.f32 [tilespmem:s30], [sflag:$0x5], $0x80, s18, s26, $0xb8;
	[tilespmem:$0x1E000] =	vst v63  }
0x166: {  	_ =	swait.ge [sflag:s23], $0x3E80  }
0x167: {  	[sflag:s23] =	ssyncset.done $0x0  }
0x168: {  	[sflag:s23] =	ssyncadd.s32 $0xFFFFC180  }
0x169: {  	_ =	swait.ge [sflag:s28], $0x3E80  }
0x16a: {  	[sflag:s28] =	ssyncset.done $0x0  }
0x16b: {  	s18 =	simm.s32 $0x1780;
	[sflag:s28] =	ssyncadd.s32 $0xFFFFC180  }
0x16c: {  	[tilespmem:s30], [sflag:$0x2] =	stream.indirect.gather [hbm4b:s0+s26], $0x80, s18, s26, $0xb8;
	[tilespmem:$0x1E000] =	vst v63  }
0x16d: {  	s18 =	simm.s32 $0x1F00  }
0x16e: {  	[spmem:s3] =	stream.indirect.scatter.add.f32 [tilespmem:s22], [sflag:$0x5], $0x80, s18, s26, $0xb8;
	[tilespmem:$0x1E000] =	vst v63  }
0x16f: {  	_ =	swait.ge [sflag:s23], $0x3E80  }
0x170: {  	[sflag:s23] =	ssyncset.done $0x0  }
0x171: {  	[sflag:s23] =	ssyncadd.s32 $0xFFFFC180  }
0x172: {  	_ =	swait.ge [sflag:s31], $0x3E80  }
0x173: {  	[sflag:s31] =	ssyncset.done $0x0  }
0x174: {  	s18 =	simm.s32 $0x1F80;
	[sflag:s31] =	ssyncadd.s32 $0xFFFFC180  }
0x175: {  	[spmem:s3] =	stream.indirect.scatter.add.f32 [tilespmem:s30], [sflag:$0x5], $0x80, s18, s26, $0xb8;
	[tilespmem:$0x1E000] =	vst v63  }
0x176: {  	_ =	swait.ge [sflag:s23], $0x3E80  }
0x177: {  	[sflag:s23] =	ssyncset.done $0x0  }
0x178: {  	[sflag:s23] =	ssyncadd.s32 $0xFFFFC180  }
0x179: {  	_ =	swait.ge [sflag:s24], $0x1000  }
0x17a: {  	s1 =	simm.s32 $0x800;
	[sflag:s24] =	ssyncset.done $0x0  }
0x17b: {  	s4 =	simm.s32 $0x50000;
	s18 =	rddreg [dreg:$0xf];
	[sflag:s24] =	ssyncadd.s32 $0xFFFFF000  }
0x17c: {  	[tilespmem:s5], [sflag:$0x4] =	stream.strided.gather [hbm4b:s18+s1], $0x1000, s4, s1, $0x38;
	[tilespmem:$0x1E000] =	vst v63  }
0x17d: {  	s18 =	simm.s32 $0x0  }
0x17e: {  	[tilespmem:s22], [sflag:$0x1] =	stream.indirect.gather [hbm4b:s0+s26], $0x80, s18, s26, $0xb8;
	[tilespmem:$0x1E000] =	vst v63  }
0x17f: {  	_ =	swait.ge [sflag:s28], $0x3E80  }
0x180: {  	[sflag:s28] =	ssyncset.done $0x0  }
0x181: {  	s18 =	simm.s32 $0x80;
	[sflag:s28] =	ssyncadd.s32 $0xFFFFC180  }
0x182: {  	[tilespmem:s30], [sflag:$0x2] =	stream.indirect.gather [hbm4b:s0+s26], $0x80, s18, s26, $0xb8;
	[tilespmem:$0x1E000] =	vst v63  }
0x183: {  	_ = 	snop  }
0x184: {  	[spmem:s3] =	stream.indirect.scatter.add.f32 [tilespmem:s22], [sflag:$0x5], $0x80, s1, s26, $0xb8;
	[tilespmem:$0x1E000] =	vst v63  }
0x185: {  	_ =	swait.ge [sflag:s23], $0x3E80  }
0x186: {  	[sflag:s23] =	ssyncset.done $0x0  }
0x187: {  	[sflag:s23] =	ssyncadd.s32 $0xFFFFC180  }
0x188: {  	_ =	swait.ge [sflag:s31], $0x3E80  }
0x189: {  	[sflag:s31] =	ssyncset.done $0x0  }
0x18a: {  	s18 =	simm.s32 $0x100;
	[sflag:s31] =	ssyncadd.s32 $0xFFFFC180  }
0x18b: {  	[tilespmem:s22], [sflag:$0x1] =	stream.indirect.gather [hbm4b:s0+s26], $0x80, s18, s26, $0xb8;
	[tilespmem:$0x1E000] =	vst v63  }
0x18c: {  	s18 =	simm.s32 $0x880  }
0x18d: {  	[spmem:s3] =	stream.indirect.scatter.add.f32 [tilespmem:s30], [sflag:$0x5], $0x80, s18, s26, $0xb8;
	[tilespmem:$0x1E000] =	vst v63  }
0x18e: {  	_ =	swait.ge [sflag:s23], $0x3E80  }
0x18f: {  	[sflag:s23] =	ssyncset.done $0x0  }
0x190: {  	[sflag:s23] =	ssyncadd.s32 $0xFFFFC180  }
0x191: {  	_ =	swait.ge [sflag:s28], $0x3E80  }
0x192: {  	[sflag:s28] =	ssyncset.done $0x0  }
0x193: {  	s18 =	simm.s32 $0x180;
	[sflag:s28] =	ssyncadd.s32 $0xFFFFC180  }
0x194: {  	[tilespmem:s30], [sflag:$0x2] =	stream.indirect.gather [hbm4b:s0+s26], $0x80, s18, s26, $0xb8;
	[tilespmem:$0x1E000] =	vst v63  }
0x195: {  	s18 =	simm.s32 $0x900  }
0x196: {  	[spmem:s3] =	stream.indirect.scatter.add.f32 [tilespmem:s22], [sflag:$0x5], $0x80, s18, s26, $0xb8;
	[tilespmem:$0x1E000] =	vst v63  }
0x197: {  	_ =	swait.ge [sflag:s23], $0x3E80  }
0x198: {  	[sflag:s23] =	ssyncset.done $0x0  }
0x199: {  	[sflag:s23] =	ssyncadd.s32 $0xFFFFC180  }
0x19a: {  	_ =	swait.ge [sflag:s31], $0x3E80  }
0x19b: {  	[sflag:s31] =	ssyncset.done $0x0  }
0x19c: {  	s18 =	simm.s32 $0x200;
	[sflag:s31] =	ssyncadd.s32 $0xFFFFC180  }
0x19d: {  	[tilespmem:s22], [sflag:$0x1] =	stream.indirect.gather [hbm4b:s0+s26], $0x80, s18, s26, $0xb8;
	[tilespmem:$0x1E000] =	vst v63  }
0x19e: {  	s18 =	simm.s32 $0x980  }
0x19f: {  	[spmem:s3] =	stream.indirect.scatter.add.f32 [tilespmem:s30], [sflag:$0x5], $0x80, s18, s26, $0xb8;
	[tilespmem:$0x1E000] =	vst v63  }
0x1a0: {  	_ =	swait.ge [sflag:s23], $0x3E80  }
0x1a1: {  	[sflag:s23] =	ssyncset.done $0x0  }
0x1a2: {  	[sflag:s23] =	ssyncadd.s32 $0xFFFFC180  }
0x1a3: {  	_ =	swait.ge [sflag:s28], $0x3E80  }
0x1a4: {  	[sflag:s28] =	ssyncset.done $0x0  }
0x1a5: {  	s18 =	simm.s32 $0x280;
	[sflag:s28] =	ssyncadd.s32 $0xFFFFC180  }
0x1a6: {  	[tilespmem:s30], [sflag:$0x2] =	stream.indirect.gather [hbm4b:s0+s26], $0x80, s18, s26, $0xb8;
	[tilespmem:$0x1E000] =	vst v63  }
0x1a7: {  	s18 =	simm.s32 $0xA00  }
0x1a8: {  	[spmem:s3] =	stream.indirect.scatter.add.f32 [tilespmem:s22], [sflag:$0x5], $0x80, s18, s26, $0xb8;
	[tilespmem:$0x1E000] =	vst v63  }
0x1a9: {  	_ =	swait.ge [sflag:s23], $0x3E80  }
0x1aa: {  	[sflag:s23] =	ssyncset.done $0x0  }
0x1ab: {  	[sflag:s23] =	ssyncadd.s32 $0xFFFFC180  }
0x1ac: {  	_ =	swait.ge [sflag:s31], $0x3E80  }
0x1ad: {  	[sflag:s31] =	ssyncset.done $0x0  }
0x1ae: {  	s18 =	simm.s32 $0x300;
	[sflag:s31] =	ssyncadd.s32 $0xFFFFC180  }
0x1af: {  	[tilespmem:s22], [sflag:$0x1] =	stream.indirect.gather [hbm4b:s0+s26], $0x80, s18, s26, $0xb8;
	[tilespmem:$0x1E000] =	vst v63  }
0x1b0: {  	s18 =	simm.s32 $0xA80  }
0x1b1: {  	[spmem:s3] =	stream.indirect.scatter.add.f32 [tilespmem:s30], [sflag:$0x5], $0x80, s18, s26, $0xb8;
	[tilespmem:$0x1E000] =	vst v63  }
0x1b2: {  	_ =	swait.ge [sflag:s23], $0x3E80  }
0x1b3: {  	[sflag:s23] =	ssyncset.done $0x0  }
0x1b4: {  	[sflag:s23] =	ssyncadd.s32 $0xFFFFC180  }
0x1b5: {  	_ =	swait.ge [sflag:s28], $0x3E80  }
0x1b6: {  	[sflag:s28] =	ssyncset.done $0x0  }
0x1b7: {  	s18 =	simm.s32 $0x380;
	[sflag:s28] =	ssyncadd.s32 $0xFFFFC180  }
0x1b8: {  	[tilespmem:s30], [sflag:$0x2] =	stream.indirect.gather [hbm4b:s0+s26], $0x80, s18, s26, $0xb8;
	[tilespmem:$0x1E000] =	vst v63  }
0x1b9: {  	s18 =	simm.s32 $0xB00  }
0x1ba: {  	[spmem:s3] =	stream.indirect.scatter.add.f32 [tilespmem:s22], [sflag:$0x5], $0x80, s18, s26, $0xb8;
	[tilespmem:$0x1E000] =	vst v63  }
0x1bb: {  	_ =	swait.ge [sflag:s23], $0x3E80  }
0x1bc: {  	[sflag:s23] =	ssyncset.done $0x0  }
0x1bd: {  	[sflag:s23] =	ssyncadd.s32 $0xFFFFC180  }
0x1be: {  	_ =	swait.ge [sflag:s31], $0x3E80  }
0x1bf: {  	[sflag:s31] =	ssyncset.done $0x0  }
0x1c0: {  	s18 =	simm.s32 $0x400;
	[sflag:s31] =	ssyncadd.s32 $0xFFFFC180  }
0x1c1: {  	[tilespmem:s22], [sflag:$0x1] =	stream.indirect.gather [hbm4b:s0+s26], $0x80, s18, s26, $0xb8;
	[tilespmem:$0x1E000] =	vst v63  }
0x1c2: {  	s18 =	simm.s32 $0xB80  }
0x1c3: {  	[spmem:s3] =	stream.indirect.scatter.add.f32 [tilespmem:s30], [sflag:$0x5], $0x80, s18, s26, $0xb8;
	[tilespmem:$0x1E000] =	vst v63  }
0x1c4: {  	_ =	swait.ge [sflag:s23], $0x3E80  }
0x1c5: {  	[sflag:s23] =	ssyncset.done $0x0  }
0x1c6: {  	[sflag:s23] =	ssyncadd.s32 $0xFFFFC180  }
0x1c7: {  	_ =	swait.ge [sflag:s28], $0x3E80  }
0x1c8: {  	[sflag:s28] =	ssyncset.done $0x0  }
0x1c9: {  	s18 =	simm.s32 $0x480;
	[sflag:s28] =	ssyncadd.s32 $0xFFFFC180  }
0x1ca: {  	[tilespmem:s30], [sflag:$0x2] =	stream.indirect.gather [hbm4b:s0+s26], $0x80, s18, s26, $0xb8;
	[tilespmem:$0x1E000] =	vst v63  }
0x1cb: {  	s18 =	simm.s32 $0xC00  }
0x1cc: {  	[spmem:s3] =	stream.indirect.scatter.add.f32 [tilespmem:s22], [sflag:$0x5], $0x80, s18, s26, $0xb8;
	[tilespmem:$0x1E000] =	vst v63  }
0x1cd: {  	_ =	swait.ge [sflag:s23], $0x3E80  }
0x1ce: {  	[sflag:s23] =	ssyncset.done $0x0  }
0x1cf: {  	[sflag:s23] =	ssyncadd.s32 $0xFFFFC180  }
0x1d0: {  	_ =	swait.ge [sflag:s31], $0x3E80  }
0x1d1: {  	[sflag:s31] =	ssyncset.done $0x0  }
0x1d2: {  	s18 =	simm.s32 $0x500;
	[sflag:s31] =	ssyncadd.s32 $0xFFFFC180  }
0x1d3: {  	[tilespmem:s22], [sflag:$0x1] =	stream.indirect.gather [hbm4b:s0+s26], $0x80, s18, s26, $0xb8;
	[tilespmem:$0x1E000] =	vst v63  }
0x1d4: {  	s18 =	simm.s32 $0xC80  }
0x1d5: {  	[spmem:s3] =	stream.indirect.scatter.add.f32 [tilespmem:s30], [sflag:$0x5], $0x80, s18, s26, $0xb8;
	[tilespmem:$0x1E000] =	vst v63  }
0x1d6: {  	_ =	swait.ge [sflag:s23], $0x3E80  }
0x1d7: {  	[sflag:s23] =	ssyncset.done $0x0  }
0x1d8: {  	[sflag:s23] =	ssyncadd.s32 $0xFFFFC180  }
0x1d9: {  	_ =	swait.ge [sflag:s28], $0x3E80  }
0x1da: {  	[sflag:s28] =	ssyncset.done $0x0  }
0x1db: {  	s18 =	simm.s32 $0x580;
	[sflag:s28] =	ssyncadd.s32 $0xFFFFC180  }
0x1dc: {  	[tilespmem:s30], [sflag:$0x2] =	stream.indirect.gather [hbm4b:s0+s26], $0x80, s18, s26, $0xb8;
	[tilespmem:$0x1E000] =	vst v63  }
0x1dd: {  	s18 =	simm.s32 $0xD00  }
0x1de: {  	[spmem:s3] =	stream.indirect.scatter.add.f32 [tilespmem:s22], [sflag:$0x5], $0x80, s18, s26, $0xb8;
	[tilespmem:$0x1E000] =	vst v63  }
0x1df: {  	_ =	swait.ge [sflag:s23], $0x3E80  }
0x1e0: {  	[sflag:s23] =	ssyncset.done $0x0  }
0x1e1: {  	[sflag:s23] =	ssyncadd.s32 $0xFFFFC180  }
0x1e2: {  	_ =	swait.ge [sflag:s31], $0x3E80  }
0x1e3: {  	[sflag:s31] =	ssyncset.done $0x0  }
0x1e4: {  	s18 =	simm.s32 $0x600;
	[sflag:s31] =	ssyncadd.s32 $0xFFFFC180  }
0x1e5: {  	[tilespmem:s22], [sflag:$0x1] =	stream.indirect.gather [hbm4b:s0+s26], $0x80, s18, s26, $0xb8;
	[tilespmem:$0x1E000] =	vst v63  }
0x1e6: {  	s18 =	simm.s32 $0xD80  }
0x1e7: {  	[spmem:s3] =	stream.indirect.scatter.add.f32 [tilespmem:s30], [sflag:$0x5], $0x80, s18, s26, $0xb8;
	[tilespmem:$0x1E000] =	vst v63  }
0x1e8: {  	_ =	swait.ge [sflag:s23], $0x3E80  }
0x1e9: {  	[sflag:s23] =	ssyncset.done $0x0  }
0x1ea: {  	[sflag:s23] =	ssyncadd.s32 $0xFFFFC180  }
0x1eb: {  	_ =	swait.ge [sflag:s28], $0x3E80  }
0x1ec: {  	[sflag:s28] =	ssyncset.done $0x0  }
0x1ed: {  	s18 =	simm.s32 $0x680;
	[sflag:s28] =	ssyncadd.s32 $0xFFFFC180  }
0x1ee: {  	[tilespmem:s30], [sflag:$0x2] =	stream.indirect.gather [hbm4b:s0+s26], $0x80, s18, s26, $0xb8;
	[tilespmem:$0x1E000] =	vst v63  }
0x1ef: {  	s18 =	simm.s32 $0xE00  }
0x1f0: {  	[spmem:s3] =	stream.indirect.scatter.add.f32 [tilespmem:s22], [sflag:$0x5], $0x80, s18, s26, $0xb8;
	[tilespmem:$0x1E000] =	vst v63  }
0x1f1: {  	_ =	swait.ge [sflag:s23], $0x3E80  }
0x1f2: {  	[sflag:s23] =	ssyncset.done $0x0  }
0x1f3: {  	[sflag:s23] =	ssyncadd.s32 $0xFFFFC180  }
0x1f4: {  	_ =	swait.ge [sflag:s31], $0x3E80  }
0x1f5: {  	[sflag:s31] =	ssyncset.done $0x0  }
0x1f6: {  	s18 =	simm.s32 $0x700;
	[sflag:s31] =	ssyncadd.s32 $0xFFFFC180  }
0x1f7: {  	[tilespmem:s22], [sflag:$0x1] =	stream.indirect.gather [hbm4b:s0+s26], $0x80, s18, s26, $0xb8;
	[tilespmem:$0x1E000] =	vst v63  }
0x1f8: {  	s18 =	simm.s32 $0xE80  }
0x1f9: {  	[spmem:s3] =	stream.indirect.scatter.add.f32 [tilespmem:s30], [sflag:$0x5], $0x80, s18, s26, $0xb8;
	[tilespmem:$0x1E000] =	vst v63  }
0x1fa: {  	_ =	swait.ge [sflag:s23], $0x3E80  }
0x1fb: {  	[sflag:s23] =	ssyncset.done $0x0  }
0x1fc: {  	[sflag:s23] =	ssyncadd.s32 $0xFFFFC180  }
0x1fd: {  	_ =	swait.ge [sflag:s28], $0x3E80  }
0x1fe: {  	[sflag:s28] =	ssyncset.done $0x0  }
0x1ff: {  	s18 =	simm.s32 $0x780;
	[sflag:s28] =	ssyncadd.s32 $0xFFFFC180  }
0x200: {  	[tilespmem:s30], [sflag:$0x2] =	stream.indirect.gather [hbm4b:s0+s26], $0x80, s18, s26, $0xb8;
	[tilespmem:$0x1E000] =	vst v63  }
0x201: {  	s18 =	simm.s32 $0xF00  }
0x202: {  	[spmem:s3] =	stream.indirect.scatter.add.f32 [tilespmem:s22], [sflag:$0x5], $0x80, s18, s26, $0xb8;
	[tilespmem:$0x1E000] =	vst v63  }
0x203: {  	_ =	swait.ge [sflag:s23], $0x3E80  }
0x204: {  	[sflag:s23] =	ssyncset.done $0x0  }
0x205: {  	[sflag:s23] =	ssyncadd.s32 $0xFFFFC180  }
0x206: {  	_ =	swait.ge [sflag:s31], $0x3E80  }
0x207: {  	[sflag:s31] =	ssyncset.done $0x0  }
0x208: {  	s18 =	simm.s32 $0xF80;
	[sflag:s31] =	ssyncadd.s32 $0xFFFFC180  }
0x209: {  	[spmem:s3] =	stream.indirect.scatter.add.f32 [tilespmem:s30], [sflag:$0x5], $0x80, s18, s26, $0xb8;
	[tilespmem:$0x1E000] =	vst v63  }
0x20a: {  	_ =	swait.ge [sflag:s23], $0x3E80  }
0x20b: {  	[sflag:s23] =	ssyncset.done $0x0  }
0x20c: {  	[sflag:s23] =	ssyncadd.s32 $0xFFFFC180  }
0x20d: {  	_ =	swait.ge [sflag:s20], $0x1000  }
0x20e: {  	s4 =	simm.s32 $0x0;
	[sflag:s20] =	ssyncset.done $0x0  }
0x20f: {  	s18 =	rddreg [dreg:$0x10];
	[sflag:s20] =	ssyncadd.s32 $0xFFFFF000;
	s20 =	simm.s32 $0x50000  }
0x210: {  	[tilespmem:s4], [sflag:$0x3] =	stream.strided.gather [hbm4b:s18+s1], $0x1000, s20, s1, $0x38;
	[tilespmem:$0x1E000] =	vst v63  }
0x211: {  	_ = 	snop  }
0x212: {  	[tilespmem:s22], [sflag:$0x1] =	stream.indirect.gather [hbm4b:s0+s26], $0x80, s5, s26, $0xb8;
	[tilespmem:$0x1E000] =	vst v63  }
0x213: {  	_ =	swait.ge [sflag:s28], $0x3E80  }
0x214: {  	[sflag:s28] =	ssyncset.done $0x0  }
0x215: {  	[sflag:s28] =	ssyncadd.s32 $0xFFFFC180  }
0x216: {  	[tilespmem:s30], [sflag:$0x2] =	stream.indirect.gather [hbm4b:s0+s26], $0x80, s16, s26, $0xb8;
	[tilespmem:$0x1E000] =	vst v63  }
0x217: {  	_ = 	snop  }
0x218: {  	[spmem:s3] =	stream.indirect.scatter.add.f32 [tilespmem:s22], [sflag:$0x5], $0x80, s2, s26, $0xb8;
	[tilespmem:$0x1E000] =	vst v63  }
0x219: {  	_ =	swait.ge [sflag:s23], $0x3E80  }
0x21a: {  	[sflag:s23] =	ssyncset.done $0x0  }
0x21b: {  	[sflag:s23] =	ssyncadd.s32 $0xFFFFC180  }
0x21c: {  	_ =	swait.ge [sflag:s31], $0x3E80  }
0x21d: {  	[sflag:s31] =	ssyncset.done $0x0  }
0x21e: {  	[sflag:s31] =	ssyncadd.s32 $0xFFFFC180  }
0x21f: {  	[tilespmem:s22], [sflag:$0x1] =	stream.indirect.gather [hbm4b:s0+s26], $0x80, s6, s26, $0xb8;
	[tilespmem:$0x1E000] =	vst v63  }
0x220: {  	_ = 	snop  }
0x221: {  	[spmem:s3] =	stream.indirect.scatter.add.f32 [tilespmem:s30], [sflag:$0x5], $0x80, s7, s26, $0xb8;
	[tilespmem:$0x1E000] =	vst v63  }
0x222: {  	_ =	swait.ge [sflag:s23], $0x3E80  }
0x223: {  	[sflag:s23] =	ssyncset.done $0x0  }
0x224: {  	[sflag:s23] =	ssyncadd.s32 $0xFFFFC180  }
0x225: {  	_ =	swait.ge [sflag:s28], $0x3E80  }
0x226: {  	[sflag:s28] =	ssyncset.done $0x0  }
0x227: {  	[sflag:s28] =	ssyncadd.s32 $0xFFFFC180  }
0x228: {  	[tilespmem:s30], [sflag:$0x2] =	stream.indirect.gather [hbm4b:s0+s26], $0x80, s8, s26, $0xb8;
	[tilespmem:$0x1E000] =	vst v63  }
0x229: {  	_ = 	snop  }
0x22a: {  	[spmem:s3] =	stream.indirect.scatter.add.f32 [tilespmem:s22], [sflag:$0x5], $0x80, s9, s26, $0xb8;
	[tilespmem:$0x1E000] =	vst v63  }
0x22b: {  	_ =	swait.ge [sflag:s23], $0x3E80  }
0x22c: {  	[sflag:s23] =	ssyncset.done $0x0  }
0x22d: {  	[sflag:s23] =	ssyncadd.s32 $0xFFFFC180  }
0x22e: {  	_ =	swait.ge [sflag:s31], $0x3E80  }
0x22f: {  	[sflag:s31] =	ssyncset.done $0x0  }
0x230: {  	[sflag:s31] =	ssyncadd.s32 $0xFFFFC180  }
0x231: {  	[tilespmem:s22], [sflag:$0x1] =	stream.indirect.gather [hbm4b:s0+s26], $0x80, s10, s26, $0xb8;
	[tilespmem:$0x1E000] =	vst v63  }
0x232: {  	_ = 	snop  }
0x233: {  	[spmem:s3] =	stream.indirect.scatter.add.f32 [tilespmem:s30], [sflag:$0x5], $0x80, s11, s26, $0xb8;
	[tilespmem:$0x1E000] =	vst v63  }
0x234: {  	_ =	swait.ge [sflag:s23], $0x3E80  }
0x235: {  	[sflag:s23] =	ssyncset.done $0x0  }
0x236: {  	[sflag:s23] =	ssyncadd.s32 $0xFFFFC180  }
0x237: {  	_ =	swait.ge [sflag:s28], $0x3E80  }
0x238: {  	[sflag:s28] =	ssyncset.done $0x0  }
0x239: {  	[sflag:s28] =	ssyncadd.s32 $0xFFFFC180  }
0x23a: {  	[tilespmem:s30], [sflag:$0x2] =	stream.indirect.gather [hbm4b:s0+s26], $0x80, s12, s26, $0xb8;
	[tilespmem:$0x1E000] =	vst v63  }
0x23b: {  	_ = 	snop  }
0x23c: {  	[spmem:s3] =	stream.indirect.scatter.add.f32 [tilespmem:s22], [sflag:$0x5], $0x80, s13, s26, $0xb8;
	[tilespmem:$0x1E000] =	vst v63  }
0x23d: {  	_ =	swait.ge [sflag:s23], $0x3E80  }
0x23e: {  	[sflag:s23] =	ssyncset.done $0x0  }
0x23f: {  	[sflag:s23] =	ssyncadd.s32 $0xFFFFC180  }
0x240: {  	_ =	swait.ge [sflag:s31], $0x3E80  }
0x241: {  	[sflag:s31] =	ssyncset.done $0x0  }
0x242: {  	[sflag:s31] =	ssyncadd.s32 $0xFFFFC180  }
0x243: {  	[tilespmem:s22], [sflag:$0x1] =	stream.indirect.gather [hbm4b:s0+s26], $0x80, s14, s26, $0xb8;
	[tilespmem:$0x1E000] =	vst v63  }
0x244: {  	_ = 	snop  }
0x245: {  	[spmem:s3] =	stream.indirect.scatter.add.f32 [tilespmem:s30], [sflag:$0x5], $0x80, s15, s26, $0xb8;
	[tilespmem:$0x1E000] =	vst v63  }
0x246: {  	_ =	swait.ge [sflag:s23], $0x3E80  }
0x247: {  	[sflag:s23] =	ssyncset.done $0x0  }
0x248: {  	[sflag:s23] =	ssyncadd.s32 $0xFFFFC180  }
0x249: {  	_ =	swait.ge [sflag:s28], $0x3E80  }
0x24a: {  	[sflag:s28] =	ssyncset.done $0x0  }
0x24b: {  	[sflag:s28] =	ssyncadd.s32 $0xFFFFC180  }
0x24c: {  	[tilespmem:s30], [sflag:$0x2] =	stream.indirect.gather [hbm4b:s0+s26], $0x80, s25, s26, $0xb8;
	[tilespmem:$0x1E000] =	vst v63  }
0x24d: {  	_ = 	snop  }
0x24e: {  	[spmem:s3] =	stream.indirect.scatter.add.f32 [tilespmem:s22], [sflag:$0x5], $0x80, s21, s26, $0xb8;
	[tilespmem:$0x1E000] =	vst v63  }
0x24f: {  	_ =	swait.ge [sflag:s23], $0x3E80  }
0x250: {  	[sflag:s23] =	ssyncset.done $0x0  }
0x251: {  	[sflag:s23] =	ssyncadd.s32 $0xFFFFC180  }
0x252: {  	_ =	swait.ge [sflag:s31], $0x3E80  }
0x253: {  	[sflag:s31] =	ssyncset.done $0x0  }
0x254: {  	[sflag:s31] =	ssyncadd.s32 $0xFFFFC180  }
0x255: {  	[tilespmem:s22], [sflag:$0x1] =	stream.indirect.gather [hbm4b:s0+s26], $0x80, s19, s26, $0xb8;
	[tilespmem:$0x1E000] =	vst v63  }
0x256: {  	_ = 	snop  }
0x257: {  	[spmem:s3] =	stream.indirect.scatter.add.f32 [tilespmem:s30], [sflag:$0x5], $0x80, s29, s26, $0xb8;
	[tilespmem:$0x1E000] =	vst v63  }
0x258: {  	_ =	swait.ge [sflag:s23], $0x3E80  }
0x259: {  	[sflag:s23] =	ssyncset.done $0x0  }
0x25a: {  	[sflag:s23] =	ssyncadd.s32 $0xFFFFC180  }
0x25b: {  	_ =	swait.ge [sflag:s28], $0x3E80  }
0x25c: {  	[sflag:s28] =	ssyncset.done $0x0  }
0x25d: {  	s19 =	simm.s32 $0x1480;
	[sflag:s28] =	ssyncadd.s32 $0xFFFFC180  }
0x25e: {  	[tilespmem:s30], [sflag:$0x2] =	stream.indirect.gather [hbm4b:s0+s26], $0x80, s19, s26, $0xb8;
	[tilespmem:$0x1E000] =	vst v63  }
0x25f: {  	s20 =	simm.s32 $0x1C00  }
0x260: {  	[spmem:s3] =	stream.indirect.scatter.add.f32 [tilespmem:s22], [sflag:$0x5], $0x80, s20, s26, $0xb8;
	[tilespmem:$0x1E000] =	vst v63  }
0x261: {  	_ =	swait.ge [sflag:s23], $0x3E80  }
0x262: {  	[sflag:s23] =	ssyncset.done $0x0  }
0x263: {  	[sflag:s23] =	ssyncadd.s32 $0xFFFFC180  }
0x264: {  	_ =	swait.ge [sflag:s31], $0x3E80  }
0x265: {  	[sflag:s31] =	ssyncset.done $0x0  }
0x266: {  	s29 =	simm.s32 $0x1500;
	[sflag:s31] =	ssyncadd.s32 $0xFFFFC180  }
0x267: {  	[tilespmem:s22], [sflag:$0x1] =	stream.indirect.gather [hbm4b:s0+s26], $0x80, s29, s26, $0xb8;
	[tilespmem:$0x1E000] =	vst v63  }
0x268: {  	s5 =	simm.s32 $0x1C80  }
0x269: {  	[spmem:s3] =	stream.indirect.scatter.add.f32 [tilespmem:s30], [sflag:$0x5], $0x80, s5, s26, $0xb8;
	[tilespmem:$0x1E000] =	vst v63  }
0x26a: {  	_ =	swait.ge [sflag:s23], $0x3E80  }
0x26b: {  	[sflag:s23] =	ssyncset.done $0x0  }
0x26c: {  	[sflag:s23] =	ssyncadd.s32 $0xFFFFC180  }
0x26d: {  	_ =	swait.ge [sflag:s28], $0x3E80  }
0x26e: {  	[sflag:s28] =	ssyncset.done $0x0  }
0x26f: {  	s18 =	simm.s32 $0x1580;
	[sflag:s28] =	ssyncadd.s32 $0xFFFFC180  }
0x270: {  	[tilespmem:s30], [sflag:$0x2] =	stream.indirect.gather [hbm4b:s0+s26], $0x80, s18, s26, $0xb8;
	[tilespmem:$0x1E000] =	vst v63  }
0x271: {  	s19 =	simm.s32 $0x1D00  }
0x272: {  	[spmem:s3] =	stream.indirect.scatter.add.f32 [tilespmem:s22], [sflag:$0x5], $0x80, s19, s26, $0xb8;
	[tilespmem:$0x1E000] =	vst v63  }
0x273: {  	_ =	swait.ge [sflag:s23], $0x3E80  }
0x274: {  	[sflag:s23] =	ssyncset.done $0x0  }
0x275: {  	[sflag:s23] =	ssyncadd.s32 $0xFFFFC180  }
0x276: {  	_ =	swait.ge [sflag:s31], $0x3E80  }
0x277: {  	[sflag:s31] =	ssyncset.done $0x0  }
0x278: {  	s20 =	simm.s32 $0x1600;
	[sflag:s31] =	ssyncadd.s32 $0xFFFFC180  }
0x279: {  	[tilespmem:s22], [sflag:$0x1] =	stream.indirect.gather [hbm4b:s0+s26], $0x80, s20, s26, $0xb8;
	[tilespmem:$0x1E000] =	vst v63  }
0x27a: {  	s29 =	simm.s32 $0x1D80  }
0x27b: {  	[spmem:s3] =	stream.indirect.scatter.add.f32 [tilespmem:s30], [sflag:$0x5], $0x80, s29, s26, $0xb8;
	[tilespmem:$0x1E000] =	vst v63  }
0x27c: {  	_ =	swait.ge [sflag:s23], $0x3E80  }
0x27d: {  	[sflag:s23] =	ssyncset.done $0x0  }
0x27e: {  	[sflag:s23] =	ssyncadd.s32 $0xFFFFC180  }
0x27f: {  	_ =	swait.ge [sflag:s28], $0x3E80  }
0x280: {  	[sflag:s28] =	ssyncset.done $0x0  }
0x281: {  	s5 =	simm.s32 $0x1680;
	[sflag:s28] =	ssyncadd.s32 $0xFFFFC180  }
0x282: {  	[tilespmem:s30], [sflag:$0x2] =	stream.indirect.gather [hbm4b:s0+s26], $0x80, s5, s26, $0xb8;
	[tilespmem:$0x1E000] =	vst v63  }
0x283: {  	s18 =	simm.s32 $0x1E00  }
0x284: {  	[spmem:s3] =	stream.indirect.scatter.add.f32 [tilespmem:s22], [sflag:$0x5], $0x80, s18, s26, $0xb8;
	[tilespmem:$0x1E000] =	vst v63  }
0x285: {  	_ =	swait.ge [sflag:s23], $0x3E80  }
0x286: {  	[sflag:s23] =	ssyncset.done $0x0  }
0x287: {  	[sflag:s23] =	ssyncadd.s32 $0xFFFFC180  }
0x288: {  	_ =	swait.ge [sflag:s31], $0x3E80  }
0x289: {  	[sflag:s31] =	ssyncset.done $0x0  }
0x28a: {  	s19 =	simm.s32 $0x1700;
	[sflag:s31] =	ssyncadd.s32 $0xFFFFC180  }
0x28b: {  	[tilespmem:s22], [sflag:$0x1] =	stream.indirect.gather [hbm4b:s0+s26], $0x80, s19, s26, $0xb8;
	[tilespmem:$0x1E000] =	vst v63  }
0x28c: {  	s20 =	simm.s32 $0x1E80  }
0x28d: {  	[spmem:s3] =	stream.indirect.scatter.add.f32 [tilespmem:s30], [sflag:$0x5], $0x80, s20, s26, $0xb8;
	[tilespmem:$0x1E000] =	vst v63  }
0x28e: {  	_ =	swait.ge [sflag:s23], $0x3E80  }
0x28f: {  	[sflag:s23] =	ssyncset.done $0x0  }
0x290: {  	[sflag:s23] =	ssyncadd.s32 $0xFFFFC180  }
0x291: {  	_ =	swait.ge [sflag:s28], $0x3E80  }
0x292: {  	[sflag:s28] =	ssyncset.done $0x0  }
0x293: {  	s29 =	simm.s32 $0x1780;
	[sflag:s28] =	ssyncadd.s32 $0xFFFFC180  }
0x294: {  	[tilespmem:s30], [sflag:$0x2] =	stream.indirect.gather [hbm4b:s0+s26], $0x80, s29, s26, $0xb8;
	[tilespmem:$0x1E000] =	vst v63  }
0x295: {  	s5 =	simm.s32 $0x1F00  }
0x296: {  	[spmem:s3] =	stream.indirect.scatter.add.f32 [tilespmem:s22], [sflag:$0x5], $0x80, s5, s26, $0xb8;
	[tilespmem:$0x1E000] =	vst v63  }
0x297: {  	_ =	swait.ge [sflag:s23], $0x3E80  }
0x298: {  	[sflag:s23] =	ssyncset.done $0x0  }
0x299: {  	[sflag:s23] =	ssyncadd.s32 $0xFFFFC180  }
0x29a: {  	_ =	swait.ge [sflag:s31], $0x3E80  }
0x29b: {  	[sflag:s31] =	ssyncset.done $0x0  }
0x29c: {  	s18 =	simm.s32 $0x1F80;
	[sflag:s31] =	ssyncadd.s32 $0xFFFFC180  }
0x29d: {  	[spmem:s3] =	stream.indirect.scatter.add.f32 [tilespmem:s30], [sflag:$0x5], $0x80, s18, s26, $0xb8;
	[tilespmem:$0x1E000] =	vst v63  }
0x29e: {  	_ =	swait.ge [sflag:s23], $0x3E80  }
0x29f: {  	[sflag:s23] =	ssyncset.done $0x0  }
0x2a0: {  	[sflag:s23] =	ssyncadd.s32 $0xFFFFC180  }
0x2a1: {  	_ =	swait.ge [sflag:s24], $0x1000  }
0x2a2: {  	[sflag:s24] =	ssyncset.done $0x0  }
0x2a3: {  	s4 =	simm.s32 $0x0;
	[sflag:s24] =	ssyncadd.s32 $0xFFFFF000  }
0x2a4: {  	[tilespmem:s22], [sflag:$0x1] =	stream.indirect.gather [hbm4b:s0+s26], $0x80, s4, s26, $0xb8;
	[tilespmem:$0x1E000] =	vst v63  }
0x2a5: {  	_ =	swait.ge [sflag:s28], $0x3E80  }
0x2a6: {  	[sflag:s28] =	ssyncset.done $0x0  }
0x2a7: {  	s19 =	simm.s32 $0x80;
	[sflag:s28] =	ssyncadd.s32 $0xFFFFC180  }
0x2a8: {  	[tilespmem:s30], [sflag:$0x2] =	stream.indirect.gather [hbm4b:s0+s26], $0x80, s19, s26, $0xb8;
	[tilespmem:$0x1E000] =	vst v63  }
0x2a9: {  	s2 =	simm.s32 $0x800  }
0x2aa: {  	[spmem:s3] =	stream.indirect.scatter.add.f32 [tilespmem:s22], [sflag:$0x5], $0x80, s2, s26, $0xb8;
	[tilespmem:$0x1E000] =	vst v63  }
0x2ab: {  	_ =	swait.ge [sflag:s23], $0x3E80  }
0x2ac: {  	[sflag:s23] =	ssyncset.done $0x0  }
0x2ad: {  	[sflag:s23] =	ssyncadd.s32 $0xFFFFC180  }
0x2ae: {  	_ =	swait.ge [sflag:s31], $0x3E80  }
0x2af: {  	[sflag:s31] =	ssyncset.done $0x0  }
0x2b0: {  	s20 =	simm.s32 $0x100;
	[sflag:s31] =	ssyncadd.s32 $0xFFFFC180  }
0x2b1: {  	[tilespmem:s22], [sflag:$0x1] =	stream.indirect.gather [hbm4b:s0+s26], $0x80, s20, s26, $0xb8;
	[tilespmem:$0x1E000] =	vst v63  }
0x2b2: {  	s29 =	simm.s32 $0x880  }
0x2b3: {  	[spmem:s3] =	stream.indirect.scatter.add.f32 [tilespmem:s30], [sflag:$0x5], $0x80, s29, s26, $0xb8;
	[tilespmem:$0x1E000] =	vst v63  }
0x2b4: {  	_ =	swait.ge [sflag:s23], $0x3E80  }
0x2b5: {  	[sflag:s23] =	ssyncset.done $0x0  }
0x2b6: {  	[sflag:s23] =	ssyncadd.s32 $0xFFFFC180  }
0x2b7: {  	_ =	swait.ge [sflag:s28], $0x3E80  }
0x2b8: {  	[sflag:s28] =	ssyncset.done $0x0  }
0x2b9: {  	s5 =	simm.s32 $0x180;
	[sflag:s28] =	ssyncadd.s32 $0xFFFFC180  }
0x2ba: {  	[tilespmem:s30], [sflag:$0x2] =	stream.indirect.gather [hbm4b:s0+s26], $0x80, s5, s26, $0xb8;
	[tilespmem:$0x1E000] =	vst v63  }
0x2bb: {  	s18 =	simm.s32 $0x900  }
0x2bc: {  	[spmem:s3] =	stream.indirect.scatter.add.f32 [tilespmem:s22], [sflag:$0x5], $0x80, s18, s26, $0xb8;
	[tilespmem:$0x1E000] =	vst v63  }
0x2bd: {  	_ =	swait.ge [sflag:s23], $0x3E80  }
0x2be: {  	[sflag:s23] =	ssyncset.done $0x0  }
0x2bf: {  	[sflag:s23] =	ssyncadd.s32 $0xFFFFC180  }
0x2c0: {  	_ =	swait.ge [sflag:s31], $0x3E80  }
0x2c1: {  	[sflag:s31] =	ssyncset.done $0x0  }
0x2c2: {  	s19 =	simm.s32 $0x200;
	[sflag:s31] =	ssyncadd.s32 $0xFFFFC180  }
0x2c3: {  	[tilespmem:s22], [sflag:$0x1] =	stream.indirect.gather [hbm4b:s0+s26], $0x80, s19, s26, $0xb8;
	[tilespmem:$0x1E000] =	vst v63  }
0x2c4: {  	s20 =	simm.s32 $0x980  }
0x2c5: {  	[spmem:s3] =	stream.indirect.scatter.add.f32 [tilespmem:s30], [sflag:$0x5], $0x80, s20, s26, $0xb8;
	[tilespmem:$0x1E000] =	vst v63  }
0x2c6: {  	_ =	swait.ge [sflag:s23], $0x3E80  }
0x2c7: {  	[sflag:s23] =	ssyncset.done $0x0  }
0x2c8: {  	[sflag:s23] =	ssyncadd.s32 $0xFFFFC180  }
0x2c9: {  	_ =	swait.ge [sflag:s28], $0x3E80  }
0x2ca: {  	[sflag:s28] =	ssyncset.done $0x0  }
0x2cb: {  	s29 =	simm.s32 $0x280;
	[sflag:s28] =	ssyncadd.s32 $0xFFFFC180  }
0x2cc: {  	[tilespmem:s30], [sflag:$0x2] =	stream.indirect.gather [hbm4b:s0+s26], $0x80, s29, s26, $0xb8;
	[tilespmem:$0x1E000] =	vst v63  }
0x2cd: {  	s18 =	simm.s32 $0xA00  }
0x2ce: {  	[spmem:s3] =	stream.indirect.scatter.add.f32 [tilespmem:s22], [sflag:$0x5], $0x80, s18, s26, $0xb8;
	[tilespmem:$0x1E000] =	vst v63  }
0x2cf: {  	_ =	swait.ge [sflag:s23], $0x3E80  }
0x2d0: {  	[sflag:s23] =	ssyncset.done $0x0  }
0x2d1: {  	[sflag:s23] =	ssyncadd.s32 $0xFFFFC180  }
0x2d2: {  	_ =	swait.ge [sflag:s31], $0x3E80  }
0x2d3: {  	[sflag:s31] =	ssyncset.done $0x0  }
0x2d4: {  	s19 =	simm.s32 $0x300;
	[sflag:s31] =	ssyncadd.s32 $0xFFFFC180  }
0x2d5: {  	[tilespmem:s22], [sflag:$0x1] =	stream.indirect.gather [hbm4b:s0+s26], $0x80, s19, s26, $0xb8;
	[tilespmem:$0x1E000] =	vst v63  }
0x2d6: {  	s20 =	simm.s32 $0xA80  }
0x2d7: {  	[spmem:s3] =	stream.indirect.scatter.add.f32 [tilespmem:s30], [sflag:$0x5], $0x80, s20, s26, $0xb8;
	[tilespmem:$0x1E000] =	vst v63  }
0x2d8: {  	_ =	swait.ge [sflag:s23], $0x3E80  }
0x2d9: {  	[sflag:s23] =	ssyncset.done $0x0  }
0x2da: {  	[sflag:s23] =	ssyncadd.s32 $0xFFFFC180  }
0x2db: {  	_ =	swait.ge [sflag:s28], $0x3E80  }
0x2dc: {  	[sflag:s28] =	ssyncset.done $0x0  }
0x2dd: {  	s29 =	simm.s32 $0x380;
	[sflag:s28] =	ssyncadd.s32 $0xFFFFC180  }
0x2de: {  	[tilespmem:s30], [sflag:$0x2] =	stream.indirect.gather [hbm4b:s0+s26], $0x80, s29, s26, $0xb8;
	[tilespmem:$0x1E000] =	vst v63  }
0x2df: {  	s18 =	simm.s32 $0xB00  }
0x2e0: {  	[spmem:s3] =	stream.indirect.scatter.add.f32 [tilespmem:s22], [sflag:$0x5], $0x80, s18, s26, $0xb8;
	[tilespmem:$0x1E000] =	vst v63  }
0x2e1: {  	_ =	swait.ge [sflag:s23], $0x3E80  }
0x2e2: {  	[sflag:s23] =	ssyncset.done $0x0  }
0x2e3: {  	[sflag:s23] =	ssyncadd.s32 $0xFFFFC180  }
0x2e4: {  	_ =	swait.ge [sflag:s31], $0x3E80  }
0x2e5: {  	[sflag:s31] =	ssyncset.done $0x0  }
0x2e6: {  	s19 =	simm.s32 $0x400;
	[sflag:s31] =	ssyncadd.s32 $0xFFFFC180  }
0x2e7: {  	[tilespmem:s22], [sflag:$0x1] =	stream.indirect.gather [hbm4b:s0+s26], $0x80, s19, s26, $0xb8;
	[tilespmem:$0x1E000] =	vst v63  }
0x2e8: {  	s20 =	simm.s32 $0xB80  }
0x2e9: {  	[spmem:s3] =	stream.indirect.scatter.add.f32 [tilespmem:s30], [sflag:$0x5], $0x80, s20, s26, $0xb8;
	[tilespmem:$0x1E000] =	vst v63  }
0x2ea: {  	_ =	swait.ge [sflag:s23], $0x3E80  }
0x2eb: {  	[sflag:s23] =	ssyncset.done $0x0  }
0x2ec: {  	[sflag:s23] =	ssyncadd.s32 $0xFFFFC180  }
0x2ed: {  	_ =	swait.ge [sflag:s28], $0x3E80  }
0x2ee: {  	[sflag:s28] =	ssyncset.done $0x0  }
0x2ef: {  	s29 =	simm.s32 $0x480;
	[sflag:s28] =	ssyncadd.s32 $0xFFFFC180  }
0x2f0: {  	[tilespmem:s30], [sflag:$0x2] =	stream.indirect.gather [hbm4b:s0+s26], $0x80, s29, s26, $0xb8;
	[tilespmem:$0x1E000] =	vst v63  }
0x2f1: {  	s18 =	simm.s32 $0xC00  }
0x2f2: {  	[spmem:s3] =	stream.indirect.scatter.add.f32 [tilespmem:s22], [sflag:$0x5], $0x80, s18, s26, $0xb8;
	[tilespmem:$0x1E000] =	vst v63  }
0x2f3: {  	_ =	swait.ge [sflag:s23], $0x3E80  }
0x2f4: {  	[sflag:s23] =	ssyncset.done $0x0  }
0x2f5: {  	[sflag:s23] =	ssyncadd.s32 $0xFFFFC180  }
0x2f6: {  	_ =	swait.ge [sflag:s31], $0x3E80  }
0x2f7: {  	[sflag:s31] =	ssyncset.done $0x0  }
0x2f8: {  	s19 =	simm.s32 $0x500;
	[sflag:s31] =	ssyncadd.s32 $0xFFFFC180  }
0x2f9: {  	[tilespmem:s22], [sflag:$0x1] =	stream.indirect.gather [hbm4b:s0+s26], $0x80, s19, s26, $0xb8;
	[tilespmem:$0x1E000] =	vst v63  }
0x2fa: {  	s20 =	simm.s32 $0xC80  }
0x2fb: {  	[spmem:s3] =	stream.indirect.scatter.add.f32 [tilespmem:s30], [sflag:$0x5], $0x80, s20, s26, $0xb8;
	[tilespmem:$0x1E000] =	vst v63  }
0x2fc: {  	_ =	swait.ge [sflag:s23], $0x3E80  }
0x2fd: {  	[sflag:s23] =	ssyncset.done $0x0  }
0x2fe: {  	[sflag:s23] =	ssyncadd.s32 $0xFFFFC180  }
0x2ff: {  	_ =	swait.ge [sflag:s28], $0x3E80  }
0x300: {  	[sflag:s28] =	ssyncset.done $0x0  }
0x301: {  	s29 =	simm.s32 $0x580;
	[sflag:s28] =	ssyncadd.s32 $0xFFFFC180  }
0x302: {  	[tilespmem:s30], [sflag:$0x2] =	stream.indirect.gather [hbm4b:s0+s26], $0x80, s29, s26, $0xb8;
	[tilespmem:$0x1E000] =	vst v63  }
0x303: {  	s18 =	simm.s32 $0xD00  }
0x304: {  	[spmem:s3] =	stream.indirect.scatter.add.f32 [tilespmem:s22], [sflag:$0x5], $0x80, s18, s26, $0xb8;
	[tilespmem:$0x1E000] =	vst v63  }
0x305: {  	_ =	swait.ge [sflag:s23], $0x3E80  }
0x306: {  	[sflag:s23] =	ssyncset.done $0x0  }
0x307: {  	[sflag:s23] =	ssyncadd.s32 $0xFFFFC180  }
0x308: {  	_ =	swait.ge [sflag:s31], $0x3E80  }
0x309: {  	[sflag:s31] =	ssyncset.done $0x0  }
0x30a: {  	s19 =	simm.s32 $0x600;
	[sflag:s31] =	ssyncadd.s32 $0xFFFFC180  }
0x30b: {  	[tilespmem:s22], [sflag:$0x1] =	stream.indirect.gather [hbm4b:s0+s26], $0x80, s19, s26, $0xb8;
	[tilespmem:$0x1E000] =	vst v63  }
0x30c: {  	s20 =	simm.s32 $0xD80  }
0x30d: {  	[spmem:s3] =	stream.indirect.scatter.add.f32 [tilespmem:s30], [sflag:$0x5], $0x80, s20, s26, $0xb8;
	[tilespmem:$0x1E000] =	vst v63  }
0x30e: {  	_ =	swait.ge [sflag:s23], $0x3E80  }
0x30f: {  	[sflag:s23] =	ssyncset.done $0x0  }
0x310: {  	[sflag:s23] =	ssyncadd.s32 $0xFFFFC180  }
0x311: {  	_ =	swait.ge [sflag:s28], $0x3E80  }
0x312: {  	[sflag:s28] =	ssyncset.done $0x0  }
0x313: {  	s29 =	simm.s32 $0x680;
	[sflag:s28] =	ssyncadd.s32 $0xFFFFC180  }
0x314: {  	[tilespmem:s30], [sflag:$0x2] =	stream.indirect.gather [hbm4b:s0+s26], $0x80, s29, s26, $0xb8;
	[tilespmem:$0x1E000] =	vst v63  }
0x315: {  	s18 =	simm.s32 $0xE00  }
0x316: {  	[spmem:s3] =	stream.indirect.scatter.add.f32 [tilespmem:s22], [sflag:$0x5], $0x80, s18, s26, $0xb8;
	[tilespmem:$0x1E000] =	vst v63  }
0x317: {  	_ =	swait.ge [sflag:s23], $0x3E80  }
0x318: {  	[sflag:s23] =	ssyncset.done $0x0  }
0x319: {  	[sflag:s23] =	ssyncadd.s32 $0xFFFFC180  }
0x31a: {  	_ =	swait.ge [sflag:s31], $0x3E80  }
0x31b: {  	[sflag:s31] =	ssyncset.done $0x0  }
0x31c: {  	s19 =	simm.s32 $0x700;
	[sflag:s31] =	ssyncadd.s32 $0xFFFFC180  }
0x31d: {  	[tilespmem:s22], [sflag:$0x1] =	stream.indirect.gather [hbm4b:s0+s26], $0x80, s19, s26, $0xb8;
	[tilespmem:$0x1E000] =	vst v63  }
0x31e: {  	s20 =	simm.s32 $0xE80  }
0x31f: {  	[spmem:s3] =	stream.indirect.scatter.add.f32 [tilespmem:s30], [sflag:$0x5], $0x80, s20, s26, $0xb8;
	[tilespmem:$0x1E000] =	vst v63  }
0x320: {  	_ =	swait.ge [sflag:s23], $0x3E80  }
0x321: {  	[sflag:s23] =	ssyncset.done $0x0  }
0x322: {  	[sflag:s23] =	ssyncadd.s32 $0xFFFFC180  }
0x323: {  	_ =	swait.ge [sflag:s28], $0x3E80  }
0x324: {  	[sflag:s28] =	ssyncset.done $0x0  }
0x325: {  	s29 =	simm.s32 $0x780;
	[sflag:s28] =	ssyncadd.s32 $0xFFFFC180  }
0x326: {  	[tilespmem:s30], [sflag:$0x2] =	stream.indirect.gather [hbm4b:s0+s26], $0x80, s29, s26, $0xb8;
	[tilespmem:$0x1E000] =	vst v63  }
0x327: {  	s18 =	simm.s32 $0xF00  }
0x328: {  	[spmem:s3] =	stream.indirect.scatter.add.f32 [tilespmem:s22], [sflag:$0x5], $0x80, s18, s26, $0xb8;
	[tilespmem:$0x1E000] =	vst v63  }
0x329: {  	_ =	swait.ge [sflag:s23], $0x3E80  }
0x32a: {  	[sflag:s23] =	ssyncset.done $0x0  }
0x32b: {  	[sflag:s23] =	ssyncadd.s32 $0xFFFFC180  }
0x32c: {  	_ =	swait.ge [sflag:s31], $0x3E80  }
0x32d: {  	[sflag:s31] =	ssyncset.done $0x0  }
0x32e: {  	s19 =	simm.s32 $0xF80;
	[sflag:s31] =	ssyncadd.s32 $0xFFFFC180  }
0x32f: {  	[spmem:s3] =	stream.indirect.scatter.add.f32 [tilespmem:s30], [sflag:$0x5], $0x80, s19, s26, $0xb8;
	[tilespmem:$0x1E000] =	vst v63  }
0x330: {  	_ =	swait.ge [sflag:s23], $0x3E80  }
0x331: {  	[sflag:s23] =	ssyncset.done $0x0  }
0x332: {  	[sflag:s23] =	ssyncadd.s32 $0xFFFFC180  }
0x333: {  	s20 =	stileid.u32;
	[bflag:$0x0] =	sbarrier.arrive $0xFFFF  }
0x334: {  	s18 =	sshll.u32 s20, $0x6;
	s29 =	rddreg [dreg:$0x13]  }
0x335: {  	s18 =	sor.u32 $0x1C05, s18;
	s20 =	rddreg [dreg:$0x11];
	s5 =	sshrl.u32 s29, $0x3  }
0x336: {  	[hbm:s20], [sflag:s18] =	dma.local [spmem:s5], $0x2800  }
0x337: {  	_ =	swait.ge [sflag:s23], $0x2800  }
0x338: {  	s17 =	sadd.s32 $0x1, s17;
	s29 =	rddreg [dreg:$0x12]  }
0x339: {  	p0 =	sne.s32 s17, s29  }
.Ltmp1:
0x33a: {  	_ = 	snop;
	(pc) =	sbr.rel @p0 .LBB2_1-.Ltmp1, $3  }
0x33b: {  	_ =	sdelay $0x1  }
0x33c: {  	[sflag:s23] =	ssyncset.done $0x0  }
0x33d: {  	s1 =	simm.s32 $0x50000;
	[sflag:s23] =	ssyncadd.s32 $0xFFFFD800  }
0x33e: {  	_ =	sfence.sel $0x180000  }
0x33f: {  	[bflag:$0x0] =	sbarrier.arrive $0xFFFF  }
0x340: {  	_ =	strace $0x90000047  }
0x341: {  	s0 =	stileid.u32;
	[bflag:$0x2] =	sbarrier.arrive $0xFFFF  }
0x342: {  	p0 =	sne.s32 s0, $0x0;
	s0 =	rddreg [dreg:$0x4]  }
0x343: {  	s0 =	sadd.s32 @!p0 $0x100000, s0  }
0x344: {  	[sflag:s0] =	ssyncadd.tile.s32 @!p0 $0x1;
	_ =	shalt  }
.Lfunc_end2:
_tile_overlayer_lowered:
.L_overlay_start_2:
0x345: {  	(tag) =	ssettag $0x2  }
0x346: {  	s0 =	rddreg [dreg:$0x0];
	s2 =	stileid.u32  }
0x347: {  	s1 =	rddreg [dreg:$0x1];
	p0 =	sne.s32 s2, $0x0  }
0x348: {  	s3 =	rddreg [dreg:$0x2];
	[bflag:$0x3] =	sbarrier.arrive $0xFFFF;
	s2 =	simm.s32 @!p0 $0x1C05  }
0x349: {  	[timem:s3], [sflag:s2] =	dma.local @!p0 [hbm:s0], s1  }
0x34a: {  	s0 =	simm.s32 @!p0 $0x5  }
0x34b: {  	_ =	swait.ge @!p0 [sflag:s0], s1  }
0x34c: {  	s1 =	ssub.s32 @!p0 $0x0, s1;
	[sflag:s0] =	ssyncset.done @!p0 $0x0  }
0x34d: {  	[sflag:s0] =	ssyncadd.s32 @!p0 s1  }
0x34e: {  	[bflag:$0x3] =	sbarrier.arrive $0xFFFF  }
0x34f: {  	_ =	shalt  }

</sc_bundles>
